<compile_context>
chip_gen: v7x
topology: tpu7x:2x2x1
jax: 0.10.2.dev20260603
libtpu: 0.0.44.dev20260713+nightly
codegen_flags: <defaults>
</compile_context>

<pallas_src>
import functools

import jax
import jax.numpy as jnp
from jax import lax
from jax.experimental import pallas as pl
from jax.experimental.pallas import tpu as pltpu
from jax.experimental.pallas import tpu_sc as plsc

EMBED_DIM = 64
BTILE = 128
LANES = 16


@functools.cache
def _make_kernel(batch, hist):
    info = plsc.get_sparse_core_info()
    num_cores, num_subcores = info.num_cores, info.num_subcores
    num_workers = num_cores * num_subcores
    n_btiles = batch // BTILE
    assert n_btiles == num_workers and hist % 2 == 0
    dgroups = EMBED_DIM // 8

    mesh = plsc.VectorSubcoreMesh(core_axis_name="c", subcore_axis_name="s")

    @functools.partial(
        pl.kernel,
        mesh=mesh,
        out_type=jax.ShapeDtypeStruct(
            (hist, dgroups, n_btiles, 8, BTILE), jnp.float32
        ),
        scratch_types=[
            pltpu.VMEM((hist, BTILE), jnp.int32),
            pltpu.VMEM((2, BTILE, EMBED_DIM), jnp.float32),
            pltpu.VMEM((2, dgroups, 8, BTILE + 1), jnp.float32),
        ]
        + [pltpu.SemaphoreType.DMA] * 4,
        compiler_params=pltpu.CompilerParams(
            use_tc_tiling_on_sc=False, needs_layout_passes=False
        ),
    )
    def emb_kernel(xt_hbm, table_hbm, out_hbm, idx_v, rows_v, tr_v, *sems):
        gsem, wsem = sems[:2], sems[2:]
        wid = lax.axis_index("s") * num_cores + lax.axis_index("c")
        pltpu.sync_copy(xt_hbm.at[:, pl.ds(wid * BTILE, BTILE)], idx_v)

        dbase = lax.iota(jnp.int32, LANES)
        dgv = [
            lax.shift_right_logical(dbase + k * LANES, 3)
            for k in range(EMBED_DIM // LANES)
        ]
        dlv = [
            lax.bitwise_and(dbase + k * LANES, 7)
            for k in range(EMBED_DIM // LANES)
        ]

        def gather(h, p):
            return pltpu.make_async_copy(
                table_hbm.at[idx_v.at[h]], rows_v.at[p], gsem[p]
            )

        def wcopy(h, p, dg):
            return pltpu.make_async_copy(
                tr_v.at[p, dg, :, pl.ds(0, BTILE)], out_hbm.at[h, dg, wid], wsem[p]
            )

        def transpose(p):
            @plsc.parallel_loop(0, BTILE, step=2)
            def rbody(b0):
                for i in range(2):
                    b = b0 + i
                    bv = jnp.zeros((LANES,), jnp.int32) + b
                    for k in range(EMBED_DIM // LANES):
                        vals = rows_v[p, b, pl.ds(k * LANES, LANES)]
                        plsc.store_scatter(
                            tr_v.at[p], [dgv[k], dlv[k], bv], vals
                        )

        def write_start(h, p):
            for dg in range(dgroups):
                wcopy(h, p, dg).start()

        def write_wait(h, p):
            for dg in range(dgroups):
                wcopy(h, p, dg).wait()

        n_groups = hist // 2
        gather(0, 0).start()
        gather(1, 1).start()

        def body(g, carry):
            for p in range(2):
                h = 2 * g + p
                gather(h, p).wait()

                @pl.when(g > 0)
                def _():
                    write_wait(h - 2, p)

                transpose(p)
                write_start(h, p)

                @pl.when(g < n_groups - 1)
                def _():
                    gather(h + 2, p).start()

            return carry

        lax.fori_loop(0, n_groups, body, 0)

        for p in range(2):
            write_wait(hist - 2 + p, p)

    return emb_kernel


def kernel(x, table):
    batch, hist = x.shape
    out5 = _make_kernel(batch, hist)(x.T, table)
    return jnp.transpose(out5, (2, 4, 0, 1, 3)).reshape(batch, hist, EMBED_DIM)

# --- scband reference (transcript-rebuilt; emitter-appended) ---
"""Pipeline reference for scband-embedding-18098992185446 (READ-ONLY COPY).

The authoritative reference and input builder live on the scoring server;
editing this copy changes nothing except your own understanding.
"""

import jax, jax.numpy as jnp
import numpy as np

VOCAB = 100000
EMBED_DIM = 64
BATCH = 4096
HIST = 50


def setup_inputs(seed: int = 0) -> dict:
    key = jax.random.key(seed)
    k_idx, k_tab = jax.random.split(key)
    x = jax.random.randint(k_idx, (BATCH, HIST), 0, VOCAB, dtype=jnp.int32)
    # nn.Embedding default init: N(0, 1)
    table = jax.random.normal(k_tab, (VOCAB, EMBED_DIM), dtype=jnp.float32)
    return {"x": x, "table": table}


def reference(x, table):
    # Embedding lookup: gather rows of table by index
    return jnp.take(table, x, axis=0)

if __name__ == "__main__":
    import jax
    _d = setup_inputs()
    print(jax.jit(kernel)(*tuple(_d.values())))

</pallas_src>

<mosaic_0001>
#map = affine_map<(d0, d1) -> (0, 0)>
#map1 = affine_map<(d0, d1) -> (0, 0, 0, 0, 0)>
module attributes {stable_mosaic.version = 14 : i64} {
  func.func @emb_kernel(%arg0: i32, %arg1: i32, %arg2: memref<50x4096xi32, #tpu.memory_space<hbm>>, %arg3: memref<100000x64xf32, #tpu.memory_space<hbm>>, %arg4: memref<50x8x32x8x128xf32, #tpu.memory_space<hbm>>, %arg5: memref<50x128xi32, #tpu.memory_space<vmem>>, %arg6: memref<2x128x64xf32, #tpu.memory_space<vmem>>, %arg7: memref<2x8x8x129xf32, #tpu.memory_space<vmem>>, %arg8: memref<!tpu.dma_semaphore, #tpu.memory_space<semaphore_mem>>, %arg9: memref<!tpu.dma_semaphore, #tpu.memory_space<semaphore_mem>>, %arg10: memref<!tpu.dma_semaphore, #tpu.memory_space<semaphore_mem>>, %arg11: memref<!tpu.dma_semaphore, #tpu.memory_space<semaphore_mem>>) attributes {dimension_semantics = [#tpu.dimension_semantics<core_parallel>, #tpu.dimension_semantics<subcore_parallel>], iteration_bounds = array<i64: 2, 16>, scalar_prefetch = 0 : i64, scratch_operands = 7 : i64, tpu.core_type = #tpu.core_type<sc_vector_subcore>, window_params = [{transform_indices = #map}, {transform_indices = #map}, {transform_indices = #map1}]} {
    %mul3A = arith.constant 2 : i32
    %mul3A_0 = arith.muli %arg1, %mul3A : i32
    %add3A = arith.addi %mul3A_0, %arg0 : i32
    %mul3A_1 = arith.constant 128 : i32
    %mul3A_2 = arith.muli %add3A, %mul3A_1 : i32
    "tpu.region"() ({
      %run_scoped3A = tpu.sem_alloc : memref<!tpu.dma_semaphore, #tpu.memory_space<semaphore_mem>>
      %dma_start3A_396 = arith.constant 0 : i32
      %dma_start3A_397 = tpu.memref_slice %arg2[%dma_start3A_396, %mul3A_2] : memref<50x4096xi32, #tpu.memory_space<hbm>> -> memref<50x128xi32, #tpu.memory_space<hbm>>
      %dma_start3A_398 = arith.constant 0 : i32
      %dma_start3A_399 = tpu.memref_slice %arg2[%dma_start3A_398, %mul3A_2] : memref<50x4096xi32, #tpu.memory_space<hbm>> -> memref<50x128xi32, #tpu.memory_space<hbm>>
      tpu.enqueue_dma source(%dma_start3A_399 : memref<50x128xi32, #tpu.memory_space<hbm>>) target(%arg5 : memref<50x128xi32, #tpu.memory_space<vmem>>) target_semaphore(%run_scoped3A : memref<!tpu.dma_semaphore, #tpu.memory_space<semaphore_mem>>)
      %dma_wait3A_400 = arith.constant 0 : i32
      %dma_wait3A_401 = tpu.memref_slice %arg2[%dma_wait3A_400, %mul3A_2] : memref<50x4096xi32, #tpu.memory_space<hbm>> -> memref<50x128xi32, #tpu.memory_space<hbm>>
      %dma_wait3A_402 = arith.constant 0 : i32
      %dma_wait3A_403 = tpu.memref_slice %arg2[%dma_wait3A_402, %mul3A_2] : memref<50x4096xi32, #tpu.memory_space<hbm>> -> memref<50x128xi32, #tpu.memory_space<hbm>>
      tpu.wait_dma2 semaphore(%run_scoped3A : memref<!tpu.dma_semaphore, #tpu.memory_space<semaphore_mem>>) src(%dma_wait3A_403 : memref<50x128xi32, #tpu.memory_space<hbm>>) dst(%arg5 : memref<50x128xi32, #tpu.memory_space<vmem>>)
      tpu.yield
    }) : () -> ()
    %iota3A = tpu.iota {dimensions = array<i32: 0>} : vector<16xi32>
    %add3A_3 = arith.constant 0 : i32
    %add3A_4 = vector.broadcast %add3A_3 : i32 to vector<16xi32>
    %add3A_5 = arith.addi %iota3A, %add3A_4 : vector<16xi32>
    %shift_right_logical3A = arith.constant 3 : i32
    %shift_right_logical3A_6 = vector.broadcast %shift_right_logical3A : i32 to vector<16xi32>
    %shift_right_logical3A_7 = arith.shrui %add3A_5, %shift_right_logical3A_6 : vector<16xi32>
    %add3A_8 = arith.constant 16 : i32
    %add3A_9 = vector.broadcast %add3A_8 : i32 to vector<16xi32>
    %add3A_10 = arith.addi %iota3A, %add3A_9 : vector<16xi32>
    %shift_right_logical3A_11 = arith.constant 3 : i32
    %shift_right_logical3A_12 = vector.broadcast %shift_right_logical3A_11 : i32 to vector<16xi32>
    %shift_right_logical3A_13 = arith.shrui %add3A_10, %shift_right_logical3A_12 : vector<16xi32>
    %add3A_14 = arith.constant 32 : i32
    %add3A_15 = vector.broadcast %add3A_14 : i32 to vector<16xi32>
    %add3A_16 = arith.addi %iota3A, %add3A_15 : vector<16xi32>
    %shift_right_logical3A_17 = arith.constant 3 : i32
    %shift_right_logical3A_18 = vector.broadcast %shift_right_logical3A_17 : i32 to vector<16xi32>
    %shift_right_logical3A_19 = arith.shrui %add3A_16, %shift_right_logical3A_18 : vector<16xi32>
    %add3A_20 = arith.constant 48 : i32
    %add3A_21 = vector.broadcast %add3A_20 : i32 to vector<16xi32>
    %add3A_22 = arith.addi %iota3A, %add3A_21 : vector<16xi32>
    %shift_right_logical3A_23 = arith.constant 3 : i32
    %shift_right_logical3A_24 = vector.broadcast %shift_right_logical3A_23 : i32 to vector<16xi32>
    %shift_right_logical3A_25 = arith.shrui %add3A_22, %shift_right_logical3A_24 : vector<16xi32>
    %add3A_26 = arith.constant 0 : i32
    %add3A_27 = vector.broadcast %add3A_26 : i32 to vector<16xi32>
    %add3A_28 = arith.addi %iota3A, %add3A_27 : vector<16xi32>
    %and3A = arith.constant 7 : i32
    %and3A_29 = vector.broadcast %and3A : i32 to vector<16xi32>
    %and3A_30 = arith.andi %add3A_28, %and3A_29 : vector<16xi32>
    %add3A_31 = arith.constant 16 : i32
    %add3A_32 = vector.broadcast %add3A_31 : i32 to vector<16xi32>
    %add3A_33 = arith.addi %iota3A, %add3A_32 : vector<16xi32>
    %and3A_34 = arith.constant 7 : i32
    %and3A_35 = vector.broadcast %and3A_34 : i32 to vector<16xi32>
    %and3A_36 = arith.andi %add3A_33, %and3A_35 : vector<16xi32>
    %add3A_37 = arith.constant 32 : i32
    %add3A_38 = vector.broadcast %add3A_37 : i32 to vector<16xi32>
    %add3A_39 = arith.addi %iota3A, %add3A_38 : vector<16xi32>
    %and3A_40 = arith.constant 7 : i32
    %and3A_41 = vector.broadcast %and3A_40 : i32 to vector<16xi32>
    %and3A_42 = arith.andi %add3A_39, %and3A_41 : vector<16xi32>
    %add3A_43 = arith.constant 48 : i32
    %add3A_44 = vector.broadcast %add3A_43 : i32 to vector<16xi32>
    %add3A_45 = arith.addi %iota3A, %add3A_44 : vector<16xi32>
    %and3A_46 = arith.constant 7 : i32
    %and3A_47 = vector.broadcast %and3A_46 : i32 to vector<16xi32>
    %and3A_48 = arith.andi %add3A_45, %and3A_47 : vector<16xi32>
    %dma_start3A = arith.constant 0 : i32
    %dma_start3A_49 = arith.constant 0 : i32
    %dma_start3A_50 = arith.constant 0 : i32
    %dma_start3A_51 = arith.constant 0 : i32
    %dma_start3A_52 = tpu.memref_slice %arg6[%dma_start3A_49, %dma_start3A_50, %dma_start3A_51] : memref<2x128x64xf32, #tpu.memory_space<vmem>> -> memref<1x128x64xf32, #tpu.memory_space<vmem>>
    %dma_start3A_53 = tpu.memref_squeeze %dma_start3A_52 : memref<1x128x64xf32, #tpu.memory_space<vmem>> -> memref<128x64xf32, #tpu.memory_space<vmem>>
    %dma_start3A_54 = arith.constant 0 : i32
    %dma_start3A_55 = tpu.memref_slice %arg5[%dma_start3A, %dma_start3A_54] : memref<50x128xi32, #tpu.memory_space<vmem>> -> memref<1x128xi32, #tpu.memory_space<vmem>>
    %dma_start3A_56 = tpu.memref_squeeze %dma_start3A_55 : memref<1x128xi32, #tpu.memory_space<vmem>> -> memref<128xi32, #tpu.memory_space<vmem>>
    %dma_start3A_57 = arith.constant 0 : i32
    %dma_start3A_58 = arith.constant 0 : i32
    %dma_start3A_59 = tpu.memref_slice %arg3[%dma_start3A_57, %dma_start3A_58] : memref<100000x64xf32, #tpu.memory_space<hbm>> -> memref<100000x64xf32, #tpu.memory_space<hbm>>
    tpu.enqueue_indirect_dma source(%dma_start3A_59 : memref<100000x64xf32, #tpu.memory_space<hbm>>) target(%dma_start3A_53 : memref<128x64xf32, #tpu.memory_space<vmem>>) offsets(%dma_start3A_56 : memref<128xi32, #tpu.memory_space<vmem>>) semaphore(%arg8 : memref<!tpu.dma_semaphore, #tpu.memory_space<semaphore_mem>>)
    %dma_start3A_60 = arith.constant 1 : i32
    %dma_start3A_61 = arith.constant 1 : i32
    %dma_start3A_62 = arith.constant 0 : i32
    %dma_start3A_63 = arith.constant 0 : i32
    %dma_start3A_64 = tpu.memref_slice %arg6[%dma_start3A_61, %dma_start3A_62, %dma_start3A_63] : memref<2x128x64xf32, #tpu.memory_space<vmem>> -> memref<1x128x64xf32, #tpu.memory_space<vmem>>
    %dma_start3A_65 = tpu.memref_squeeze %dma_start3A_64 : memref<1x128x64xf32, #tpu.memory_space<vmem>> -> memref<128x64xf32, #tpu.memory_space<vmem>>
    %dma_start3A_66 = arith.constant 0 : i32
    %dma_start3A_67 = tpu.memref_slice %arg5[%dma_start3A_60, %dma_start3A_66] : memref<50x128xi32, #tpu.memory_space<vmem>> -> memref<1x128xi32, #tpu.memory_space<vmem>>
    %dma_start3A_68 = tpu.memref_squeeze %dma_start3A_67 : memref<1x128xi32, #tpu.memory_space<vmem>> -> memref<128xi32, #tpu.memory_space<vmem>>
    %dma_start3A_69 = arith.constant 0 : i32
    %dma_start3A_70 = arith.constant 0 : i32
    %dma_start3A_71 = tpu.memref_slice %arg3[%dma_start3A_69, %dma_start3A_70] : memref<100000x64xf32, #tpu.memory_space<hbm>> -> memref<100000x64xf32, #tpu.memory_space<hbm>>
    tpu.enqueue_indirect_dma source(%dma_start3A_71 : memref<100000x64xf32, #tpu.memory_space<hbm>>) target(%dma_start3A_65 : memref<128x64xf32, #tpu.memory_space<vmem>>) offsets(%dma_start3A_68 : memref<128xi32, #tpu.memory_space<vmem>>) semaphore(%arg9 : memref<!tpu.dma_semaphore, #tpu.memory_space<semaphore_mem>>)
    %scan3A = arith.constant 0 : i32
    %scan3A_72 = arith.constant 0 : i32
    %scan3A_73 = arith.constant 25 : i32
    %scan3A_74 = arith.addi %scan3A_72, %scan3A_73 : i32
    %scan3A_75 = arith.constant 1 : i32
    scf.for %scan3A_396 = %scan3A_72 to %scan3A_74 step %scan3A_75  : i32 {
      %mul3A_397 = arith.constant 2 : i32
      %mul3A_398 = arith.muli %mul3A_397, %scan3A_396 : i32
      %add3A_399 = arith.constant 0 : i32
      %add3A_400 = arith.addi %mul3A_398, %add3A_399 : i32
      %dma_wait3A_401 = arith.constant 0 : i32
      %dma_wait3A_402 = arith.constant 0 : i32
      %dma_wait3A_403 = arith.constant 0 : i32
      %dma_wait3A_404 = tpu.memref_slice %arg6[%dma_wait3A_401, %dma_wait3A_402, %dma_wait3A_403] : memref<2x128x64xf32, #tpu.memory_space<vmem>> -> memref<1x128x64xf32, #tpu.memory_space<vmem>>
      %dma_wait3A_405 = tpu.memref_squeeze %dma_wait3A_404 : memref<1x128x64xf32, #tpu.memory_space<vmem>> -> memref<128x64xf32, #tpu.memory_space<vmem>>
      %dma_wait3A_406 = arith.constant 0 : i32
      %dma_wait3A_407 = tpu.memref_slice %arg5[%add3A_400, %dma_wait3A_406] : memref<50x128xi32, #tpu.memory_space<vmem>> -> memref<1x128xi32, #tpu.memory_space<vmem>>
      %dma_wait3A_408 = tpu.memref_squeeze %dma_wait3A_407 : memref<1x128xi32, #tpu.memory_space<vmem>> -> memref<128xi32, #tpu.memory_space<vmem>>
      %dma_wait3A_409 = arith.constant 0 : i32
      %dma_wait3A_410 = arith.constant 0 : i32
      %dma_wait3A_411 = tpu.memref_slice %arg3[%dma_wait3A_409, %dma_wait3A_410] : memref<100000x64xf32, #tpu.memory_space<hbm>> -> memref<100000x64xf32, #tpu.memory_space<hbm>>
      tpu.wait_indirect_dma semaphore(%arg8 : memref<!tpu.dma_semaphore, #tpu.memory_space<semaphore_mem>>) src(%dma_wait3A_411 : memref<100000x64xf32, #tpu.memory_space<hbm>>) dst(%dma_wait3A_405 : memref<128x64xf32, #tpu.memory_space<vmem>>)
      %gt3A = arith.constant 0 : i32
      %gt3A_412 = arith.cmpi sgt, %scan3A_396, %gt3A : i32
      %convert_element_type3A = arith.extui %gt3A_412 : i1 to i32
      %cond3A = arith.constant 0 : i32
      %cond3A_413 = arith.cmpi ne, %convert_element_type3A, %cond3A : i32
      scf.if %cond3A_413 {
        %sub3A = arith.constant 2 : i32
        %sub3A_752 = arith.subi %add3A_400, %sub3A : i32
        %dma_wait3A_753 = arith.constant 0 : i32
        %dma_wait3A_754 = arith.constant 0 : i32
        %dma_wait3A_755 = arith.constant 0 : i32
        %dma_wait3A_756 = arith.constant 0 : i32
        %dma_wait3A_757 = arith.constant 0 : i32
        %dma_wait3A_758 = tpu.memref_slice %arg7[%dma_wait3A_753, %dma_wait3A_754, %dma_wait3A_756, %dma_wait3A_757] : memref<2x8x8x129xf32, #tpu.memory_space<vmem>> -> memref<1x1x8x128xf32, #tpu.memory_space<vmem>>
        %dma_wait3A_759 = tpu.memref_squeeze %dma_wait3A_758 : memref<1x1x8x128xf32, #tpu.memory_space<vmem>> -> memref<8x128xf32, #tpu.memory_space<vmem>>
        %dma_wait3A_760 = arith.constant 0 : i32
        %dma_wait3A_761 = arith.constant 0 : i32
        %dma_wait3A_762 = tpu.memref_slice %arg4[%sub3A_752, %dma_wait3A_755, %add3A, %dma_wait3A_760, %dma_wait3A_761] : memref<50x8x32x8x128xf32, #tpu.memory_space<hbm>> -> memref<1x1x1x8x128xf32, #tpu.memory_space<hbm>>
        %dma_wait3A_763 = tpu.memref_squeeze %dma_wait3A_762 : memref<1x1x1x8x128xf32, #tpu.memory_space<hbm>> -> memref<8x128xf32, #tpu.memory_space<hbm>>
        %dma_wait3A_764 = arith.constant 0 : i32
        %dma_wait3A_765 = arith.constant 0 : i32
        %dma_wait3A_766 = tpu.memref_slice %arg4[%sub3A_752, %dma_wait3A_755, %add3A, %dma_wait3A_764, %dma_wait3A_765] : memref<50x8x32x8x128xf32, #tpu.memory_space<hbm>> -> memref<1x1x1x8x128xf32, #tpu.memory_space<hbm>>
        %dma_wait3A_767 = tpu.memref_squeeze %dma_wait3A_766 : memref<1x1x1x8x128xf32, #tpu.memory_space<hbm>> -> memref<8x128xf32, #tpu.memory_space<hbm>>
        %dma_wait3A_768 = arith.constant 0 : i32
        %dma_wait3A_769 = arith.constant 0 : i32
        %dma_wait3A_770 = tpu.memref_slice %arg7[%dma_wait3A_753, %dma_wait3A_754, %dma_wait3A_768, %dma_wait3A_769] : memref<2x8x8x129xf32, #tpu.memory_space<vmem>> -> memref<1x1x8x128xf32, #tpu.memory_space<vmem>>
        %dma_wait3A_771 = tpu.memref_squeeze %dma_wait3A_770 : memref<1x1x8x128xf32, #tpu.memory_space<vmem>> -> memref<8x128xf32, #tpu.memory_space<vmem>>
        tpu.wait_dma2 semaphore(%arg10 : memref<!tpu.dma_semaphore, #tpu.memory_space<semaphore_mem>>) src(%dma_wait3A_771 : memref<8x128xf32, #tpu.memory_space<vmem>>) dst(%dma_wait3A_767 : memref<8x128xf32, #tpu.memory_space<hbm>>)
        %dma_wait3A_772 = arith.constant 0 : i32
        %dma_wait3A_773 = arith.constant 1 : i32
        %dma_wait3A_774 = arith.constant 1 : i32
        %dma_wait3A_775 = arith.constant 0 : i32
        %dma_wait3A_776 = arith.constant 0 : i32
        %dma_wait3A_777 = tpu.memref_slice %arg7[%dma_wait3A_772, %dma_wait3A_773, %dma_wait3A_775, %dma_wait3A_776] : memref<2x8x8x129xf32, #tpu.memory_space<vmem>> -> memref<1x1x8x128xf32, #tpu.memory_space<vmem>>
        %dma_wait3A_778 = tpu.memref_squeeze %dma_wait3A_777 : memref<1x1x8x128xf32, #tpu.memory_space<vmem>> -> memref<8x128xf32, #tpu.memory_space<vmem>>
        %dma_wait3A_779 = arith.constant 0 : i32
        %dma_wait3A_780 = arith.constant 0 : i32
        %dma_wait3A_781 = tpu.memref_slice %arg4[%sub3A_752, %dma_wait3A_774, %add3A, %dma_wait3A_779, %dma_wait3A_780] : memref<50x8x32x8x128xf32, #tpu.memory_space<hbm>> -> memref<1x1x1x8x128xf32, #tpu.memory_space<hbm>>
        %dma_wait3A_782 = tpu.memref_squeeze %dma_wait3A_781 : memref<1x1x1x8x128xf32, #tpu.memory_space<hbm>> -> memref<8x128xf32, #tpu.memory_space<hbm>>
        %dma_wait3A_783 = arith.constant 0 : i32
        %dma_wait3A_784 = arith.constant 0 : i32
        %dma_wait3A_785 = tpu.memref_slice %arg4[%sub3A_752, %dma_wait3A_774, %add3A, %dma_wait3A_783, %dma_wait3A_784] : memref<50x8x32x8x128xf32, #tpu.memory_space<hbm>> -> memref<1x1x1x8x128xf32, #tpu.memory_space<hbm>>
        %dma_wait3A_786 = tpu.memref_squeeze %dma_wait3A_785 : memref<1x1x1x8x128xf32, #tpu.memory_space<hbm>> -> memref<8x128xf32, #tpu.memory_space<hbm>>
        %dma_wait3A_787 = arith.constant 0 : i32
        %dma_wait3A_788 = arith.constant 0 : i32
        %dma_wait3A_789 = tpu.memref_slice %arg7[%dma_wait3A_772, %dma_wait3A_773, %dma_wait3A_787, %dma_wait3A_788] : memref<2x8x8x129xf32, #tpu.memory_space<vmem>> -> memref<1x1x8x128xf32, #tpu.memory_space<vmem>>
        %dma_wait3A_790 = tpu.memref_squeeze %dma_wait3A_789 : memref<1x1x8x128xf32, #tpu.memory_space<vmem>> -> memref<8x128xf32, #tpu.memory_space<vmem>>
        tpu.wait_dma2 semaphore(%arg10 : memref<!tpu.dma_semaphore, #tpu.memory_space<semaphore_mem>>) src(%dma_wait3A_790 : memref<8x128xf32, #tpu.memory_space<vmem>>) dst(%dma_wait3A_786 : memref<8x128xf32, #tpu.memory_space<hbm>>)
        %dma_wait3A_791 = arith.constant 0 : i32
        %dma_wait3A_792 = arith.constant 2 : i32
        %dma_wait3A_793 = arith.constant 2 : i32
        %dma_wait3A_794 = arith.constant 0 : i32
        %dma_wait3A_795 = arith.constant 0 : i32
        %dma_wait3A_796 = tpu.memref_slice %arg7[%dma_wait3A_791, %dma_wait3A_792, %dma_wait3A_794, %dma_wait3A_795] : memref<2x8x8x129xf32, #tpu.memory_space<vmem>> -> memref<1x1x8x128xf32, #tpu.memory_space<vmem>>
        %dma_wait3A_797 = tpu.memref_squeeze %dma_wait3A_796 : memref<1x1x8x128xf32, #tpu.memory_space<vmem>> -> memref<8x128xf32, #tpu.memory_space<vmem>>
        %dma_wait3A_798 = arith.constant 0 : i32
        %dma_wait3A_799 = arith.constant 0 : i32
        %dma_wait3A_800 = tpu.memref_slice %arg4[%sub3A_752, %dma_wait3A_793, %add3A, %dma_wait3A_798, %dma_wait3A_799] : memref<50x8x32x8x128xf32, #tpu.memory_space<hbm>> -> memref<1x1x1x8x128xf32, #tpu.memory_space<hbm>>
        %dma_wait3A_801 = tpu.memref_squeeze %dma_wait3A_800 : memref<1x1x1x8x128xf32, #tpu.memory_space<hbm>> -> memref<8x128xf32, #tpu.memory_space<hbm>>
        %dma_wait3A_802 = arith.constant 0 : i32
        %dma_wait3A_803 = arith.constant 0 : i32
        %dma_wait3A_804 = tpu.memref_slice %arg4[%sub3A_752, %dma_wait3A_793, %add3A, %dma_wait3A_802, %dma_wait3A_803] : memref<50x8x32x8x128xf32, #tpu.memory_space<hbm>> -> memref<1x1x1x8x128xf32, #tpu.memory_space<hbm>>
        %dma_wait3A_805 = tpu.memref_squeeze %dma_wait3A_804 : memref<1x1x1x8x128xf32, #tpu.memory_space<hbm>> -> memref<8x128xf32, #tpu.memory_space<hbm>>
        %dma_wait3A_806 = arith.constant 0 : i32
        %dma_wait3A_807 = arith.constant 0 : i32
        %dma_wait3A_808 = tpu.memref_slice %arg7[%dma_wait3A_791, %dma_wait3A_792, %dma_wait3A_806, %dma_wait3A_807] : memref<2x8x8x129xf32, #tpu.memory_space<vmem>> -> memref<1x1x8x128xf32, #tpu.memory_space<vmem>>
        %dma_wait3A_809 = tpu.memref_squeeze %dma_wait3A_808 : memref<1x1x8x128xf32, #tpu.memory_space<vmem>> -> memref<8x128xf32, #tpu.memory_space<vmem>>
        tpu.wait_dma2 semaphore(%arg10 : memref<!tpu.dma_semaphore, #tpu.memory_space<semaphore_mem>>) src(%dma_wait3A_809 : memref<8x128xf32, #tpu.memory_space<vmem>>) dst(%dma_wait3A_805 : memref<8x128xf32, #tpu.memory_space<hbm>>)
        %dma_wait3A_810 = arith.constant 0 : i32
        %dma_wait3A_811 = arith.constant 3 : i32
        %dma_wait3A_812 = arith.constant 3 : i32
        %dma_wait3A_813 = arith.constant 0 : i32
        %dma_wait3A_814 = arith.constant 0 : i32
        %dma_wait3A_815 = tpu.memref_slice %arg7[%dma_wait3A_810, %dma_wait3A_811, %dma_wait3A_813, %dma_wait3A_814] : memref<2x8x8x129xf32, #tpu.memory_space<vmem>> -> memref<1x1x8x128xf32, #tpu.memory_space<vmem>>
        %dma_wait3A_816 = tpu.memref_squeeze %dma_wait3A_815 : memref<1x1x8x128xf32, #tpu.memory_space<vmem>> -> memref<8x128xf32, #tpu.memory_space<vmem>>
        %dma_wait3A_817 = arith.constant 0 : i32
        %dma_wait3A_818 = arith.constant 0 : i32
        %dma_wait3A_819 = tpu.memref_slice %arg4[%sub3A_752, %dma_wait3A_812, %add3A, %dma_wait3A_817, %dma_wait3A_818] : memref<50x8x32x8x128xf32, #tpu.memory_space<hbm>> -> memref<1x1x1x8x128xf32, #tpu.memory_space<hbm>>
        %dma_wait3A_820 = tpu.memref_squeeze %dma_wait3A_819 : memref<1x1x1x8x128xf32, #tpu.memory_space<hbm>> -> memref<8x128xf32, #tpu.memory_space<hbm>>
        %dma_wait3A_821 = arith.constant 0 : i32
        %dma_wait3A_822 = arith.constant 0 : i32
        %dma_wait3A_823 = tpu.memref_slice %arg4[%sub3A_752, %dma_wait3A_812, %add3A, %dma_wait3A_821, %dma_wait3A_822] : memref<50x8x32x8x128xf32, #tpu.memory_space<hbm>> -> memref<1x1x1x8x128xf32, #tpu.memory_space<hbm>>
        %dma_wait3A_824 = tpu.memref_squeeze %dma_wait3A_823 : memref<1x1x1x8x128xf32, #tpu.memory_space<hbm>> -> memref<8x128xf32, #tpu.memory_space<hbm>>
        %dma_wait3A_825 = arith.constant 0 : i32
        %dma_wait3A_826 = arith.constant 0 : i32
        %dma_wait3A_827 = tpu.memref_slice %arg7[%dma_wait3A_810, %dma_wait3A_811, %dma_wait3A_825, %dma_wait3A_826] : memref<2x8x8x129xf32, #tpu.memory_space<vmem>> -> memref<1x1x8x128xf32, #tpu.memory_space<vmem>>
        %dma_wait3A_828 = tpu.memref_squeeze %dma_wait3A_827 : memref<1x1x8x128xf32, #tpu.memory_space<vmem>> -> memref<8x128xf32, #tpu.memory_space<vmem>>
        tpu.wait_dma2 semaphore(%arg10 : memref<!tpu.dma_semaphore, #tpu.memory_space<semaphore_mem>>) src(%dma_wait3A_828 : memref<8x128xf32, #tpu.memory_space<vmem>>) dst(%dma_wait3A_824 : memref<8x128xf32, #tpu.memory_space<hbm>>)
        %dma_wait3A_829 = arith.constant 0 : i32
        %dma_wait3A_830 = arith.constant 4 : i32
        %dma_wait3A_831 = arith.constant 4 : i32
        %dma_wait3A_832 = arith.constant 0 : i32
        %dma_wait3A_833 = arith.constant 0 : i32
        %dma_wait3A_834 = tpu.memref_slice %arg7[%dma_wait3A_829, %dma_wait3A_830, %dma_wait3A_832, %dma_wait3A_833] : memref<2x8x8x129xf32, #tpu.memory_space<vmem>> -> memref<1x1x8x128xf32, #tpu.memory_space<vmem>>
        %dma_wait3A_835 = tpu.memref_squeeze %dma_wait3A_834 : memref<1x1x8x128xf32, #tpu.memory_space<vmem>> -> memref<8x128xf32, #tpu.memory_space<vmem>>
        %dma_wait3A_836 = arith.constant 0 : i32
        %dma_wait3A_837 = arith.constant 0 : i32
        %dma_wait3A_838 = tpu.memref_slice %arg4[%sub3A_752, %dma_wait3A_831, %add3A, %dma_wait3A_836, %dma_wait3A_837] : memref<50x8x32x8x128xf32, #tpu.memory_space<hbm>> -> memref<1x1x1x8x128xf32, #tpu.memory_space<hbm>>
        %dma_wait3A_839 = tpu.memref_squeeze %dma_wait3A_838 : memref<1x1x1x8x128xf32, #tpu.memory_space<hbm>> -> memref<8x128xf32, #tpu.memory_space<hbm>>
        %dma_wait3A_840 = arith.constant 0 : i32
        %dma_wait3A_841 = arith.constant 0 : i32
        %dma_wait3A_842 = tpu.memref_slice %arg4[%sub3A_752, %dma_wait3A_831, %add3A, %dma_wait3A_840, %dma_wait3A_841] : memref<50x8x32x8x128xf32, #tpu.memory_space<hbm>> -> memref<1x1x1x8x128xf32, #tpu.memory_space<hbm>>
        %dma_wait3A_843 = tpu.memref_squeeze %dma_wait3A_842 : memref<1x1x1x8x128xf32, #tpu.memory_space<hbm>> -> memref<8x128xf32, #tpu.memory_space<hbm>>
        %dma_wait3A_844 = arith.constant 0 : i32
        %dma_wait3A_845 = arith.constant 0 : i32
        %dma_wait3A_846 = tpu.memref_slice %arg7[%dma_wait3A_829, %dma_wait3A_830, %dma_wait3A_844, %dma_wait3A_845] : memref<2x8x8x129xf32, #tpu.memory_space<vmem>> -> memref<1x1x8x128xf32, #tpu.memory_space<vmem>>
        %dma_wait3A_847 = tpu.memref_squeeze %dma_wait3A_846 : memref<1x1x8x128xf32, #tpu.memory_space<vmem>> -> memref<8x128xf32, #tpu.memory_space<vmem>>
        tpu.wait_dma2 semaphore(%arg10 : memref<!tpu.dma_semaphore, #tpu.memory_space<semaphore_mem>>) src(%dma_wait3A_847 : memref<8x128xf32, #tpu.memory_space<vmem>>) dst(%dma_wait3A_843 : memref<8x128xf32, #tpu.memory_space<hbm>>)
        %dma_wait3A_848 = arith.constant 0 : i32
        %dma_wait3A_849 = arith.constant 5 : i32
        %dma_wait3A_850 = arith.constant 5 : i32
        %dma_wait3A_851 = arith.constant 0 : i32
        %dma_wait3A_852 = arith.constant 0 : i32
        %dma_wait3A_853 = tpu.memref_slice %arg7[%dma_wait3A_848, %dma_wait3A_849, %dma_wait3A_851, %dma_wait3A_852] : memref<2x8x8x129xf32, #tpu.memory_space<vmem>> -> memref<1x1x8x128xf32, #tpu.memory_space<vmem>>
        %dma_wait3A_854 = tpu.memref_squeeze %dma_wait3A_853 : memref<1x1x8x128xf32, #tpu.memory_space<vmem>> -> memref<8x128xf32, #tpu.memory_space<vmem>>
        %dma_wait3A_855 = arith.constant 0 : i32
        %dma_wait3A_856 = arith.constant 0 : i32
        %dma_wait3A_857 = tpu.memref_slice %arg4[%sub3A_752, %dma_wait3A_850, %add3A, %dma_wait3A_855, %dma_wait3A_856] : memref<50x8x32x8x128xf32, #tpu.memory_space<hbm>> -> memref<1x1x1x8x128xf32, #tpu.memory_space<hbm>>
        %dma_wait3A_858 = tpu.memref_squeeze %dma_wait3A_857 : memref<1x1x1x8x128xf32, #tpu.memory_space<hbm>> -> memref<8x128xf32, #tpu.memory_space<hbm>>
        %dma_wait3A_859 = arith.constant 0 : i32
        %dma_wait3A_860 = arith.constant 0 : i32
        %dma_wait3A_861 = tpu.memref_slice %arg4[%sub3A_752, %dma_wait3A_850, %add3A, %dma_wait3A_859, %dma_wait3A_860] : memref<50x8x32x8x128xf32, #tpu.memory_space<hbm>> -> memref<1x1x1x8x128xf32, #tpu.memory_space<hbm>>
        %dma_wait3A_862 = tpu.memref_squeeze %dma_wait3A_861 : memref<1x1x1x8x128xf32, #tpu.memory_space<hbm>> -> memref<8x128xf32, #tpu.memory_space<hbm>>
        %dma_wait3A_863 = arith.constant 0 : i32
        %dma_wait3A_864 = arith.constant 0 : i32
        %dma_wait3A_865 = tpu.memref_slice %arg7[%dma_wait3A_848, %dma_wait3A_849, %dma_wait3A_863, %dma_wait3A_864] : memref<2x8x8x129xf32, #tpu.memory_space<vmem>> -> memref<1x1x8x128xf32, #tpu.memory_space<vmem>>
        %dma_wait3A_866 = tpu.memref_squeeze %dma_wait3A_865 : memref<1x1x8x128xf32, #tpu.memory_space<vmem>> -> memref<8x128xf32, #tpu.memory_space<vmem>>
        tpu.wait_dma2 semaphore(%arg10 : memref<!tpu.dma_semaphore, #tpu.memory_space<semaphore_mem>>) src(%dma_wait3A_866 : memref<8x128xf32, #tpu.memory_space<vmem>>) dst(%dma_wait3A_862 : memref<8x128xf32, #tpu.memory_space<hbm>>)
        %dma_wait3A_867 = arith.constant 0 : i32
        %dma_wait3A_868 = arith.constant 6 : i32
        %dma_wait3A_869 = arith.constant 6 : i32
        %dma_wait3A_870 = arith.constant 0 : i32
        %dma_wait3A_871 = arith.constant 0 : i32
        %dma_wait3A_872 = tpu.memref_slice %arg7[%dma_wait3A_867, %dma_wait3A_868, %dma_wait3A_870, %dma_wait3A_871] : memref<2x8x8x129xf32, #tpu.memory_space<vmem>> -> memref<1x1x8x128xf32, #tpu.memory_space<vmem>>
        %dma_wait3A_873 = tpu.memref_squeeze %dma_wait3A_872 : memref<1x1x8x128xf32, #tpu.memory_space<vmem>> -> memref<8x128xf32, #tpu.memory_space<vmem>>
        %dma_wait3A_874 = arith.constant 0 : i32
        %dma_wait3A_875 = arith.constant 0 : i32
        %dma_wait3A_876 = tpu.memref_slice %arg4[%sub3A_752, %dma_wait3A_869, %add3A, %dma_wait3A_874, %dma_wait3A_875] : memref<50x8x32x8x128xf32, #tpu.memory_space<hbm>> -> memref<1x1x1x8x128xf32, #tpu.memory_space<hbm>>
        %dma_wait3A_877 = tpu.memref_squeeze %dma_wait3A_876 : memref<1x1x1x8x128xf32, #tpu.memory_space<hbm>> -> memref<8x128xf32, #tpu.memory_space<hbm>>
        %dma_wait3A_878 = arith.constant 0 : i32
        %dma_wait3A_879 = arith.constant 0 : i32
        %dma_wait3A_880 = tpu.memref_slice %arg4[%sub3A_752, %dma_wait3A_869, %add3A, %dma_wait3A_878, %dma_wait3A_879] : memref<50x8x32x8x128xf32, #tpu.memory_space<hbm>> -> memref<1x1x1x8x128xf32, #tpu.memory_space<hbm>>
        %dma_wait3A_881 = tpu.memref_squeeze %dma_wait3A_880 : memref<1x1x1x8x128xf32, #tpu.memory_space<hbm>> -> memref<8x128xf32, #tpu.memory_space<hbm>>
        %dma_wait3A_882 = arith.constant 0 : i32
        %dma_wait3A_883 = arith.constant 0 : i32
        %dma_wait3A_884 = tpu.memref_slice %arg7[%dma_wait3A_867, %dma_wait3A_868, %dma_wait3A_882, %dma_wait3A_883] : memref<2x8x8x129xf32, #tpu.memory_space<vmem>> -> memref<1x1x8x128xf32, #tpu.memory_space<vmem>>
        %dma_wait3A_885 = tpu.memref_squeeze %dma_wait3A_884 : memref<1x1x8x128xf32, #tpu.memory_space<vmem>> -> memref<8x128xf32, #tpu.memory_space<vmem>>
        tpu.wait_dma2 semaphore(%arg10 : memref<!tpu.dma_semaphore, #tpu.memory_space<semaphore_mem>>) src(%dma_wait3A_885 : memref<8x128xf32, #tpu.memory_space<vmem>>) dst(%dma_wait3A_881 : memref<8x128xf32, #tpu.memory_space<hbm>>)
        %dma_wait3A_886 = arith.constant 0 : i32
        %dma_wait3A_887 = arith.constant 7 : i32
        %dma_wait3A_888 = arith.constant 7 : i32
        %dma_wait3A_889 = arith.constant 0 : i32
        %dma_wait3A_890 = arith.constant 0 : i32
        %dma_wait3A_891 = tpu.memref_slice %arg7[%dma_wait3A_886, %dma_wait3A_887, %dma_wait3A_889, %dma_wait3A_890] : memref<2x8x8x129xf32, #tpu.memory_space<vmem>> -> memref<1x1x8x128xf32, #tpu.memory_space<vmem>>
        %dma_wait3A_892 = tpu.memref_squeeze %dma_wait3A_891 : memref<1x1x8x128xf32, #tpu.memory_space<vmem>> -> memref<8x128xf32, #tpu.memory_space<vmem>>
        %dma_wait3A_893 = arith.constant 0 : i32
        %dma_wait3A_894 = arith.constant 0 : i32
        %dma_wait3A_895 = tpu.memref_slice %arg4[%sub3A_752, %dma_wait3A_888, %add3A, %dma_wait3A_893, %dma_wait3A_894] : memref<50x8x32x8x128xf32, #tpu.memory_space<hbm>> -> memref<1x1x1x8x128xf32, #tpu.memory_space<hbm>>
        %dma_wait3A_896 = tpu.memref_squeeze %dma_wait3A_895 : memref<1x1x1x8x128xf32, #tpu.memory_space<hbm>> -> memref<8x128xf32, #tpu.memory_space<hbm>>
        %dma_wait3A_897 = arith.constant 0 : i32
        %dma_wait3A_898 = arith.constant 0 : i32
        %dma_wait3A_899 = tpu.memref_slice %arg4[%sub3A_752, %dma_wait3A_888, %add3A, %dma_wait3A_897, %dma_wait3A_898] : memref<50x8x32x8x128xf32, #tpu.memory_space<hbm>> -> memref<1x1x1x8x128xf32, #tpu.memory_space<hbm>>
        %dma_wait3A_900 = tpu.memref_squeeze %dma_wait3A_899 : memref<1x1x1x8x128xf32, #tpu.memory_space<hbm>> -> memref<8x128xf32, #tpu.memory_space<hbm>>
        %dma_wait3A_901 = arith.constant 0 : i32
        %dma_wait3A_902 = arith.constant 0 : i32
        %dma_wait3A_903 = tpu.memref_slice %arg7[%dma_wait3A_886, %dma_wait3A_887, %dma_wait3A_901, %dma_wait3A_902] : memref<2x8x8x129xf32, #tpu.memory_space<vmem>> -> memref<1x1x8x128xf32, #tpu.memory_space<vmem>>
        %dma_wait3A_904 = tpu.memref_squeeze %dma_wait3A_903 : memref<1x1x8x128xf32, #tpu.memory_space<vmem>> -> memref<8x128xf32, #tpu.memory_space<vmem>>
        tpu.wait_dma2 semaphore(%arg10 : memref<!tpu.dma_semaphore, #tpu.memory_space<semaphore_mem>>) src(%dma_wait3A_904 : memref<8x128xf32, #tpu.memory_space<vmem>>) dst(%dma_wait3A_900 : memref<8x128xf32, #tpu.memory_space<hbm>>)
      } else {
      }
      %parallel_loop3A = arith.constant 0 : i32
      %parallel_loop3A_414 = arith.constant 128 : i32
      %parallel_loop3A_415 = arith.constant 2 : i32
      scf.for %parallel_loop3A_752 = %parallel_loop3A to %parallel_loop3A_414 step %parallel_loop3A_415  : i32 {
        %parallel_loop3A_753 = arith.constant 0 : i32
        %parallel_loop3A_754 = arith.addi %parallel_loop3A_752, %parallel_loop3A_753 : i32
        %parallel_loop3A_755 = arith.constant 0 : i32
        %parallel_loop3A_756 = vector.broadcast %parallel_loop3A_755 : i32 to vector<16xi32>
        %parallel_loop3A_757 = vector.broadcast %parallel_loop3A_754 : i32 to vector<16xi32>
        %parallel_loop3A_758 = arith.addi %parallel_loop3A_756, %parallel_loop3A_757 : vector<16xi32>
        %parallel_loop3A_759 = arith.constant 0 : i32
        %parallel_loop3A_760 = arith.index_cast %parallel_loop3A_759 : i32 to index
        %parallel_loop3A_761 = arith.index_cast %parallel_loop3A_754 : i32 to index
        %parallel_loop3A_762 = arith.constant 0 : index
        %parallel_loop3A_763 = tpu.vector_load %arg6[%parallel_loop3A_760, %parallel_loop3A_761, %parallel_loop3A_762] {strides = array<i32>} : memref<2x128x64xf32, #tpu.memory_space<vmem>>, vector<16xf32>,
        %parallel_loop3A_764 = arith.constant 0 : i32
        %parallel_loop3A_765 = arith.constant 0 : i32
        %parallel_loop3A_766 = arith.constant 0 : i32
        %parallel_loop3A_767 = arith.constant 0 : i32
        %parallel_loop3A_768 = tpu.memref_slice %arg7[%parallel_loop3A_764, %parallel_loop3A_765, %parallel_loop3A_766, %parallel_loop3A_767] : memref<2x8x8x129xf32, #tpu.memory_space<vmem>> -> memref<1x8x8x129xf32, #tpu.memory_space<vmem>>
        %parallel_loop3A_769 = tpu.memref_squeeze %parallel_loop3A_768 : memref<1x8x8x129xf32, #tpu.memory_space<vmem>> -> memref<8x8x129xf32, #tpu.memory_space<vmem>>
        tpu.vector_store_idx %parallel_loop3A_769[%shift_right_logical3A_7, %and3A_30, %parallel_loop3A_758], %parallel_loop3A_763 : memref<8x8x129xf32, #tpu.memory_space<vmem>>[vector<16xi32>, vector<16xi32>, vector<16xi32>], vector<16xf32>,
        %parallel_loop3A_770 = arith.constant 0 : i32
        %parallel_loop3A_771 = arith.index_cast %parallel_loop3A_770 : i32 to index
        %parallel_loop3A_772 = arith.index_cast %parallel_loop3A_754 : i32 to index
        %parallel_loop3A_773 = arith.constant 16 : index
        %parallel_loop3A_774 = tpu.vector_load %arg6[%parallel_loop3A_771, %parallel_loop3A_772, %parallel_loop3A_773] {strides = array<i32>} : memref<2x128x64xf32, #tpu.memory_space<vmem>>, vector<16xf32>,
        %parallel_loop3A_775 = arith.constant 0 : i32
        %parallel_loop3A_776 = arith.constant 0 : i32
        %parallel_loop3A_777 = arith.constant 0 : i32
        %parallel_loop3A_778 = arith.constant 0 : i32
        %parallel_loop3A_779 = tpu.memref_slice %arg7[%parallel_loop3A_775, %parallel_loop3A_776, %parallel_loop3A_777, %parallel_loop3A_778] : memref<2x8x8x129xf32, #tpu.memory_space<vmem>> -> memref<1x8x8x129xf32, #tpu.memory_space<vmem>>
        %parallel_loop3A_780 = tpu.memref_squeeze %parallel_loop3A_779 : memref<1x8x8x129xf32, #tpu.memory_space<vmem>> -> memref<8x8x129xf32, #tpu.memory_space<vmem>>
        tpu.vector_store_idx %parallel_loop3A_780[%shift_right_logical3A_13, %and3A_36, %parallel_loop3A_758], %parallel_loop3A_774 : memref<8x8x129xf32, #tpu.memory_space<vmem>>[vector<16xi32>, vector<16xi32>, vector<16xi32>], vector<16xf32>,
        %parallel_loop3A_781 = arith.constant 0 : i32
        %parallel_loop3A_782 = arith.index_cast %parallel_loop3A_781 : i32 to index
        %parallel_loop3A_783 = arith.index_cast %parallel_loop3A_754 : i32 to index
        %parallel_loop3A_784 = arith.constant 32 : index
        %parallel_loop3A_785 = tpu.vector_load %arg6[%parallel_loop3A_782, %parallel_loop3A_783, %parallel_loop3A_784] {strides = array<i32>} : memref<2x128x64xf32, #tpu.memory_space<vmem>>, vector<16xf32>,
        %parallel_loop3A_786 = arith.constant 0 : i32
        %parallel_loop3A_787 = arith.constant 0 : i32
        %parallel_loop3A_788 = arith.constant 0 : i32
        %parallel_loop3A_789 = arith.constant 0 : i32
        %parallel_loop3A_790 = tpu.memref_slice %arg7[%parallel_loop3A_786, %parallel_loop3A_787, %parallel_loop3A_788, %parallel_loop3A_789] : memref<2x8x8x129xf32, #tpu.memory_space<vmem>> -> memref<1x8x8x129xf32, #tpu.memory_space<vmem>>
        %parallel_loop3A_791 = tpu.memref_squeeze %parallel_loop3A_790 : memref<1x8x8x129xf32, #tpu.memory_space<vmem>> -> memref<8x8x129xf32, #tpu.memory_space<vmem>>
        tpu.vector_store_idx %parallel_loop3A_791[%shift_right_logical3A_19, %and3A_42, %parallel_loop3A_758], %parallel_loop3A_785 : memref<8x8x129xf32, #tpu.memory_space<vmem>>[vector<16xi32>, vector<16xi32>, vector<16xi32>], vector<16xf32>,
        %parallel_loop3A_792 = arith.constant 0 : i32
        %parallel_loop3A_793 = arith.index_cast %parallel_loop3A_792 : i32 to index
        %parallel_loop3A_794 = arith.index_cast %parallel_loop3A_754 : i32 to index
        %parallel_loop3A_795 = arith.constant 48 : index
        %parallel_loop3A_796 = tpu.vector_load %arg6[%parallel_loop3A_793, %parallel_loop3A_794, %parallel_loop3A_795] {strides = array<i32>} : memref<2x128x64xf32, #tpu.memory_space<vmem>>, vector<16xf32>,
        %parallel_loop3A_797 = arith.constant 0 : i32
        %parallel_loop3A_798 = arith.constant 0 : i32
        %parallel_loop3A_799 = arith.constant 0 : i32
        %parallel_loop3A_800 = arith.constant 0 : i32
        %parallel_loop3A_801 = tpu.memref_slice %arg7[%parallel_loop3A_797, %parallel_loop3A_798, %parallel_loop3A_799, %parallel_loop3A_800] : memref<2x8x8x129xf32, #tpu.memory_space<vmem>> -> memref<1x8x8x129xf32, #tpu.memory_space<vmem>>
        %parallel_loop3A_802 = tpu.memref_squeeze %parallel_loop3A_801 : memref<1x8x8x129xf32, #tpu.memory_space<vmem>> -> memref<8x8x129xf32, #tpu.memory_space<vmem>>
        tpu.vector_store_idx %parallel_loop3A_802[%shift_right_logical3A_25, %and3A_48, %parallel_loop3A_758], %parallel_loop3A_796 : memref<8x8x129xf32, #tpu.memory_space<vmem>>[vector<16xi32>, vector<16xi32>, vector<16xi32>], vector<16xf32>,
        %parallel_loop3A_803 = arith.constant 1 : i32
        %parallel_loop3A_804 = arith.addi %parallel_loop3A_752, %parallel_loop3A_803 : i32
        %parallel_loop3A_805 = arith.constant 0 : i32
        %parallel_loop3A_806 = vector.broadcast %parallel_loop3A_805 : i32 to vector<16xi32>
        %parallel_loop3A_807 = vector.broadcast %parallel_loop3A_804 : i32 to vector<16xi32>
        %parallel_loop3A_808 = arith.addi %parallel_loop3A_806, %parallel_loop3A_807 : vector<16xi32>
        %parallel_loop3A_809 = arith.constant 0 : i32
        %parallel_loop3A_810 = arith.index_cast %parallel_loop3A_809 : i32 to index
        %parallel_loop3A_811 = arith.index_cast %parallel_loop3A_804 : i32 to index
        %parallel_loop3A_812 = arith.constant 0 : index
        %parallel_loop3A_813 = tpu.vector_load %arg6[%parallel_loop3A_810, %parallel_loop3A_811, %parallel_loop3A_812] {strides = array<i32>} : memref<2x128x64xf32, #tpu.memory_space<vmem>>, vector<16xf32>,
        %parallel_loop3A_814 = arith.constant 0 : i32
        %parallel_loop3A_815 = arith.constant 0 : i32
        %parallel_loop3A_816 = arith.constant 0 : i32
        %parallel_loop3A_817 = arith.constant 0 : i32
        %parallel_loop3A_818 = tpu.memref_slice %arg7[%parallel_loop3A_814, %parallel_loop3A_815, %parallel_loop3A_816, %parallel_loop3A_817] : memref<2x8x8x129xf32, #tpu.memory_space<vmem>> -> memref<1x8x8x129xf32, #tpu.memory_space<vmem>>
        %parallel_loop3A_819 = tpu.memref_squeeze %parallel_loop3A_818 : memref<1x8x8x129xf32, #tpu.memory_space<vmem>> -> memref<8x8x129xf32, #tpu.memory_space<vmem>>
        tpu.vector_store_idx %parallel_loop3A_819[%shift_right_logical3A_7, %and3A_30, %parallel_loop3A_808], %parallel_loop3A_813 : memref<8x8x129xf32, #tpu.memory_space<vmem>>[vector<16xi32>, vector<16xi32>, vector<16xi32>], vector<16xf32>,
        %parallel_loop3A_820 = arith.constant 0 : i32
        %parallel_loop3A_821 = arith.index_cast %parallel_loop3A_820 : i32 to index
        %parallel_loop3A_822 = arith.index_cast %parallel_loop3A_804 : i32 to index
        %parallel_loop3A_823 = arith.constant 16 : index
        %parallel_loop3A_824 = tpu.vector_load %arg6[%parallel_loop3A_821, %parallel_loop3A_822, %parallel_loop3A_823] {strides = array<i32>} : memref<2x128x64xf32, #tpu.memory_space<vmem>>, vector<16xf32>,
        %parallel_loop3A_825 = arith.constant 0 : i32
        %parallel_loop3A_826 = arith.constant 0 : i32
        %parallel_loop3A_827 = arith.constant 0 : i32
        %parallel_loop3A_828 = arith.constant 0 : i32
        %parallel_loop3A_829 = tpu.memref_slice %arg7[%parallel_loop3A_825, %parallel_loop3A_826, %parallel_loop3A_827, %parallel_loop3A_828] : memref<2x8x8x129xf32, #tpu.memory_space<vmem>> -> memref<1x8x8x129xf32, #tpu.memory_space<vmem>>
        %parallel_loop3A_830 = tpu.memref_squeeze %parallel_loop3A_829 : memref<1x8x8x129xf32, #tpu.memory_space<vmem>> -> memref<8x8x129xf32, #tpu.memory_space<vmem>>
        tpu.vector_store_idx %parallel_loop3A_830[%shift_right_logical3A_13, %and3A_36, %parallel_loop3A_808], %parallel_loop3A_824 : memref<8x8x129xf32, #tpu.memory_space<vmem>>[vector<16xi32>, vector<16xi32>, vector<16xi32>], vector<16xf32>,
        %parallel_loop3A_831 = arith.constant 0 : i32
        %parallel_loop3A_832 = arith.index_cast %parallel_loop3A_831 : i32 to index
        %parallel_loop3A_833 = arith.index_cast %parallel_loop3A_804 : i32 to index
        %parallel_loop3A_834 = arith.constant 32 : index
        %parallel_loop3A_835 = tpu.vector_load %arg6[%parallel_loop3A_832, %parallel_loop3A_833, %parallel_loop3A_834] {strides = array<i32>} : memref<2x128x64xf32, #tpu.memory_space<vmem>>, vector<16xf32>,
        %parallel_loop3A_836 = arith.constant 0 : i32
        %parallel_loop3A_837 = arith.constant 0 : i32
        %parallel_loop3A_838 = arith.constant 0 : i32
        %parallel_loop3A_839 = arith.constant 0 : i32
        %parallel_loop3A_840 = tpu.memref_slice %arg7[%parallel_loop3A_836, %parallel_loop3A_837, %parallel_loop3A_838, %parallel_loop3A_839] : memref<2x8x8x129xf32, #tpu.memory_space<vmem>> -> memref<1x8x8x129xf32, #tpu.memory_space<vmem>>
        %parallel_loop3A_841 = tpu.memref_squeeze %parallel_loop3A_840 : memref<1x8x8x129xf32, #tpu.memory_space<vmem>> -> memref<8x8x129xf32, #tpu.memory_space<vmem>>
        tpu.vector_store_idx %parallel_loop3A_841[%shift_right_logical3A_19, %and3A_42, %parallel_loop3A_808], %parallel_loop3A_835 : memref<8x8x129xf32, #tpu.memory_space<vmem>>[vector<16xi32>, vector<16xi32>, vector<16xi32>], vector<16xf32>,
        %parallel_loop3A_842 = arith.constant 0 : i32
        %parallel_loop3A_843 = arith.index_cast %parallel_loop3A_842 : i32 to index
        %parallel_loop3A_844 = arith.index_cast %parallel_loop3A_804 : i32 to index
        %parallel_loop3A_845 = arith.constant 48 : index
        %parallel_loop3A_846 = tpu.vector_load %arg6[%parallel_loop3A_843, %parallel_loop3A_844, %parallel_loop3A_845] {strides = array<i32>} : memref<2x128x64xf32, #tpu.memory_space<vmem>>, vector<16xf32>,
        %parallel_loop3A_847 = arith.constant 0 : i32
        %parallel_loop3A_848 = arith.constant 0 : i32
        %parallel_loop3A_849 = arith.constant 0 : i32
        %parallel_loop3A_850 = arith.constant 0 : i32
        %parallel_loop3A_851 = tpu.memref_slice %arg7[%parallel_loop3A_847, %parallel_loop3A_848, %parallel_loop3A_849, %parallel_loop3A_850] : memref<2x8x8x129xf32, #tpu.memory_space<vmem>> -> memref<1x8x8x129xf32, #tpu.memory_space<vmem>>
        %parallel_loop3A_852 = tpu.memref_squeeze %parallel_loop3A_851 : memref<1x8x8x129xf32, #tpu.memory_space<vmem>> -> memref<8x8x129xf32, #tpu.memory_space<vmem>>
        tpu.vector_store_idx %parallel_loop3A_852[%shift_right_logical3A_25, %and3A_48, %parallel_loop3A_808], %parallel_loop3A_846 : memref<8x8x129xf32, #tpu.memory_space<vmem>>[vector<16xi32>, vector<16xi32>, vector<16xi32>], vector<16xf32>,
      } {sc.loop_unroll_factor = 1 : i64, sc.parallel_access}
      %dma_start3A_416 = arith.constant 0 : i32
      %dma_start3A_417 = arith.constant 0 : i32
      %dma_start3A_418 = arith.constant 0 : i32
      %dma_start3A_419 = arith.constant 0 : i32
      %dma_start3A_420 = arith.constant 0 : i32
      %dma_start3A_421 = tpu.memref_slice %arg7[%dma_start3A_416, %dma_start3A_417, %dma_start3A_419, %dma_start3A_420] : memref<2x8x8x129xf32, #tpu.memory_space<vmem>> -> memref<1x1x8x128xf32, #tpu.memory_space<vmem>>
      %dma_start3A_422 = tpu.memref_squeeze %dma_start3A_421 : memref<1x1x8x128xf32, #tpu.memory_space<vmem>> -> memref<8x128xf32, #tpu.memory_space<vmem>>
      %dma_start3A_423 = arith.constant 0 : i32
      %dma_start3A_424 = arith.constant 0 : i32
      %dma_start3A_425 = tpu.memref_slice %arg4[%add3A_400, %dma_start3A_418, %add3A, %dma_start3A_423, %dma_start3A_424] : memref<50x8x32x8x128xf32, #tpu.memory_space<hbm>> -> memref<1x1x1x8x128xf32, #tpu.memory_space<hbm>>
      %dma_start3A_426 = tpu.memref_squeeze %dma_start3A_425 : memref<1x1x1x8x128xf32, #tpu.memory_space<hbm>> -> memref<8x128xf32, #tpu.memory_space<hbm>>
      %dma_start3A_427 = arith.constant 0 : i32
      %dma_start3A_428 = arith.constant 0 : i32
      %dma_start3A_429 = tpu.memref_slice %arg4[%add3A_400, %dma_start3A_418, %add3A, %dma_start3A_427, %dma_start3A_428] : memref<50x8x32x8x128xf32, #tpu.memory_space<hbm>> -> memref<1x1x1x8x128xf32, #tpu.memory_space<hbm>>
      %dma_start3A_430 = tpu.memref_squeeze %dma_start3A_429 : memref<1x1x1x8x128xf32, #tpu.memory_space<hbm>> -> memref<8x128xf32, #tpu.memory_space<hbm>>
      %dma_start3A_431 = arith.constant 0 : i32
      %dma_start3A_432 = arith.constant 0 : i32
      %dma_start3A_433 = tpu.memref_slice %arg7[%dma_start3A_416, %dma_start3A_417, %dma_start3A_431, %dma_start3A_432] : memref<2x8x8x129xf32, #tpu.memory_space<vmem>> -> memref<1x1x8x128xf32, #tpu.memory_space<vmem>>
      %dma_start3A_434 = tpu.memref_squeeze %dma_start3A_433 : memref<1x1x8x128xf32, #tpu.memory_space<vmem>> -> memref<8x128xf32, #tpu.memory_space<vmem>>
      tpu.enqueue_dma source(%dma_start3A_434 : memref<8x128xf32, #tpu.memory_space<vmem>>) target(%dma_start3A_430 : memref<8x128xf32, #tpu.memory_space<hbm>>) target_semaphore(%arg10 : memref<!tpu.dma_semaphore, #tpu.memory_space<semaphore_mem>>)
      %dma_start3A_435 = arith.constant 0 : i32
      %dma_start3A_436 = arith.constant 1 : i32
      %dma_start3A_437 = arith.constant 1 : i32
      %dma_start3A_438 = arith.constant 0 : i32
      %dma_start3A_439 = arith.constant 0 : i32
      %dma_start3A_440 = tpu.memref_slice %arg7[%dma_start3A_435, %dma_start3A_436, %dma_start3A_438, %dma_start3A_439] : memref<2x8x8x129xf32, #tpu.memory_space<vmem>> -> memref<1x1x8x128xf32, #tpu.memory_space<vmem>>
      %dma_start3A_441 = tpu.memref_squeeze %dma_start3A_440 : memref<1x1x8x128xf32, #tpu.memory_space<vmem>> -> memref<8x128xf32, #tpu.memory_space<vmem>>
      %dma_start3A_442 = arith.constant 0 : i32
      %dma_start3A_443 = arith.constant 0 : i32
      %dma_start3A_444 = tpu.memref_slice %arg4[%add3A_400, %dma_start3A_437, %add3A, %dma_start3A_442, %dma_start3A_443] : memref<50x8x32x8x128xf32, #tpu.memory_space<hbm>> -> memref<1x1x1x8x128xf32, #tpu.memory_space<hbm>>
      %dma_start3A_445 = tpu.memref_squeeze %dma_start3A_444 : memref<1x1x1x8x128xf32, #tpu.memory_space<hbm>> -> memref<8x128xf32, #tpu.memory_space<hbm>>
      %dma_start3A_446 = arith.constant 0 : i32
      %dma_start3A_447 = arith.constant 0 : i32
      %dma_start3A_448 = tpu.memref_slice %arg4[%add3A_400, %dma_start3A_437, %add3A, %dma_start3A_446, %dma_start3A_447] : memref<50x8x32x8x128xf32, #tpu.memory_space<hbm>> -> memref<1x1x1x8x128xf32, #tpu.memory_space<hbm>>
      %dma_start3A_449 = tpu.memref_squeeze %dma_start3A_448 : memref<1x1x1x8x128xf32, #tpu.memory_space<hbm>> -> memref<8x128xf32, #tpu.memory_space<hbm>>
      %dma_start3A_450 = arith.constant 0 : i32
      %dma_start3A_451 = arith.constant 0 : i32
      %dma_start3A_452 = tpu.memref_slice %arg7[%dma_start3A_435, %dma_start3A_436, %dma_start3A_450, %dma_start3A_451] : memref<2x8x8x129xf32, #tpu.memory_space<vmem>> -> memref<1x1x8x128xf32, #tpu.memory_space<vmem>>
      %dma_start3A_453 = tpu.memref_squeeze %dma_start3A_452 : memref<1x1x8x128xf32, #tpu.memory_space<vmem>> -> memref<8x128xf32, #tpu.memory_space<vmem>>
      tpu.enqueue_dma source(%dma_start3A_453 : memref<8x128xf32, #tpu.memory_space<vmem>>) target(%dma_start3A_449 : memref<8x128xf32, #tpu.memory_space<hbm>>) target_semaphore(%arg10 : memref<!tpu.dma_semaphore, #tpu.memory_space<semaphore_mem>>)
      %dma_start3A_454 = arith.constant 0 : i32
      %dma_start3A_455 = arith.constant 2 : i32
      %dma_start3A_456 = arith.constant 2 : i32
      %dma_start3A_457 = arith.constant 0 : i32
      %dma_start3A_458 = arith.constant 0 : i32
      %dma_start3A_459 = tpu.memref_slice %arg7[%dma_start3A_454, %dma_start3A_455, %dma_start3A_457, %dma_start3A_458] : memref<2x8x8x129xf32, #tpu.memory_space<vmem>> -> memref<1x1x8x128xf32, #tpu.memory_space<vmem>>
      %dma_start3A_460 = tpu.memref_squeeze %dma_start3A_459 : memref<1x1x8x128xf32, #tpu.memory_space<vmem>> -> memref<8x128xf32, #tpu.memory_space<vmem>>
      %dma_start3A_461 = arith.constant 0 : i32
      %dma_start3A_462 = arith.constant 0 : i32
      %dma_start3A_463 = tpu.memref_slice %arg4[%add3A_400, %dma_start3A_456, %add3A, %dma_start3A_461, %dma_start3A_462] : memref<50x8x32x8x128xf32, #tpu.memory_space<hbm>> -> memref<1x1x1x8x128xf32, #tpu.memory_space<hbm>>
      %dma_start3A_464 = tpu.memref_squeeze %dma_start3A_463 : memref<1x1x1x8x128xf32, #tpu.memory_space<hbm>> -> memref<8x128xf32, #tpu.memory_space<hbm>>
      %dma_start3A_465 = arith.constant 0 : i32
      %dma_start3A_466 = arith.constant 0 : i32
      %dma_start3A_467 = tpu.memref_slice %arg4[%add3A_400, %dma_start3A_456, %add3A, %dma_start3A_465, %dma_start3A_466] : memref<50x8x32x8x128xf32, #tpu.memory_space<hbm>> -> memref<1x1x1x8x128xf32, #tpu.memory_space<hbm>>
      %dma_start3A_468 = tpu.memref_squeeze %dma_start3A_467 : memref<1x1x1x8x128xf32, #tpu.memory_space<hbm>> -> memref<8x128xf32, #tpu.memory_space<hbm>>
      %dma_start3A_469 = arith.constant 0 : i32
      %dma_start3A_470 = arith.constant 0 : i32
      %dma_start3A_471 = tpu.memref_slice %arg7[%dma_start3A_454, %dma_start3A_455, %dma_start3A_469, %dma_start3A_470] : memref<2x8x8x129xf32, #tpu.memory_space<vmem>> -> memref<1x1x8x128xf32, #tpu.memory_space<vmem>>
      %dma_start3A_472 = tpu.memref_squeeze %dma_start3A_471 : memref<1x1x8x128xf32, #tpu.memory_space<vmem>> -> memref<8x128xf32, #tpu.memory_space<vmem>>
      tpu.enqueue_dma source(%dma_start3A_472 : memref<8x128xf32, #tpu.memory_space<vmem>>) target(%dma_start3A_468 : memref<8x128xf32, #tpu.memory_space<hbm>>) target_semaphore(%arg10 : memref<!tpu.dma_semaphore, #tpu.memory_space<semaphore_mem>>)
      %dma_start3A_473 = arith.constant 0 : i32
      %dma_start3A_474 = arith.constant 3 : i32
      %dma_start3A_475 = arith.constant 3 : i32
      %dma_start3A_476 = arith.constant 0 : i32
      %dma_start3A_477 = arith.constant 0 : i32
      %dma_start3A_478 = tpu.memref_slice %arg7[%dma_start3A_473, %dma_start3A_474, %dma_start3A_476, %dma_start3A_477] : memref<2x8x8x129xf32, #tpu.memory_space<vmem>> -> memref<1x1x8x128xf32, #tpu.memory_space<vmem>>
      %dma_start3A_479 = tpu.memref_squeeze %dma_start3A_478 : memref<1x1x8x128xf32, #tpu.memory_space<vmem>> -> memref<8x128xf32, #tpu.memory_space<vmem>>
      %dma_start3A_480 = arith.constant 0 : i32
      %dma_start3A_481 = arith.constant 0 : i32
      %dma_start3A_482 = tpu.memref_slice %arg4[%add3A_400, %dma_start3A_475, %add3A, %dma_start3A_480, %dma_start3A_481] : memref<50x8x32x8x128xf32, #tpu.memory_space<hbm>> -> memref<1x1x1x8x128xf32, #tpu.memory_space<hbm>>
      %dma_start3A_483 = tpu.memref_squeeze %dma_start3A_482 : memref<1x1x1x8x128xf32, #tpu.memory_space<hbm>> -> memref<8x128xf32, #tpu.memory_space<hbm>>
      %dma_start3A_484 = arith.constant 0 : i32
      %dma_start3A_485 = arith.constant 0 : i32
      %dma_start3A_486 = tpu.memref_slice %arg4[%add3A_400, %dma_start3A_475, %add3A, %dma_start3A_484, %dma_start3A_485] : memref<50x8x32x8x128xf32, #tpu.memory_space<hbm>> -> memref<1x1x1x8x128xf32, #tpu.memory_space<hbm>>
      %dma_start3A_487 = tpu.memref_squeeze %dma_start3A_486 : memref<1x1x1x8x128xf32, #tpu.memory_space<hbm>> -> memref<8x128xf32, #tpu.memory_space<hbm>>
      %dma_start3A_488 = arith.constant 0 : i32
      %dma_start3A_489 = arith.constant 0 : i32
      %dma_start3A_490 = tpu.memref_slice %arg7[%dma_start3A_473, %dma_start3A_474, %dma_start3A_488, %dma_start3A_489] : memref<2x8x8x129xf32, #tpu.memory_space<vmem>> -> memref<1x1x8x128xf32, #tpu.memory_space<vmem>>
      %dma_start3A_491 = tpu.memref_squeeze %dma_start3A_490 : memref<1x1x8x128xf32, #tpu.memory_space<vmem>> -> memref<8x128xf32, #tpu.memory_space<vmem>>
      tpu.enqueue_dma source(%dma_start3A_491 : memref<8x128xf32, #tpu.memory_space<vmem>>) target(%dma_start3A_487 : memref<8x128xf32, #tpu.memory_space<hbm>>) target_semaphore(%arg10 : memref<!tpu.dma_semaphore, #tpu.memory_space<semaphore_mem>>)
      %dma_start3A_492 = arith.constant 0 : i32
      %dma_start3A_493 = arith.constant 4 : i32
      %dma_start3A_494 = arith.constant 4 : i32
      %dma_start3A_495 = arith.constant 0 : i32
      %dma_start3A_496 = arith.constant 0 : i32
      %dma_start3A_497 = tpu.memref_slice %arg7[%dma_start3A_492, %dma_start3A_493, %dma_start3A_495, %dma_start3A_496] : memref<2x8x8x129xf32, #tpu.memory_space<vmem>> -> memref<1x1x8x128xf32, #tpu.memory_space<vmem>>
      %dma_start3A_498 = tpu.memref_squeeze %dma_start3A_497 : memref<1x1x8x128xf32, #tpu.memory_space<vmem>> -> memref<8x128xf32, #tpu.memory_space<vmem>>
      %dma_start3A_499 = arith.constant 0 : i32
      %dma_start3A_500 = arith.constant 0 : i32
      %dma_start3A_501 = tpu.memref_slice %arg4[%add3A_400, %dma_start3A_494, %add3A, %dma_start3A_499, %dma_start3A_500] : memref<50x8x32x8x128xf32, #tpu.memory_space<hbm>> -> memref<1x1x1x8x128xf32, #tpu.memory_space<hbm>>
      %dma_start3A_502 = tpu.memref_squeeze %dma_start3A_501 : memref<1x1x1x8x128xf32, #tpu.memory_space<hbm>> -> memref<8x128xf32, #tpu.memory_space<hbm>>
      %dma_start3A_503 = arith.constant 0 : i32
      %dma_start3A_504 = arith.constant 0 : i32
      %dma_start3A_505 = tpu.memref_slice %arg4[%add3A_400, %dma_start3A_494, %add3A, %dma_start3A_503, %dma_start3A_504] : memref<50x8x32x8x128xf32, #tpu.memory_space<hbm>> -> memref<1x1x1x8x128xf32, #tpu.memory_space<hbm>>
      %dma_start3A_506 = tpu.memref_squeeze %dma_start3A_505 : memref<1x1x1x8x128xf32, #tpu.memory_space<hbm>> -> memref<8x128xf32, #tpu.memory_space<hbm>>
      %dma_start3A_507 = arith.constant 0 : i32
      %dma_start3A_508 = arith.constant 0 : i32
      %dma_start3A_509 = tpu.memref_slice %arg7[%dma_start3A_492, %dma_start3A_493, %dma_start3A_507, %dma_start3A_508] : memref<2x8x8x129xf32, #tpu.memory_space<vmem>> -> memref<1x1x8x128xf32, #tpu.memory_space<vmem>>
      %dma_start3A_510 = tpu.memref_squeeze %dma_start3A_509 : memref<1x1x8x128xf32, #tpu.memory_space<vmem>> -> memref<8x128xf32, #tpu.memory_space<vmem>>
      tpu.enqueue_dma source(%dma_start3A_510 : memref<8x128xf32, #tpu.memory_space<vmem>>) target(%dma_start3A_506 : memref<8x128xf32, #tpu.memory_space<hbm>>) target_semaphore(%arg10 : memref<!tpu.dma_semaphore, #tpu.memory_space<semaphore_mem>>)
      %dma_start3A_511 = arith.constant 0 : i32
      %dma_start3A_512 = arith.constant 5 : i32
      %dma_start3A_513 = arith.constant 5 : i32
      %dma_start3A_514 = arith.constant 0 : i32
      %dma_start3A_515 = arith.constant 0 : i32
      %dma_start3A_516 = tpu.memref_slice %arg7[%dma_start3A_511, %dma_start3A_512, %dma_start3A_514, %dma_start3A_515] : memref<2x8x8x129xf32, #tpu.memory_space<vmem>> -> memref<1x1x8x128xf32, #tpu.memory_space<vmem>>
      %dma_start3A_517 = tpu.memref_squeeze %dma_start3A_516 : memref<1x1x8x128xf32, #tpu.memory_space<vmem>> -> memref<8x128xf32, #tpu.memory_space<vmem>>
      %dma_start3A_518 = arith.constant 0 : i32
      %dma_start3A_519 = arith.constant 0 : i32
      %dma_start3A_520 = tpu.memref_slice %arg4[%add3A_400, %dma_start3A_513, %add3A, %dma_start3A_518, %dma_start3A_519] : memref<50x8x32x8x128xf32, #tpu.memory_space<hbm>> -> memref<1x1x1x8x128xf32, #tpu.memory_space<hbm>>
      %dma_start3A_521 = tpu.memref_squeeze %dma_start3A_520 : memref<1x1x1x8x128xf32, #tpu.memory_space<hbm>> -> memref<8x128xf32, #tpu.memory_space<hbm>>
      %dma_start3A_522 = arith.constant 0 : i32
      %dma_start3A_523 = arith.constant 0 : i32
      %dma_start3A_524 = tpu.memref_slice %arg4[%add3A_400, %dma_start3A_513, %add3A, %dma_start3A_522, %dma_start3A_523] : memref<50x8x32x8x128xf32, #tpu.memory_space<hbm>> -> memref<1x1x1x8x128xf32, #tpu.memory_space<hbm>>
      %dma_start3A_525 = tpu.memref_squeeze %dma_start3A_524 : memref<1x1x1x8x128xf32, #tpu.memory_space<hbm>> -> memref<8x128xf32, #tpu.memory_space<hbm>>
      %dma_start3A_526 = arith.constant 0 : i32
      %dma_start3A_527 = arith.constant 0 : i32
      %dma_start3A_528 = tpu.memref_slice %arg7[%dma_start3A_511, %dma_start3A_512, %dma_start3A_526, %dma_start3A_527] : memref<2x8x8x129xf32, #tpu.memory_space<vmem>> -> memref<1x1x8x128xf32, #tpu.memory_space<vmem>>
      %dma_start3A_529 = tpu.memref_squeeze %dma_start3A_528 : memref<1x1x8x128xf32, #tpu.memory_space<vmem>> -> memref<8x128xf32, #tpu.memory_space<vmem>>
      tpu.enqueue_dma source(%dma_start3A_529 : memref<8x128xf32, #tpu.memory_space<vmem>>) target(%dma_start3A_525 : memref<8x128xf32, #tpu.memory_space<hbm>>) target_semaphore(%arg10 : memref<!tpu.dma_semaphore, #tpu.memory_space<semaphore_mem>>)
      %dma_start3A_530 = arith.constant 0 : i32
      %dma_start3A_531 = arith.constant 6 : i32
      %dma_start3A_532 = arith.constant 6 : i32
      %dma_start3A_533 = arith.constant 0 : i32
      %dma_start3A_534 = arith.constant 0 : i32
      %dma_start3A_535 = tpu.memref_slice %arg7[%dma_start3A_530, %dma_start3A_531, %dma_start3A_533, %dma_start3A_534] : memref<2x8x8x129xf32, #tpu.memory_space<vmem>> -> memref<1x1x8x128xf32, #tpu.memory_space<vmem>>
      %dma_start3A_536 = tpu.memref_squeeze %dma_start3A_535 : memref<1x1x8x128xf32, #tpu.memory_space<vmem>> -> memref<8x128xf32, #tpu.memory_space<vmem>>
      %dma_start3A_537 = arith.constant 0 : i32
      %dma_start3A_538 = arith.constant 0 : i32
      %dma_start3A_539 = tpu.memref_slice %arg4[%add3A_400, %dma_start3A_532, %add3A, %dma_start3A_537, %dma_start3A_538] : memref<50x8x32x8x128xf32, #tpu.memory_space<hbm>> -> memref<1x1x1x8x128xf32, #tpu.memory_space<hbm>>
      %dma_start3A_540 = tpu.memref_squeeze %dma_start3A_539 : memref<1x1x1x8x128xf32, #tpu.memory_space<hbm>> -> memref<8x128xf32, #tpu.memory_space<hbm>>
      %dma_start3A_541 = arith.constant 0 : i32
      %dma_start3A_542 = arith.constant 0 : i32
      %dma_start3A_543 = tpu.memref_slice %arg4[%add3A_400, %dma_start3A_532, %add3A, %dma_start3A_541, %dma_start3A_542] : memref<50x8x32x8x128xf32, #tpu.memory_space<hbm>> -> memref<1x1x1x8x128xf32, #tpu.memory_space<hbm>>
      %dma_start3A_544 = tpu.memref_squeeze %dma_start3A_543 : memref<1x1x1x8x128xf32, #tpu.memory_space<hbm>> -> memref<8x128xf32, #tpu.memory_space<hbm>>
      %dma_start3A_545 = arith.constant 0 : i32
      %dma_start3A_546 = arith.constant 0 : i32
      %dma_start3A_547 = tpu.memref_slice %arg7[%dma_start3A_530, %dma_start3A_531, %dma_start3A_545, %dma_start3A_546] : memref<2x8x8x129xf32, #tpu.memory_space<vmem>> -> memref<1x1x8x128xf32, #tpu.memory_space<vmem>>
      %dma_start3A_548 = tpu.memref_squeeze %dma_start3A_547 : memref<1x1x8x128xf32, #tpu.memory_space<vmem>> -> memref<8x128xf32, #tpu.memory_space<vmem>>
      tpu.enqueue_dma source(%dma_start3A_548 : memref<8x128xf32, #tpu.memory_space<vmem>>) target(%dma_start3A_544 : memref<8x128xf32, #tpu.memory_space<hbm>>) target_semaphore(%arg10 : memref<!tpu.dma_semaphore, #tpu.memory_space<semaphore_mem>>)
      %dma_start3A_549 = arith.constant 0 : i32
      %dma_start3A_550 = arith.constant 7 : i32
      %dma_start3A_551 = arith.constant 7 : i32
      %dma_start3A_552 = arith.constant 0 : i32
      %dma_start3A_553 = arith.constant 0 : i32
      %dma_start3A_554 = tpu.memref_slice %arg7[%dma_start3A_549, %dma_start3A_550, %dma_start3A_552, %dma_start3A_553] : memref<2x8x8x129xf32, #tpu.memory_space<vmem>> -> memref<1x1x8x128xf32, #tpu.memory_space<vmem>>
      %dma_start3A_555 = tpu.memref_squeeze %dma_start3A_554 : memref<1x1x8x128xf32, #tpu.memory_space<vmem>> -> memref<8x128xf32, #tpu.memory_space<vmem>>
      %dma_start3A_556 = arith.constant 0 : i32
      %dma_start3A_557 = arith.constant 0 : i32
      %dma_start3A_558 = tpu.memref_slice %arg4[%add3A_400, %dma_start3A_551, %add3A, %dma_start3A_556, %dma_start3A_557] : memref<50x8x32x8x128xf32, #tpu.memory_space<hbm>> -> memref<1x1x1x8x128xf32, #tpu.memory_space<hbm>>
      %dma_start3A_559 = tpu.memref_squeeze %dma_start3A_558 : memref<1x1x1x8x128xf32, #tpu.memory_space<hbm>> -> memref<8x128xf32, #tpu.memory_space<hbm>>
      %dma_start3A_560 = arith.constant 0 : i32
      %dma_start3A_561 = arith.constant 0 : i32
      %dma_start3A_562 = tpu.memref_slice %arg4[%add3A_400, %dma_start3A_551, %add3A, %dma_start3A_560, %dma_start3A_561] : memref<50x8x32x8x128xf32, #tpu.memory_space<hbm>> -> memref<1x1x1x8x128xf32, #tpu.memory_space<hbm>>
      %dma_start3A_563 = tpu.memref_squeeze %dma_start3A_562 : memref<1x1x1x8x128xf32, #tpu.memory_space<hbm>> -> memref<8x128xf32, #tpu.memory_space<hbm>>
      %dma_start3A_564 = arith.constant 0 : i32
      %dma_start3A_565 = arith.constant 0 : i32
      %dma_start3A_566 = tpu.memref_slice %arg7[%dma_start3A_549, %dma_start3A_550, %dma_start3A_564, %dma_start3A_565] : memref<2x8x8x129xf32, #tpu.memory_space<vmem>> -> memref<1x1x8x128xf32, #tpu.memory_space<vmem>>
      %dma_start3A_567 = tpu.memref_squeeze %dma_start3A_566 : memref<1x1x8x128xf32, #tpu.memory_space<vmem>> -> memref<8x128xf32, #tpu.memory_space<vmem>>
      tpu.enqueue_dma source(%dma_start3A_567 : memref<8x128xf32, #tpu.memory_space<vmem>>) target(%dma_start3A_563 : memref<8x128xf32, #tpu.memory_space<hbm>>) target_semaphore(%arg10 : memref<!tpu.dma_semaphore, #tpu.memory_space<semaphore_mem>>)
      %lt3A = arith.constant 24 : i32
      %lt3A_568 = arith.cmpi slt, %scan3A_396, %lt3A : i32
      %convert_element_type3A_569 = arith.extui %lt3A_568 : i1 to i32
      %cond3A_570 = arith.constant 0 : i32
      %cond3A_571 = arith.cmpi ne, %convert_element_type3A_569, %cond3A_570 : i32
      scf.if %cond3A_571 {
        %add3A_752 = arith.constant 2 : i32
        %add3A_753 = arith.addi %add3A_400, %add3A_752 : i32
        %dma_start3A_754 = arith.constant 0 : i32
        %dma_start3A_755 = arith.constant 0 : i32
        %dma_start3A_756 = arith.constant 0 : i32
        %dma_start3A_757 = tpu.memref_slice %arg6[%dma_start3A_754, %dma_start3A_755, %dma_start3A_756] : memref<2x128x64xf32, #tpu.memory_space<vmem>> -> memref<1x128x64xf32, #tpu.memory_space<vmem>>
        %dma_start3A_758 = tpu.memref_squeeze %dma_start3A_757 : memref<1x128x64xf32, #tpu.memory_space<vmem>> -> memref<128x64xf32, #tpu.memory_space<vmem>>
        %dma_start3A_759 = arith.constant 0 : i32
        %dma_start3A_760 = tpu.memref_slice %arg5[%add3A_753, %dma_start3A_759] : memref<50x128xi32, #tpu.memory_space<vmem>> -> memref<1x128xi32, #tpu.memory_space<vmem>>
        %dma_start3A_761 = tpu.memref_squeeze %dma_start3A_760 : memref<1x128xi32, #tpu.memory_space<vmem>> -> memref<128xi32, #tpu.memory_space<vmem>>
        %dma_start3A_762 = arith.constant 0 : i32
        %dma_start3A_763 = arith.constant 0 : i32
        %dma_start3A_764 = tpu.memref_slice %arg3[%dma_start3A_762, %dma_start3A_763] : memref<100000x64xf32, #tpu.memory_space<hbm>> -> memref<100000x64xf32, #tpu.memory_space<hbm>>
        tpu.enqueue_indirect_dma source(%dma_start3A_764 : memref<100000x64xf32, #tpu.memory_space<hbm>>) target(%dma_start3A_758 : memref<128x64xf32, #tpu.memory_space<vmem>>) offsets(%dma_start3A_761 : memref<128xi32, #tpu.memory_space<vmem>>) semaphore(%arg8 : memref<!tpu.dma_semaphore, #tpu.memory_space<semaphore_mem>>)
      } else {
      }
      %mul3A_572 = arith.constant 2 : i32
      %mul3A_573 = arith.muli %mul3A_572, %scan3A_396 : i32
      %add3A_574 = arith.constant 1 : i32
      %add3A_575 = arith.addi %mul3A_573, %add3A_574 : i32
      %dma_wait3A_576 = arith.constant 1 : i32
      %dma_wait3A_577 = arith.constant 0 : i32
      %dma_wait3A_578 = arith.constant 0 : i32
      %dma_wait3A_579 = tpu.memref_slice %arg6[%dma_wait3A_576, %dma_wait3A_577, %dma_wait3A_578] : memref<2x128x64xf32, #tpu.memory_space<vmem>> -> memref<1x128x64xf32, #tpu.memory_space<vmem>>
      %dma_wait3A_580 = tpu.memref_squeeze %dma_wait3A_579 : memref<1x128x64xf32, #tpu.memory_space<vmem>> -> memref<128x64xf32, #tpu.memory_space<vmem>>
      %dma_wait3A_581 = arith.constant 0 : i32
      %dma_wait3A_582 = tpu.memref_slice %arg5[%add3A_575, %dma_wait3A_581] : memref<50x128xi32, #tpu.memory_space<vmem>> -> memref<1x128xi32, #tpu.memory_space<vmem>>
      %dma_wait3A_583 = tpu.memref_squeeze %dma_wait3A_582 : memref<1x128xi32, #tpu.memory_space<vmem>> -> memref<128xi32, #tpu.memory_space<vmem>>
      %dma_wait3A_584 = arith.constant 0 : i32
      %dma_wait3A_585 = arith.constant 0 : i32
      %dma_wait3A_586 = tpu.memref_slice %arg3[%dma_wait3A_584, %dma_wait3A_585] : memref<100000x64xf32, #tpu.memory_space<hbm>> -> memref<100000x64xf32, #tpu.memory_space<hbm>>
      tpu.wait_indirect_dma semaphore(%arg9 : memref<!tpu.dma_semaphore, #tpu.memory_space<semaphore_mem>>) src(%dma_wait3A_586 : memref<100000x64xf32, #tpu.memory_space<hbm>>) dst(%dma_wait3A_580 : memref<128x64xf32, #tpu.memory_space<vmem>>)
      %gt3A_587 = arith.constant 0 : i32
      %gt3A_588 = arith.cmpi sgt, %scan3A_396, %gt3A_587 : i32
      %convert_element_type3A_589 = arith.extui %gt3A_588 : i1 to i32
      %cond3A_590 = arith.constant 0 : i32
      %cond3A_591 = arith.cmpi ne, %convert_element_type3A_589, %cond3A_590 : i32
      scf.if %cond3A_591 {
        %sub3A = arith.constant 2 : i32
        %sub3A_752 = arith.subi %add3A_575, %sub3A : i32
        %dma_wait3A_753 = arith.constant 1 : i32
        %dma_wait3A_754 = arith.constant 0 : i32
        %dma_wait3A_755 = arith.constant 0 : i32
        %dma_wait3A_756 = arith.constant 0 : i32
        %dma_wait3A_757 = arith.constant 0 : i32
        %dma_wait3A_758 = tpu.memref_slice %arg7[%dma_wait3A_753, %dma_wait3A_754, %dma_wait3A_756, %dma_wait3A_757] : memref<2x8x8x129xf32, #tpu.memory_space<vmem>> -> memref<1x1x8x128xf32, #tpu.memory_space<vmem>>
        %dma_wait3A_759 = tpu.memref_squeeze %dma_wait3A_758 : memref<1x1x8x128xf32, #tpu.memory_space<vmem>> -> memref<8x128xf32, #tpu.memory_space<vmem>>
        %dma_wait3A_760 = arith.constant 0 : i32
        %dma_wait3A_761 = arith.constant 0 : i32
        %dma_wait3A_762 = tpu.memref_slice %arg4[%sub3A_752, %dma_wait3A_755, %add3A, %dma_wait3A_760, %dma_wait3A_761] : memref<50x8x32x8x128xf32, #tpu.memory_space<hbm>> -> memref<1x1x1x8x128xf32, #tpu.memory_space<hbm>>
        %dma_wait3A_763 = tpu.memref_squeeze %dma_wait3A_762 : memref<1x1x1x8x128xf32, #tpu.memory_space<hbm>> -> memref<8x128xf32, #tpu.memory_space<hbm>>
        %dma_wait3A_764 = arith.constant 0 : i32
        %dma_wait3A_765 = arith.constant 0 : i32
        %dma_wait3A_766 = tpu.memref_slice %arg4[%sub3A_752, %dma_wait3A_755, %add3A, %dma_wait3A_764, %dma_wait3A_765] : memref<50x8x32x8x128xf32, #tpu.memory_space<hbm>> -> memref<1x1x1x8x128xf32, #tpu.memory_space<hbm>>
        %dma_wait3A_767 = tpu.memref_squeeze %dma_wait3A_766 : memref<1x1x1x8x128xf32, #tpu.memory_space<hbm>> -> memref<8x128xf32, #tpu.memory_space<hbm>>
        %dma_wait3A_768 = arith.constant 0 : i32
        %dma_wait3A_769 = arith.constant 0 : i32
        %dma_wait3A_770 = tpu.memref_slice %arg7[%dma_wait3A_753, %dma_wait3A_754, %dma_wait3A_768, %dma_wait3A_769] : memref<2x8x8x129xf32, #tpu.memory_space<vmem>> -> memref<1x1x8x128xf32, #tpu.memory_space<vmem>>
        %dma_wait3A_771 = tpu.memref_squeeze %dma_wait3A_770 : memref<1x1x8x128xf32, #tpu.memory_space<vmem>> -> memref<8x128xf32, #tpu.memory_space<vmem>>
        tpu.wait_dma2 semaphore(%arg11 : memref<!tpu.dma_semaphore, #tpu.memory_space<semaphore_mem>>) src(%dma_wait3A_771 : memref<8x128xf32, #tpu.memory_space<vmem>>) dst(%dma_wait3A_767 : memref<8x128xf32, #tpu.memory_space<hbm>>)
        %dma_wait3A_772 = arith.constant 1 : i32
        %dma_wait3A_773 = arith.constant 1 : i32
        %dma_wait3A_774 = arith.constant 1 : i32
        %dma_wait3A_775 = arith.constant 0 : i32
        %dma_wait3A_776 = arith.constant 0 : i32
        %dma_wait3A_777 = tpu.memref_slice %arg7[%dma_wait3A_772, %dma_wait3A_773, %dma_wait3A_775, %dma_wait3A_776] : memref<2x8x8x129xf32, #tpu.memory_space<vmem>> -> memref<1x1x8x128xf32, #tpu.memory_space<vmem>>
        %dma_wait3A_778 = tpu.memref_squeeze %dma_wait3A_777 : memref<1x1x8x128xf32, #tpu.memory_space<vmem>> -> memref<8x128xf32, #tpu.memory_space<vmem>>
        %dma_wait3A_779 = arith.constant 0 : i32
        %dma_wait3A_780 = arith.constant 0 : i32
        %dma_wait3A_781 = tpu.memref_slice %arg4[%sub3A_752, %dma_wait3A_774, %add3A, %dma_wait3A_779, %dma_wait3A_780] : memref<50x8x32x8x128xf32, #tpu.memory_space<hbm>> -> memref<1x1x1x8x128xf32, #tpu.memory_space<hbm>>
        %dma_wait3A_782 = tpu.memref_squeeze %dma_wait3A_781 : memref<1x1x1x8x128xf32, #tpu.memory_space<hbm>> -> memref<8x128xf32, #tpu.memory_space<hbm>>
        %dma_wait3A_783 = arith.constant 0 : i32
        %dma_wait3A_784 = arith.constant 0 : i32
        %dma_wait3A_785 = tpu.memref_slice %arg4[%sub3A_752, %dma_wait3A_774, %add3A, %dma_wait3A_783, %dma_wait3A_784] : memref<50x8x32x8x128xf32, #tpu.memory_space<hbm>> -> memref<1x1x1x8x128xf32, #tpu.memory_space<hbm>>
        %dma_wait3A_786 = tpu.memref_squeeze %dma_wait3A_785 : memref<1x1x1x8x128xf32, #tpu.memory_space<hbm>> -> memref<8x128xf32, #tpu.memory_space<hbm>>
        %dma_wait3A_787 = arith.constant 0 : i32
        %dma_wait3A_788 = arith.constant 0 : i32
        %dma_wait3A_789 = tpu.memref_slice %arg7[%dma_wait3A_772, %dma_wait3A_773, %dma_wait3A_787, %dma_wait3A_788] : memref<2x8x8x129xf32, #tpu.memory_space<vmem>> -> memref<1x1x8x128xf32, #tpu.memory_space<vmem>>
        %dma_wait3A_790 = tpu.memref_squeeze %dma_wait3A_789 : memref<1x1x8x128xf32, #tpu.memory_space<vmem>> -> memref<8x128xf32, #tpu.memory_space<vmem>>
        tpu.wait_dma2 semaphore(%arg11 : memref<!tpu.dma_semaphore, #tpu.memory_space<semaphore_mem>>) src(%dma_wait3A_790 : memref<8x128xf32, #tpu.memory_space<vmem>>) dst(%dma_wait3A_786 : memref<8x128xf32, #tpu.memory_space<hbm>>)
        %dma_wait3A_791 = arith.constant 1 : i32
        %dma_wait3A_792 = arith.constant 2 : i32
        %dma_wait3A_793 = arith.constant 2 : i32
        %dma_wait3A_794 = arith.constant 0 : i32
        %dma_wait3A_795 = arith.constant 0 : i32
        %dma_wait3A_796 = tpu.memref_slice %arg7[%dma_wait3A_791, %dma_wait3A_792, %dma_wait3A_794, %dma_wait3A_795] : memref<2x8x8x129xf32, #tpu.memory_space<vmem>> -> memref<1x1x8x128xf32, #tpu.memory_space<vmem>>
        %dma_wait3A_797 = tpu.memref_squeeze %dma_wait3A_796 : memref<1x1x8x128xf32, #tpu.memory_space<vmem>> -> memref<8x128xf32, #tpu.memory_space<vmem>>
        %dma_wait3A_798 = arith.constant 0 : i32
        %dma_wait3A_799 = arith.constant 0 : i32
        %dma_wait3A_800 = tpu.memref_slice %arg4[%sub3A_752, %dma_wait3A_793, %add3A, %dma_wait3A_798, %dma_wait3A_799] : memref<50x8x32x8x128xf32, #tpu.memory_space<hbm>> -> memref<1x1x1x8x128xf32, #tpu.memory_space<hbm>>
        %dma_wait3A_801 = tpu.memref_squeeze %dma_wait3A_800 : memref<1x1x1x8x128xf32, #tpu.memory_space<hbm>> -> memref<8x128xf32, #tpu.memory_space<hbm>>
        %dma_wait3A_802 = arith.constant 0 : i32
        %dma_wait3A_803 = arith.constant 0 : i32
        %dma_wait3A_804 = tpu.memref_slice %arg4[%sub3A_752, %dma_wait3A_793, %add3A, %dma_wait3A_802, %dma_wait3A_803] : memref<50x8x32x8x128xf32, #tpu.memory_space<hbm>> -> memref<1x1x1x8x128xf32, #tpu.memory_space<hbm>>
        %dma_wait3A_805 = tpu.memref_squeeze %dma_wait3A_804 : memref<1x1x1x8x128xf32, #tpu.memory_space<hbm>> -> memref<8x128xf32, #tpu.memory_space<hbm>>
        %dma_wait3A_806 = arith.constant 0 : i32
        %dma_wait3A_807 = arith.constant 0 : i32
        %dma_wait3A_808 = tpu.memref_slice %arg7[%dma_wait3A_791, %dma_wait3A_792, %dma_wait3A_806, %dma_wait3A_807] : memref<2x8x8x129xf32, #tpu.memory_space<vmem>> -> memref<1x1x8x128xf32, #tpu.memory_space<vmem>>
        %dma_wait3A_809 = tpu.memref_squeeze %dma_wait3A_808 : memref<1x1x8x128xf32, #tpu.memory_space<vmem>> -> memref<8x128xf32, #tpu.memory_space<vmem>>
        tpu.wait_dma2 semaphore(%arg11 : memref<!tpu.dma_semaphore, #tpu.memory_space<semaphore_mem>>) src(%dma_wait3A_809 : memref<8x128xf32, #tpu.memory_space<vmem>>) dst(%dma_wait3A_805 : memref<8x128xf32, #tpu.memory_space<hbm>>)
        %dma_wait3A_810 = arith.constant 1 : i32
        %dma_wait3A_811 = arith.constant 3 : i32
        %dma_wait3A_812 = arith.constant 3 : i32
        %dma_wait3A_813 = arith.constant 0 : i32
        %dma_wait3A_814 = arith.constant 0 : i32
        %dma_wait3A_815 = tpu.memref_slice %arg7[%dma_wait3A_810, %dma_wait3A_811, %dma_wait3A_813, %dma_wait3A_814] : memref<2x8x8x129xf32, #tpu.memory_space<vmem>> -> memref<1x1x8x128xf32, #tpu.memory_space<vmem>>
        %dma_wait3A_816 = tpu.memref_squeeze %dma_wait3A_815 : memref<1x1x8x128xf32, #tpu.memory_space<vmem>> -> memref<8x128xf32, #tpu.memory_space<vmem>>
        %dma_wait3A_817 = arith.constant 0 : i32
        %dma_wait3A_818 = arith.constant 0 : i32
        %dma_wait3A_819 = tpu.memref_slice %arg4[%sub3A_752, %dma_wait3A_812, %add3A, %dma_wait3A_817, %dma_wait3A_818] : memref<50x8x32x8x128xf32, #tpu.memory_space<hbm>> -> memref<1x1x1x8x128xf32, #tpu.memory_space<hbm>>
        %dma_wait3A_820 = tpu.memref_squeeze %dma_wait3A_819 : memref<1x1x1x8x128xf32, #tpu.memory_space<hbm>> -> memref<8x128xf32, #tpu.memory_space<hbm>>
        %dma_wait3A_821 = arith.constant 0 : i32
        %dma_wait3A_822 = arith.constant 0 : i32
        %dma_wait3A_823 = tpu.memref_slice %arg4[%sub3A_752, %dma_wait3A_812, %add3A, %dma_wait3A_821, %dma_wait3A_822] : memref<50x8x32x8x128xf32, #tpu.memory_space<hbm>> -> memref<1x1x1x8x128xf32, #tpu.memory_space<hbm>>
        %dma_wait3A_824 = tpu.memref_squeeze %dma_wait3A_823 : memref<1x1x1x8x128xf32, #tpu.memory_space<hbm>> -> memref<8x128xf32, #tpu.memory_space<hbm>>
        %dma_wait3A_825 = arith.constant 0 : i32
        %dma_wait3A_826 = arith.constant 0 : i32
        %dma_wait3A_827 = tpu.memref_slice %arg7[%dma_wait3A_810, %dma_wait3A_811, %dma_wait3A_825, %dma_wait3A_826] : memref<2x8x8x129xf32, #tpu.memory_space<vmem>> -> memref<1x1x8x128xf32, #tpu.memory_space<vmem>>
        %dma_wait3A_828 = tpu.memref_squeeze %dma_wait3A_827 : memref<1x1x8x128xf32, #tpu.memory_space<vmem>> -> memref<8x128xf32, #tpu.memory_space<vmem>>
        tpu.wait_dma2 semaphore(%arg11 : memref<!tpu.dma_semaphore, #tpu.memory_space<semaphore_mem>>) src(%dma_wait3A_828 : memref<8x128xf32, #tpu.memory_space<vmem>>) dst(%dma_wait3A_824 : memref<8x128xf32, #tpu.memory_space<hbm>>)
        %dma_wait3A_829 = arith.constant 1 : i32
        %dma_wait3A_830 = arith.constant 4 : i32
        %dma_wait3A_831 = arith.constant 4 : i32
        %dma_wait3A_832 = arith.constant 0 : i32
        %dma_wait3A_833 = arith.constant 0 : i32
        %dma_wait3A_834 = tpu.memref_slice %arg7[%dma_wait3A_829, %dma_wait3A_830, %dma_wait3A_832, %dma_wait3A_833] : memref<2x8x8x129xf32, #tpu.memory_space<vmem>> -> memref<1x1x8x128xf32, #tpu.memory_space<vmem>>
        %dma_wait3A_835 = tpu.memref_squeeze %dma_wait3A_834 : memref<1x1x8x128xf32, #tpu.memory_space<vmem>> -> memref<8x128xf32, #tpu.memory_space<vmem>>
        %dma_wait3A_836 = arith.constant 0 : i32
        %dma_wait3A_837 = arith.constant 0 : i32
        %dma_wait3A_838 = tpu.memref_slice %arg4[%sub3A_752, %dma_wait3A_831, %add3A, %dma_wait3A_836, %dma_wait3A_837] : memref<50x8x32x8x128xf32, #tpu.memory_space<hbm>> -> memref<1x1x1x8x128xf32, #tpu.memory_space<hbm>>
        %dma_wait3A_839 = tpu.memref_squeeze %dma_wait3A_838 : memref<1x1x1x8x128xf32, #tpu.memory_space<hbm>> -> memref<8x128xf32, #tpu.memory_space<hbm>>
        %dma_wait3A_840 = arith.constant 0 : i32
        %dma_wait3A_841 = arith.constant 0 : i32
        %dma_wait3A_842 = tpu.memref_slice %arg4[%sub3A_752, %dma_wait3A_831, %add3A, %dma_wait3A_840, %dma_wait3A_841] : memref<50x8x32x8x128xf32, #tpu.memory_space<hbm>> -> memref<1x1x1x8x128xf32, #tpu.memory_space<hbm>>
        %dma_wait3A_843 = tpu.memref_squeeze %dma_wait3A_842 : memref<1x1x1x8x128xf32, #tpu.memory_space<hbm>> -> memref<8x128xf32, #tpu.memory_space<hbm>>
        %dma_wait3A_844 = arith.constant 0 : i32
        %dma_wait3A_845 = arith.constant 0 : i32
        %dma_wait3A_846 = tpu.memref_slice %arg7[%dma_wait3A_829, %dma_wait3A_830, %dma_wait3A_844, %dma_wait3A_845] : memref<2x8x8x129xf32, #tpu.memory_space<vmem>> -> memref<1x1x8x128xf32, #tpu.memory_space<vmem>>
        %dma_wait3A_847 = tpu.memref_squeeze %dma_wait3A_846 : memref<1x1x8x128xf32, #tpu.memory_space<vmem>> -> memref<8x128xf32, #tpu.memory_space<vmem>>
        tpu.wait_dma2 semaphore(%arg11 : memref<!tpu.dma_semaphore, #tpu.memory_space<semaphore_mem>>) src(%dma_wait3A_847 : memref<8x128xf32, #tpu.memory_space<vmem>>) dst(%dma_wait3A_843 : memref<8x128xf32, #tpu.memory_space<hbm>>)
        %dma_wait3A_848 = arith.constant 1 : i32
        %dma_wait3A_849 = arith.constant 5 : i32
        %dma_wait3A_850 = arith.constant 5 : i32
        %dma_wait3A_851 = arith.constant 0 : i32
        %dma_wait3A_852 = arith.constant 0 : i32
        %dma_wait3A_853 = tpu.memref_slice %arg7[%dma_wait3A_848, %dma_wait3A_849, %dma_wait3A_851, %dma_wait3A_852] : memref<2x8x8x129xf32, #tpu.memory_space<vmem>> -> memref<1x1x8x128xf32, #tpu.memory_space<vmem>>
        %dma_wait3A_854 = tpu.memref_squeeze %dma_wait3A_853 : memref<1x1x8x128xf32, #tpu.memory_space<vmem>> -> memref<8x128xf32, #tpu.memory_space<vmem>>
        %dma_wait3A_855 = arith.constant 0 : i32
        %dma_wait3A_856 = arith.constant 0 : i32
        %dma_wait3A_857 = tpu.memref_slice %arg4[%sub3A_752, %dma_wait3A_850, %add3A, %dma_wait3A_855, %dma_wait3A_856] : memref<50x8x32x8x128xf32, #tpu.memory_space<hbm>> -> memref<1x1x1x8x128xf32, #tpu.memory_space<hbm>>
        %dma_wait3A_858 = tpu.memref_squeeze %dma_wait3A_857 : memref<1x1x1x8x128xf32, #tpu.memory_space<hbm>> -> memref<8x128xf32, #tpu.memory_space<hbm>>
        %dma_wait3A_859 = arith.constant 0 : i32
        %dma_wait3A_860 = arith.constant 0 : i32
        %dma_wait3A_861 = tpu.memref_slice %arg4[%sub3A_752, %dma_wait3A_850, %add3A, %dma_wait3A_859, %dma_wait3A_860] : memref<50x8x32x8x128xf32, #tpu.memory_space<hbm>> -> memref<1x1x1x8x128xf32, #tpu.memory_space<hbm>>
        %dma_wait3A_862 = tpu.memref_squeeze %dma_wait3A_861 : memref<1x1x1x8x128xf32, #tpu.memory_space<hbm>> -> memref<8x128xf32, #tpu.memory_space<hbm>>
        %dma_wait3A_863 = arith.constant 0 : i32
        %dma_wait3A_864 = arith.constant 0 : i32
        %dma_wait3A_865 = tpu.memref_slice %arg7[%dma_wait3A_848, %dma_wait3A_849, %dma_wait3A_863, %dma_wait3A_864] : memref<2x8x8x129xf32, #tpu.memory_space<vmem>> -> memref<1x1x8x128xf32, #tpu.memory_space<vmem>>
        %dma_wait3A_866 = tpu.memref_squeeze %dma_wait3A_865 : memref<1x1x8x128xf32, #tpu.memory_space<vmem>> -> memref<8x128xf32, #tpu.memory_space<vmem>>
        tpu.wait_dma2 semaphore(%arg11 : memref<!tpu.dma_semaphore, #tpu.memory_space<semaphore_mem>>) src(%dma_wait3A_866 : memref<8x128xf32, #tpu.memory_space<vmem>>) dst(%dma_wait3A_862 : memref<8x128xf32, #tpu.memory_space<hbm>>)
        %dma_wait3A_867 = arith.constant 1 : i32
        %dma_wait3A_868 = arith.constant 6 : i32
        %dma_wait3A_869 = arith.constant 6 : i32
        %dma_wait3A_870 = arith.constant 0 : i32
        %dma_wait3A_871 = arith.constant 0 : i32
        %dma_wait3A_872 = tpu.memref_slice %arg7[%dma_wait3A_867, %dma_wait3A_868, %dma_wait3A_870, %dma_wait3A_871] : memref<2x8x8x129xf32, #tpu.memory_space<vmem>> -> memref<1x1x8x128xf32, #tpu.memory_space<vmem>>
        %dma_wait3A_873 = tpu.memref_squeeze %dma_wait3A_872 : memref<1x1x8x128xf32, #tpu.memory_space<vmem>> -> memref<8x128xf32, #tpu.memory_space<vmem>>
        %dma_wait3A_874 = arith.constant 0 : i32
        %dma_wait3A_875 = arith.constant 0 : i32
        %dma_wait3A_876 = tpu.memref_slice %arg4[%sub3A_752, %dma_wait3A_869, %add3A, %dma_wait3A_874, %dma_wait3A_875] : memref<50x8x32x8x128xf32, #tpu.memory_space<hbm>> -> memref<1x1x1x8x128xf32, #tpu.memory_space<hbm>>
        %dma_wait3A_877 = tpu.memref_squeeze %dma_wait3A_876 : memref<1x1x1x8x128xf32, #tpu.memory_space<hbm>> -> memref<8x128xf32, #tpu.memory_space<hbm>>
        %dma_wait3A_878 = arith.constant 0 : i32
        %dma_wait3A_879 = arith.constant 0 : i32
        %dma_wait3A_880 = tpu.memref_slice %arg4[%sub3A_752, %dma_wait3A_869, %add3A, %dma_wait3A_878, %dma_wait3A_879] : memref<50x8x32x8x128xf32, #tpu.memory_space<hbm>> -> memref<1x1x1x8x128xf32, #tpu.memory_space<hbm>>
        %dma_wait3A_881 = tpu.memref_squeeze %dma_wait3A_880 : memref<1x1x1x8x128xf32, #tpu.memory_space<hbm>> -> memref<8x128xf32, #tpu.memory_space<hbm>>
        %dma_wait3A_882 = arith.constant 0 : i32
        %dma_wait3A_883 = arith.constant 0 : i32
        %dma_wait3A_884 = tpu.memref_slice %arg7[%dma_wait3A_867, %dma_wait3A_868, %dma_wait3A_882, %dma_wait3A_883] : memref<2x8x8x129xf32, #tpu.memory_space<vmem>> -> memref<1x1x8x128xf32, #tpu.memory_space<vmem>>
        %dma_wait3A_885 = tpu.memref_squeeze %dma_wait3A_884 : memref<1x1x8x128xf32, #tpu.memory_space<vmem>> -> memref<8x128xf32, #tpu.memory_space<vmem>>
        tpu.wait_dma2 semaphore(%arg11 : memref<!tpu.dma_semaphore, #tpu.memory_space<semaphore_mem>>) src(%dma_wait3A_885 : memref<8x128xf32, #tpu.memory_space<vmem>>) dst(%dma_wait3A_881 : memref<8x128xf32, #tpu.memory_space<hbm>>)
        %dma_wait3A_886 = arith.constant 1 : i32
        %dma_wait3A_887 = arith.constant 7 : i32
        %dma_wait3A_888 = arith.constant 7 : i32
        %dma_wait3A_889 = arith.constant 0 : i32
        %dma_wait3A_890 = arith.constant 0 : i32
        %dma_wait3A_891 = tpu.memref_slice %arg7[%dma_wait3A_886, %dma_wait3A_887, %dma_wait3A_889, %dma_wait3A_890] : memref<2x8x8x129xf32, #tpu.memory_space<vmem>> -> memref<1x1x8x128xf32, #tpu.memory_space<vmem>>
        %dma_wait3A_892 = tpu.memref_squeeze %dma_wait3A_891 : memref<1x1x8x128xf32, #tpu.memory_space<vmem>> -> memref<8x128xf32, #tpu.memory_space<vmem>>
        %dma_wait3A_893 = arith.constant 0 : i32
        %dma_wait3A_894 = arith.constant 0 : i32
        %dma_wait3A_895 = tpu.memref_slice %arg4[%sub3A_752, %dma_wait3A_888, %add3A, %dma_wait3A_893, %dma_wait3A_894] : memref<50x8x32x8x128xf32, #tpu.memory_space<hbm>> -> memref<1x1x1x8x128xf32, #tpu.memory_space<hbm>>
        %dma_wait3A_896 = tpu.memref_squeeze %dma_wait3A_895 : memref<1x1x1x8x128xf32, #tpu.memory_space<hbm>> -> memref<8x128xf32, #tpu.memory_space<hbm>>
        %dma_wait3A_897 = arith.constant 0 : i32
        %dma_wait3A_898 = arith.constant 0 : i32
        %dma_wait3A_899 = tpu.memref_slice %arg4[%sub3A_752, %dma_wait3A_888, %add3A, %dma_wait3A_897, %dma_wait3A_898] : memref<50x8x32x8x128xf32, #tpu.memory_space<hbm>> -> memref<1x1x1x8x128xf32, #tpu.memory_space<hbm>>
        %dma_wait3A_900 = tpu.memref_squeeze %dma_wait3A_899 : memref<1x1x1x8x128xf32, #tpu.memory_space<hbm>> -> memref<8x128xf32, #tpu.memory_space<hbm>>
        %dma_wait3A_901 = arith.constant 0 : i32
        %dma_wait3A_902 = arith.constant 0 : i32
        %dma_wait3A_903 = tpu.memref_slice %arg7[%dma_wait3A_886, %dma_wait3A_887, %dma_wait3A_901, %dma_wait3A_902] : memref<2x8x8x129xf32, #tpu.memory_space<vmem>> -> memref<1x1x8x128xf32, #tpu.memory_space<vmem>>
        %dma_wait3A_904 = tpu.memref_squeeze %dma_wait3A_903 : memref<1x1x8x128xf32, #tpu.memory_space<vmem>> -> memref<8x128xf32, #tpu.memory_space<vmem>>
        tpu.wait_dma2 semaphore(%arg11 : memref<!tpu.dma_semaphore, #tpu.memory_space<semaphore_mem>>) src(%dma_wait3A_904 : memref<8x128xf32, #tpu.memory_space<vmem>>) dst(%dma_wait3A_900 : memref<8x128xf32, #tpu.memory_space<hbm>>)
      } else {
      }
      %parallel_loop3A_592 = arith.constant 0 : i32
      %parallel_loop3A_593 = arith.constant 128 : i32
      %parallel_loop3A_594 = arith.constant 2 : i32
      scf.for %parallel_loop3A_752 = %parallel_loop3A_592 to %parallel_loop3A_593 step %parallel_loop3A_594  : i32 {
        %parallel_loop3A_753 = arith.constant 0 : i32
        %parallel_loop3A_754 = arith.addi %parallel_loop3A_752, %parallel_loop3A_753 : i32
        %parallel_loop3A_755 = arith.constant 0 : i32
        %parallel_loop3A_756 = vector.broadcast %parallel_loop3A_755 : i32 to vector<16xi32>
        %parallel_loop3A_757 = vector.broadcast %parallel_loop3A_754 : i32 to vector<16xi32>
        %parallel_loop3A_758 = arith.addi %parallel_loop3A_756, %parallel_loop3A_757 : vector<16xi32>
        %parallel_loop3A_759 = arith.constant 1 : i32
        %parallel_loop3A_760 = arith.index_cast %parallel_loop3A_759 : i32 to index
        %parallel_loop3A_761 = arith.index_cast %parallel_loop3A_754 : i32 to index
        %parallel_loop3A_762 = arith.constant 0 : index
        %parallel_loop3A_763 = tpu.vector_load %arg6[%parallel_loop3A_760, %parallel_loop3A_761, %parallel_loop3A_762] {strides = array<i32>} : memref<2x128x64xf32, #tpu.memory_space<vmem>>, vector<16xf32>,
        %parallel_loop3A_764 = arith.constant 1 : i32
        %parallel_loop3A_765 = arith.constant 0 : i32
        %parallel_loop3A_766 = arith.constant 0 : i32
        %parallel_loop3A_767 = arith.constant 0 : i32
        %parallel_loop3A_768 = tpu.memref_slice %arg7[%parallel_loop3A_764, %parallel_loop3A_765, %parallel_loop3A_766, %parallel_loop3A_767] : memref<2x8x8x129xf32, #tpu.memory_space<vmem>> -> memref<1x8x8x129xf32, #tpu.memory_space<vmem>>
        %parallel_loop3A_769 = tpu.memref_squeeze %parallel_loop3A_768 : memref<1x8x8x129xf32, #tpu.memory_space<vmem>> -> memref<8x8x129xf32, #tpu.memory_space<vmem>>
        tpu.vector_store_idx %parallel_loop3A_769[%shift_right_logical3A_7, %and3A_30, %parallel_loop3A_758], %parallel_loop3A_763 : memref<8x8x129xf32, #tpu.memory_space<vmem>>[vector<16xi32>, vector<16xi32>, vector<16xi32>], vector<16xf32>,
        %parallel_loop3A_770 = arith.constant 1 : i32
        %parallel_loop3A_771 = arith.index_cast %parallel_loop3A_770 : i32 to index
        %parallel_loop3A_772 = arith.index_cast %parallel_loop3A_754 : i32 to index
        %parallel_loop3A_773 = arith.constant 16 : index
        %parallel_loop3A_774 = tpu.vector_load %arg6[%parallel_loop3A_771, %parallel_loop3A_772, %parallel_loop3A_773] {strides = array<i32>} : memref<2x128x64xf32, #tpu.memory_space<vmem>>, vector<16xf32>,
        %parallel_loop3A_775 = arith.constant 1 : i32
        %parallel_loop3A_776 = arith.constant 0 : i32
        %parallel_loop3A_777 = arith.constant 0 : i32
        %parallel_loop3A_778 = arith.constant 0 : i32
        %parallel_loop3A_779 = tpu.memref_slice %arg7[%parallel_loop3A_775, %parallel_loop3A_776, %parallel_loop3A_777, %parallel_loop3A_778] : memref<2x8x8x129xf32, #tpu.memory_space<vmem>> -> memref<1x8x8x129xf32, #tpu.memory_space<vmem>>
        %parallel_loop3A_780 = tpu.memref_squeeze %parallel_loop3A_779 : memref<1x8x8x129xf32, #tpu.memory_space<vmem>> -> memref<8x8x129xf32, #tpu.memory_space<vmem>>
        tpu.vector_store_idx %parallel_loop3A_780[%shift_right_logical3A_13, %and3A_36, %parallel_loop3A_758], %parallel_loop3A_774 : memref<8x8x129xf32, #tpu.memory_space<vmem>>[vector<16xi32>, vector<16xi32>, vector<16xi32>], vector<16xf32>,
        %parallel_loop3A_781 = arith.constant 1 : i32
        %parallel_loop3A_782 = arith.index_cast %parallel_loop3A_781 : i32 to index
        %parallel_loop3A_783 = arith.index_cast %parallel_loop3A_754 : i32 to index
        %parallel_loop3A_784 = arith.constant 32 : index
        %parallel_loop3A_785 = tpu.vector_load %arg6[%parallel_loop3A_782, %parallel_loop3A_783, %parallel_loop3A_784] {strides = array<i32>} : memref<2x128x64xf32, #tpu.memory_space<vmem>>, vector<16xf32>,
        %parallel_loop3A_786 = arith.constant 1 : i32
        %parallel_loop3A_787 = arith.constant 0 : i32
        %parallel_loop3A_788 = arith.constant 0 : i32
        %parallel_loop3A_789 = arith.constant 0 : i32
        %parallel_loop3A_790 = tpu.memref_slice %arg7[%parallel_loop3A_786, %parallel_loop3A_787, %parallel_loop3A_788, %parallel_loop3A_789] : memref<2x8x8x129xf32, #tpu.memory_space<vmem>> -> memref<1x8x8x129xf32, #tpu.memory_space<vmem>>
        %parallel_loop3A_791 = tpu.memref_squeeze %parallel_loop3A_790 : memref<1x8x8x129xf32, #tpu.memory_space<vmem>> -> memref<8x8x129xf32, #tpu.memory_space<vmem>>
        tpu.vector_store_idx %parallel_loop3A_791[%shift_right_logical3A_19, %and3A_42, %parallel_loop3A_758], %parallel_loop3A_785 : memref<8x8x129xf32, #tpu.memory_space<vmem>>[vector<16xi32>, vector<16xi32>, vector<16xi32>], vector<16xf32>,
        %parallel_loop3A_792 = arith.constant 1 : i32
        %parallel_loop3A_793 = arith.index_cast %parallel_loop3A_792 : i32 to index
        %parallel_loop3A_794 = arith.index_cast %parallel_loop3A_754 : i32 to index
        %parallel_loop3A_795 = arith.constant 48 : index
        %parallel_loop3A_796 = tpu.vector_load %arg6[%parallel_loop3A_793, %parallel_loop3A_794, %parallel_loop3A_795] {strides = array<i32>} : memref<2x128x64xf32, #tpu.memory_space<vmem>>, vector<16xf32>,
        %parallel_loop3A_797 = arith.constant 1 : i32
        %parallel_loop3A_798 = arith.constant 0 : i32
        %parallel_loop3A_799 = arith.constant 0 : i32
        %parallel_loop3A_800 = arith.constant 0 : i32
        %parallel_loop3A_801 = tpu.memref_slice %arg7[%parallel_loop3A_797, %parallel_loop3A_798, %parallel_loop3A_799, %parallel_loop3A_800] : memref<2x8x8x129xf32, #tpu.memory_space<vmem>> -> memref<1x8x8x129xf32, #tpu.memory_space<vmem>>
        %parallel_loop3A_802 = tpu.memref_squeeze %parallel_loop3A_801 : memref<1x8x8x129xf32, #tpu.memory_space<vmem>> -> memref<8x8x129xf32, #tpu.memory_space<vmem>>
        tpu.vector_store_idx %parallel_loop3A_802[%shift_right_logical3A_25, %and3A_48, %parallel_loop3A_758], %parallel_loop3A_796 : memref<8x8x129xf32, #tpu.memory_space<vmem>>[vector<16xi32>, vector<16xi32>, vector<16xi32>], vector<16xf32>,
        %parallel_loop3A_803 = arith.constant 1 : i32
        %parallel_loop3A_804 = arith.addi %parallel_loop3A_752, %parallel_loop3A_803 : i32
        %parallel_loop3A_805 = arith.constant 0 : i32
        %parallel_loop3A_806 = vector.broadcast %parallel_loop3A_805 : i32 to vector<16xi32>
        %parallel_loop3A_807 = vector.broadcast %parallel_loop3A_804 : i32 to vector<16xi32>
        %parallel_loop3A_808 = arith.addi %parallel_loop3A_806, %parallel_loop3A_807 : vector<16xi32>
        %parallel_loop3A_809 = arith.constant 1 : i32
        %parallel_loop3A_810 = arith.index_cast %parallel_loop3A_809 : i32 to index
        %parallel_loop3A_811 = arith.index_cast %parallel_loop3A_804 : i32 to index
        %parallel_loop3A_812 = arith.constant 0 : index
        %parallel_loop3A_813 = tpu.vector_load %arg6[%parallel_loop3A_810, %parallel_loop3A_811, %parallel_loop3A_812] {strides = array<i32>} : memref<2x128x64xf32, #tpu.memory_space<vmem>>, vector<16xf32>,
        %parallel_loop3A_814 = arith.constant 1 : i32
        %parallel_loop3A_815 = arith.constant 0 : i32
        %parallel_loop3A_816 = arith.constant 0 : i32
        %parallel_loop3A_817 = arith.constant 0 : i32
        %parallel_loop3A_818 = tpu.memref_slice %arg7[%parallel_loop3A_814, %parallel_loop3A_815, %parallel_loop3A_816, %parallel_loop3A_817] : memref<2x8x8x129xf32, #tpu.memory_space<vmem>> -> memref<1x8x8x129xf32, #tpu.memory_space<vmem>>
        %parallel_loop3A_819 = tpu.memref_squeeze %parallel_loop3A_818 : memref<1x8x8x129xf32, #tpu.memory_space<vmem>> -> memref<8x8x129xf32, #tpu.memory_space<vmem>>
        tpu.vector_store_idx %parallel_loop3A_819[%shift_right_logical3A_7, %and3A_30, %parallel_loop3A_808], %parallel_loop3A_813 : memref<8x8x129xf32, #tpu.memory_space<vmem>>[vector<16xi32>, vector<16xi32>, vector<16xi32>], vector<16xf32>,
        %parallel_loop3A_820 = arith.constant 1 : i32
        %parallel_loop3A_821 = arith.index_cast %parallel_loop3A_820 : i32 to index
        %parallel_loop3A_822 = arith.index_cast %parallel_loop3A_804 : i32 to index
        %parallel_loop3A_823 = arith.constant 16 : index
        %parallel_loop3A_824 = tpu.vector_load %arg6[%parallel_loop3A_821, %parallel_loop3A_822, %parallel_loop3A_823] {strides = array<i32>} : memref<2x128x64xf32, #tpu.memory_space<vmem>>, vector<16xf32>,
        %parallel_loop3A_825 = arith.constant 1 : i32
        %parallel_loop3A_826 = arith.constant 0 : i32
        %parallel_loop3A_827 = arith.constant 0 : i32
        %parallel_loop3A_828 = arith.constant 0 : i32
        %parallel_loop3A_829 = tpu.memref_slice %arg7[%parallel_loop3A_825, %parallel_loop3A_826, %parallel_loop3A_827, %parallel_loop3A_828] : memref<2x8x8x129xf32, #tpu.memory_space<vmem>> -> memref<1x8x8x129xf32, #tpu.memory_space<vmem>>
        %parallel_loop3A_830 = tpu.memref_squeeze %parallel_loop3A_829 : memref<1x8x8x129xf32, #tpu.memory_space<vmem>> -> memref<8x8x129xf32, #tpu.memory_space<vmem>>
        tpu.vector_store_idx %parallel_loop3A_830[%shift_right_logical3A_13, %and3A_36, %parallel_loop3A_808], %parallel_loop3A_824 : memref<8x8x129xf32, #tpu.memory_space<vmem>>[vector<16xi32>, vector<16xi32>, vector<16xi32>], vector<16xf32>,
        %parallel_loop3A_831 = arith.constant 1 : i32
        %parallel_loop3A_832 = arith.index_cast %parallel_loop3A_831 : i32 to index
        %parallel_loop3A_833 = arith.index_cast %parallel_loop3A_804 : i32 to index
        %parallel_loop3A_834 = arith.constant 32 : index
        %parallel_loop3A_835 = tpu.vector_load %arg6[%parallel_loop3A_832, %parallel_loop3A_833, %parallel_loop3A_834] {strides = array<i32>} : memref<2x128x64xf32, #tpu.memory_space<vmem>>, vector<16xf32>,
        %parallel_loop3A_836 = arith.constant 1 : i32
        %parallel_loop3A_837 = arith.constant 0 : i32
        %parallel_loop3A_838 = arith.constant 0 : i32
        %parallel_loop3A_839 = arith.constant 0 : i32
        %parallel_loop3A_840 = tpu.memref_slice %arg7[%parallel_loop3A_836, %parallel_loop3A_837, %parallel_loop3A_838, %parallel_loop3A_839] : memref<2x8x8x129xf32, #tpu.memory_space<vmem>> -> memref<1x8x8x129xf32, #tpu.memory_space<vmem>>
        %parallel_loop3A_841 = tpu.memref_squeeze %parallel_loop3A_840 : memref<1x8x8x129xf32, #tpu.memory_space<vmem>> -> memref<8x8x129xf32, #tpu.memory_space<vmem>>
        tpu.vector_store_idx %parallel_loop3A_841[%shift_right_logical3A_19, %and3A_42, %parallel_loop3A_808], %parallel_loop3A_835 : memref<8x8x129xf32, #tpu.memory_space<vmem>>[vector<16xi32>, vector<16xi32>, vector<16xi32>], vector<16xf32>,
        %parallel_loop3A_842 = arith.constant 1 : i32
        %parallel_loop3A_843 = arith.index_cast %parallel_loop3A_842 : i32 to index
        %parallel_loop3A_844 = arith.index_cast %parallel_loop3A_804 : i32 to index
        %parallel_loop3A_845 = arith.constant 48 : index
        %parallel_loop3A_846 = tpu.vector_load %arg6[%parallel_loop3A_843, %parallel_loop3A_844, %parallel_loop3A_845] {strides = array<i32>} : memref<2x128x64xf32, #tpu.memory_space<vmem>>, vector<16xf32>,
        %parallel_loop3A_847 = arith.constant 1 : i32
        %parallel_loop3A_848 = arith.constant 0 : i32
        %parallel_loop3A_849 = arith.constant 0 : i32
        %parallel_loop3A_850 = arith.constant 0 : i32
        %parallel_loop3A_851 = tpu.memref_slice %arg7[%parallel_loop3A_847, %parallel_loop3A_848, %parallel_loop3A_849, %parallel_loop3A_850] : memref<2x8x8x129xf32, #tpu.memory_space<vmem>> -> memref<1x8x8x129xf32, #tpu.memory_space<vmem>>
        %parallel_loop3A_852 = tpu.memref_squeeze %parallel_loop3A_851 : memref<1x8x8x129xf32, #tpu.memory_space<vmem>> -> memref<8x8x129xf32, #tpu.memory_space<vmem>>
        tpu.vector_store_idx %parallel_loop3A_852[%shift_right_logical3A_25, %and3A_48, %parallel_loop3A_808], %parallel_loop3A_846 : memref<8x8x129xf32, #tpu.memory_space<vmem>>[vector<16xi32>, vector<16xi32>, vector<16xi32>], vector<16xf32>,
      } {sc.loop_unroll_factor = 1 : i64, sc.parallel_access}
      %dma_start3A_595 = arith.constant 1 : i32
      %dma_start3A_596 = arith.constant 0 : i32
      %dma_start3A_597 = arith.constant 0 : i32
      %dma_start3A_598 = arith.constant 0 : i32
      %dma_start3A_599 = arith.constant 0 : i32
      %dma_start3A_600 = tpu.memref_slice %arg7[%dma_start3A_595, %dma_start3A_596, %dma_start3A_598, %dma_start3A_599] : memref<2x8x8x129xf32, #tpu.memory_space<vmem>> -> memref<1x1x8x128xf32, #tpu.memory_space<vmem>>
      %dma_start3A_601 = tpu.memref_squeeze %dma_start3A_600 : memref<1x1x8x128xf32, #tpu.memory_space<vmem>> -> memref<8x128xf32, #tpu.memory_space<vmem>>
      %dma_start3A_602 = arith.constant 0 : i32
      %dma_start3A_603 = arith.constant 0 : i32
      %dma_start3A_604 = tpu.memref_slice %arg4[%add3A_575, %dma_start3A_597, %add3A, %dma_start3A_602, %dma_start3A_603] : memref<50x8x32x8x128xf32, #tpu.memory_space<hbm>> -> memref<1x1x1x8x128xf32, #tpu.memory_space<hbm>>
      %dma_start3A_605 = tpu.memref_squeeze %dma_start3A_604 : memref<1x1x1x8x128xf32, #tpu.memory_space<hbm>> -> memref<8x128xf32, #tpu.memory_space<hbm>>
      %dma_start3A_606 = arith.constant 0 : i32
      %dma_start3A_607 = arith.constant 0 : i32
      %dma_start3A_608 = tpu.memref_slice %arg4[%add3A_575, %dma_start3A_597, %add3A, %dma_start3A_606, %dma_start3A_607] : memref<50x8x32x8x128xf32, #tpu.memory_space<hbm>> -> memref<1x1x1x8x128xf32, #tpu.memory_space<hbm>>
      %dma_start3A_609 = tpu.memref_squeeze %dma_start3A_608 : memref<1x1x1x8x128xf32, #tpu.memory_space<hbm>> -> memref<8x128xf32, #tpu.memory_space<hbm>>
      %dma_start3A_610 = arith.constant 0 : i32
      %dma_start3A_611 = arith.constant 0 : i32
      %dma_start3A_612 = tpu.memref_slice %arg7[%dma_start3A_595, %dma_start3A_596, %dma_start3A_610, %dma_start3A_611] : memref<2x8x8x129xf32, #tpu.memory_space<vmem>> -> memref<1x1x8x128xf32, #tpu.memory_space<vmem>>
      %dma_start3A_613 = tpu.memref_squeeze %dma_start3A_612 : memref<1x1x8x128xf32, #tpu.memory_space<vmem>> -> memref<8x128xf32, #tpu.memory_space<vmem>>
      tpu.enqueue_dma source(%dma_start3A_613 : memref<8x128xf32, #tpu.memory_space<vmem>>) target(%dma_start3A_609 : memref<8x128xf32, #tpu.memory_space<hbm>>) target_semaphore(%arg11 : memref<!tpu.dma_semaphore, #tpu.memory_space<semaphore_mem>>)
      %dma_start3A_614 = arith.constant 1 : i32
      %dma_start3A_615 = arith.constant 1 : i32
      %dma_start3A_616 = arith.constant 1 : i32
      %dma_start3A_617 = arith.constant 0 : i32
      %dma_start3A_618 = arith.constant 0 : i32
      %dma_start3A_619 = tpu.memref_slice %arg7[%dma_start3A_614, %dma_start3A_615, %dma_start3A_617, %dma_start3A_618] : memref<2x8x8x129xf32, #tpu.memory_space<vmem>> -> memref<1x1x8x128xf32, #tpu.memory_space<vmem>>
      %dma_start3A_620 = tpu.memref_squeeze %dma_start3A_619 : memref<1x1x8x128xf32, #tpu.memory_space<vmem>> -> memref<8x128xf32, #tpu.memory_space<vmem>>
      %dma_start3A_621 = arith.constant 0 : i32
      %dma_start3A_622 = arith.constant 0 : i32
      %dma_start3A_623 = tpu.memref_slice %arg4[%add3A_575, %dma_start3A_616, %add3A, %dma_start3A_621, %dma_start3A_622] : memref<50x8x32x8x128xf32, #tpu.memory_space<hbm>> -> memref<1x1x1x8x128xf32, #tpu.memory_space<hbm>>
      %dma_start3A_624 = tpu.memref_squeeze %dma_start3A_623 : memref<1x1x1x8x128xf32, #tpu.memory_space<hbm>> -> memref<8x128xf32, #tpu.memory_space<hbm>>
      %dma_start3A_625 = arith.constant 0 : i32
      %dma_start3A_626 = arith.constant 0 : i32
      %dma_start3A_627 = tpu.memref_slice %arg4[%add3A_575, %dma_start3A_616, %add3A, %dma_start3A_625, %dma_start3A_626] : memref<50x8x32x8x128xf32, #tpu.memory_space<hbm>> -> memref<1x1x1x8x128xf32, #tpu.memory_space<hbm>>
      %dma_start3A_628 = tpu.memref_squeeze %dma_start3A_627 : memref<1x1x1x8x128xf32, #tpu.memory_space<hbm>> -> memref<8x128xf32, #tpu.memory_space<hbm>>
      %dma_start3A_629 = arith.constant 0 : i32
      %dma_start3A_630 = arith.constant 0 : i32
      %dma_start3A_631 = tpu.memref_slice %arg7[%dma_start3A_614, %dma_start3A_615, %dma_start3A_629, %dma_start3A_630] : memref<2x8x8x129xf32, #tpu.memory_space<vmem>> -> memref<1x1x8x128xf32, #tpu.memory_space<vmem>>
      %dma_start3A_632 = tpu.memref_squeeze %dma_start3A_631 : memref<1x1x8x128xf32, #tpu.memory_space<vmem>> -> memref<8x128xf32, #tpu.memory_space<vmem>>
      tpu.enqueue_dma source(%dma_start3A_632 : memref<8x128xf32, #tpu.memory_space<vmem>>) target(%dma_start3A_628 : memref<8x128xf32, #tpu.memory_space<hbm>>) target_semaphore(%arg11 : memref<!tpu.dma_semaphore, #tpu.memory_space<semaphore_mem>>)
      %dma_start3A_633 = arith.constant 1 : i32
      %dma_start3A_634 = arith.constant 2 : i32
      %dma_start3A_635 = arith.constant 2 : i32
      %dma_start3A_636 = arith.constant 0 : i32
      %dma_start3A_637 = arith.constant 0 : i32
      %dma_start3A_638 = tpu.memref_slice %arg7[%dma_start3A_633, %dma_start3A_634, %dma_start3A_636, %dma_start3A_637] : memref<2x8x8x129xf32, #tpu.memory_space<vmem>> -> memref<1x1x8x128xf32, #tpu.memory_space<vmem>>
      %dma_start3A_639 = tpu.memref_squeeze %dma_start3A_638 : memref<1x1x8x128xf32, #tpu.memory_space<vmem>> -> memref<8x128xf32, #tpu.memory_space<vmem>>
      %dma_start3A_640 = arith.constant 0 : i32
      %dma_start3A_641 = arith.constant 0 : i32
      %dma_start3A_642 = tpu.memref_slice %arg4[%add3A_575, %dma_start3A_635, %add3A, %dma_start3A_640, %dma_start3A_641] : memref<50x8x32x8x128xf32, #tpu.memory_space<hbm>> -> memref<1x1x1x8x128xf32, #tpu.memory_space<hbm>>
      %dma_start3A_643 = tpu.memref_squeeze %dma_start3A_642 : memref<1x1x1x8x128xf32, #tpu.memory_space<hbm>> -> memref<8x128xf32, #tpu.memory_space<hbm>>
      %dma_start3A_644 = arith.constant 0 : i32
      %dma_start3A_645 = arith.constant 0 : i32
      %dma_start3A_646 = tpu.memref_slice %arg4[%add3A_575, %dma_start3A_635, %add3A, %dma_start3A_644, %dma_start3A_645] : memref<50x8x32x8x128xf32, #tpu.memory_space<hbm>> -> memref<1x1x1x8x128xf32, #tpu.memory_space<hbm>>
      %dma_start3A_647 = tpu.memref_squeeze %dma_start3A_646 : memref<1x1x1x8x128xf32, #tpu.memory_space<hbm>> -> memref<8x128xf32, #tpu.memory_space<hbm>>
      %dma_start3A_648 = arith.constant 0 : i32
      %dma_start3A_649 = arith.constant 0 : i32
      %dma_start3A_650 = tpu.memref_slice %arg7[%dma_start3A_633, %dma_start3A_634, %dma_start3A_648, %dma_start3A_649] : memref<2x8x8x129xf32, #tpu.memory_space<vmem>> -> memref<1x1x8x128xf32, #tpu.memory_space<vmem>>
      %dma_start3A_651 = tpu.memref_squeeze %dma_start3A_650 : memref<1x1x8x128xf32, #tpu.memory_space<vmem>> -> memref<8x128xf32, #tpu.memory_space<vmem>>
      tpu.enqueue_dma source(%dma_start3A_651 : memref<8x128xf32, #tpu.memory_space<vmem>>) target(%dma_start3A_647 : memref<8x128xf32, #tpu.memory_space<hbm>>) target_semaphore(%arg11 : memref<!tpu.dma_semaphore, #tpu.memory_space<semaphore_mem>>)
      %dma_start3A_652 = arith.constant 1 : i32
      %dma_start3A_653 = arith.constant 3 : i32
      %dma_start3A_654 = arith.constant 3 : i32
      %dma_start3A_655 = arith.constant 0 : i32
      %dma_start3A_656 = arith.constant 0 : i32
      %dma_start3A_657 = tpu.memref_slice %arg7[%dma_start3A_652, %dma_start3A_653, %dma_start3A_655, %dma_start3A_656] : memref<2x8x8x129xf32, #tpu.memory_space<vmem>> -> memref<1x1x8x128xf32, #tpu.memory_space<vmem>>
      %dma_start3A_658 = tpu.memref_squeeze %dma_start3A_657 : memref<1x1x8x128xf32, #tpu.memory_space<vmem>> -> memref<8x128xf32, #tpu.memory_space<vmem>>
      %dma_start3A_659 = arith.constant 0 : i32
      %dma_start3A_660 = arith.constant 0 : i32
      %dma_start3A_661 = tpu.memref_slice %arg4[%add3A_575, %dma_start3A_654, %add3A, %dma_start3A_659, %dma_start3A_660] : memref<50x8x32x8x128xf32, #tpu.memory_space<hbm>> -> memref<1x1x1x8x128xf32, #tpu.memory_space<hbm>>
      %dma_start3A_662 = tpu.memref_squeeze %dma_start3A_661 : memref<1x1x1x8x128xf32, #tpu.memory_space<hbm>> -> memref<8x128xf32, #tpu.memory_space<hbm>>
      %dma_start3A_663 = arith.constant 0 : i32
      %dma_start3A_664 = arith.constant 0 : i32
      %dma_start3A_665 = tpu.memref_slice %arg4[%add3A_575, %dma_start3A_654, %add3A, %dma_start3A_663, %dma_start3A_664] : memref<50x8x32x8x128xf32, #tpu.memory_space<hbm>> -> memref<1x1x1x8x128xf32, #tpu.memory_space<hbm>>
      %dma_start3A_666 = tpu.memref_squeeze %dma_start3A_665 : memref<1x1x1x8x128xf32, #tpu.memory_space<hbm>> -> memref<8x128xf32, #tpu.memory_space<hbm>>
      %dma_start3A_667 = arith.constant 0 : i32
      %dma_start3A_668 = arith.constant 0 : i32
      %dma_start3A_669 = tpu.memref_slice %arg7[%dma_start3A_652, %dma_start3A_653, %dma_start3A_667, %dma_start3A_668] : memref<2x8x8x129xf32, #tpu.memory_space<vmem>> -> memref<1x1x8x128xf32, #tpu.memory_space<vmem>>
      %dma_start3A_670 = tpu.memref_squeeze %dma_start3A_669 : memref<1x1x8x128xf32, #tpu.memory_space<vmem>> -> memref<8x128xf32, #tpu.memory_space<vmem>>
      tpu.enqueue_dma source(%dma_start3A_670 : memref<8x128xf32, #tpu.memory_space<vmem>>) target(%dma_start3A_666 : memref<8x128xf32, #tpu.memory_space<hbm>>) target_semaphore(%arg11 : memref<!tpu.dma_semaphore, #tpu.memory_space<semaphore_mem>>)
      %dma_start3A_671 = arith.constant 1 : i32
      %dma_start3A_672 = arith.constant 4 : i32
      %dma_start3A_673 = arith.constant 4 : i32
      %dma_start3A_674 = arith.constant 0 : i32
      %dma_start3A_675 = arith.constant 0 : i32
      %dma_start3A_676 = tpu.memref_slice %arg7[%dma_start3A_671, %dma_start3A_672, %dma_start3A_674, %dma_start3A_675] : memref<2x8x8x129xf32, #tpu.memory_space<vmem>> -> memref<1x1x8x128xf32, #tpu.memory_space<vmem>>
      %dma_start3A_677 = tpu.memref_squeeze %dma_start3A_676 : memref<1x1x8x128xf32, #tpu.memory_space<vmem>> -> memref<8x128xf32, #tpu.memory_space<vmem>>
      %dma_start3A_678 = arith.constant 0 : i32
      %dma_start3A_679 = arith.constant 0 : i32
      %dma_start3A_680 = tpu.memref_slice %arg4[%add3A_575, %dma_start3A_673, %add3A, %dma_start3A_678, %dma_start3A_679] : memref<50x8x32x8x128xf32, #tpu.memory_space<hbm>> -> memref<1x1x1x8x128xf32, #tpu.memory_space<hbm>>
      %dma_start3A_681 = tpu.memref_squeeze %dma_start3A_680 : memref<1x1x1x8x128xf32, #tpu.memory_space<hbm>> -> memref<8x128xf32, #tpu.memory_space<hbm>>
      %dma_start3A_682 = arith.constant 0 : i32
      %dma_start3A_683 = arith.constant 0 : i32
      %dma_start3A_684 = tpu.memref_slice %arg4[%add3A_575, %dma_start3A_673, %add3A, %dma_start3A_682, %dma_start3A_683] : memref<50x8x32x8x128xf32, #tpu.memory_space<hbm>> -> memref<1x1x1x8x128xf32, #tpu.memory_space<hbm>>
      %dma_start3A_685 = tpu.memref_squeeze %dma_start3A_684 : memref<1x1x1x8x128xf32, #tpu.memory_space<hbm>> -> memref<8x128xf32, #tpu.memory_space<hbm>>
      %dma_start3A_686 = arith.constant 0 : i32
      %dma_start3A_687 = arith.constant 0 : i32
      %dma_start3A_688 = tpu.memref_slice %arg7[%dma_start3A_671, %dma_start3A_672, %dma_start3A_686, %dma_start3A_687] : memref<2x8x8x129xf32, #tpu.memory_space<vmem>> -> memref<1x1x8x128xf32, #tpu.memory_space<vmem>>
      %dma_start3A_689 = tpu.memref_squeeze %dma_start3A_688 : memref<1x1x8x128xf32, #tpu.memory_space<vmem>> -> memref<8x128xf32, #tpu.memory_space<vmem>>
      tpu.enqueue_dma source(%dma_start3A_689 : memref<8x128xf32, #tpu.memory_space<vmem>>) target(%dma_start3A_685 : memref<8x128xf32, #tpu.memory_space<hbm>>) target_semaphore(%arg11 : memref<!tpu.dma_semaphore, #tpu.memory_space<semaphore_mem>>)
      %dma_start3A_690 = arith.constant 1 : i32
      %dma_start3A_691 = arith.constant 5 : i32
      %dma_start3A_692 = arith.constant 5 : i32
      %dma_start3A_693 = arith.constant 0 : i32
      %dma_start3A_694 = arith.constant 0 : i32
      %dma_start3A_695 = tpu.memref_slice %arg7[%dma_start3A_690, %dma_start3A_691, %dma_start3A_693, %dma_start3A_694] : memref<2x8x8x129xf32, #tpu.memory_space<vmem>> -> memref<1x1x8x128xf32, #tpu.memory_space<vmem>>
      %dma_start3A_696 = tpu.memref_squeeze %dma_start3A_695 : memref<1x1x8x128xf32, #tpu.memory_space<vmem>> -> memref<8x128xf32, #tpu.memory_space<vmem>>
      %dma_start3A_697 = arith.constant 0 : i32
      %dma_start3A_698 = arith.constant 0 : i32
      %dma_start3A_699 = tpu.memref_slice %arg4[%add3A_575, %dma_start3A_692, %add3A, %dma_start3A_697, %dma_start3A_698] : memref<50x8x32x8x128xf32, #tpu.memory_space<hbm>> -> memref<1x1x1x8x128xf32, #tpu.memory_space<hbm>>
      %dma_start3A_700 = tpu.memref_squeeze %dma_start3A_699 : memref<1x1x1x8x128xf32, #tpu.memory_space<hbm>> -> memref<8x128xf32, #tpu.memory_space<hbm>>
      %dma_start3A_701 = arith.constant 0 : i32
      %dma_start3A_702 = arith.constant 0 : i32
      %dma_start3A_703 = tpu.memref_slice %arg4[%add3A_575, %dma_start3A_692, %add3A, %dma_start3A_701, %dma_start3A_702] : memref<50x8x32x8x128xf32, #tpu.memory_space<hbm>> -> memref<1x1x1x8x128xf32, #tpu.memory_space<hbm>>
      %dma_start3A_704 = tpu.memref_squeeze %dma_start3A_703 : memref<1x1x1x8x128xf32, #tpu.memory_space<hbm>> -> memref<8x128xf32, #tpu.memory_space<hbm>>
      %dma_start3A_705 = arith.constant 0 : i32
      %dma_start3A_706 = arith.constant 0 : i32
      %dma_start3A_707 = tpu.memref_slice %arg7[%dma_start3A_690, %dma_start3A_691, %dma_start3A_705, %dma_start3A_706] : memref<2x8x8x129xf32, #tpu.memory_space<vmem>> -> memref<1x1x8x128xf32, #tpu.memory_space<vmem>>
      %dma_start3A_708 = tpu.memref_squeeze %dma_start3A_707 : memref<1x1x8x128xf32, #tpu.memory_space<vmem>> -> memref<8x128xf32, #tpu.memory_space<vmem>>
      tpu.enqueue_dma source(%dma_start3A_708 : memref<8x128xf32, #tpu.memory_space<vmem>>) target(%dma_start3A_704 : memref<8x128xf32, #tpu.memory_space<hbm>>) target_semaphore(%arg11 : memref<!tpu.dma_semaphore, #tpu.memory_space<semaphore_mem>>)
      %dma_start3A_709 = arith.constant 1 : i32
      %dma_start3A_710 = arith.constant 6 : i32
      %dma_start3A_711 = arith.constant 6 : i32
      %dma_start3A_712 = arith.constant 0 : i32
      %dma_start3A_713 = arith.constant 0 : i32
      %dma_start3A_714 = tpu.memref_slice %arg7[%dma_start3A_709, %dma_start3A_710, %dma_start3A_712, %dma_start3A_713] : memref<2x8x8x129xf32, #tpu.memory_space<vmem>> -> memref<1x1x8x128xf32, #tpu.memory_space<vmem>>
      %dma_start3A_715 = tpu.memref_squeeze %dma_start3A_714 : memref<1x1x8x128xf32, #tpu.memory_space<vmem>> -> memref<8x128xf32, #tpu.memory_space<vmem>>
      %dma_start3A_716 = arith.constant 0 : i32
      %dma_start3A_717 = arith.constant 0 : i32
      %dma_start3A_718 = tpu.memref_slice %arg4[%add3A_575, %dma_start3A_711, %add3A, %dma_start3A_716, %dma_start3A_717] : memref<50x8x32x8x128xf32, #tpu.memory_space<hbm>> -> memref<1x1x1x8x128xf32, #tpu.memory_space<hbm>>
      %dma_start3A_719 = tpu.memref_squeeze %dma_start3A_718 : memref<1x1x1x8x128xf32, #tpu.memory_space<hbm>> -> memref<8x128xf32, #tpu.memory_space<hbm>>
      %dma_start3A_720 = arith.constant 0 : i32
      %dma_start3A_721 = arith.constant 0 : i32
      %dma_start3A_722 = tpu.memref_slice %arg4[%add3A_575, %dma_start3A_711, %add3A, %dma_start3A_720, %dma_start3A_721] : memref<50x8x32x8x128xf32, #tpu.memory_space<hbm>> -> memref<1x1x1x8x128xf32, #tpu.memory_space<hbm>>
      %dma_start3A_723 = tpu.memref_squeeze %dma_start3A_722 : memref<1x1x1x8x128xf32, #tpu.memory_space<hbm>> -> memref<8x128xf32, #tpu.memory_space<hbm>>
      %dma_start3A_724 = arith.constant 0 : i32
      %dma_start3A_725 = arith.constant 0 : i32
      %dma_start3A_726 = tpu.memref_slice %arg7[%dma_start3A_709, %dma_start3A_710, %dma_start3A_724, %dma_start3A_725] : memref<2x8x8x129xf32, #tpu.memory_space<vmem>> -> memref<1x1x8x128xf32, #tpu.memory_space<vmem>>
      %dma_start3A_727 = tpu.memref_squeeze %dma_start3A_726 : memref<1x1x8x128xf32, #tpu.memory_space<vmem>> -> memref<8x128xf32, #tpu.memory_space<vmem>>
      tpu.enqueue_dma source(%dma_start3A_727 : memref<8x128xf32, #tpu.memory_space<vmem>>) target(%dma_start3A_723 : memref<8x128xf32, #tpu.memory_space<hbm>>) target_semaphore(%arg11 : memref<!tpu.dma_semaphore, #tpu.memory_space<semaphore_mem>>)
      %dma_start3A_728 = arith.constant 1 : i32
      %dma_start3A_729 = arith.constant 7 : i32
      %dma_start3A_730 = arith.constant 7 : i32
      %dma_start3A_731 = arith.constant 0 : i32
      %dma_start3A_732 = arith.constant 0 : i32
      %dma_start3A_733 = tpu.memref_slice %arg7[%dma_start3A_728, %dma_start3A_729, %dma_start3A_731, %dma_start3A_732] : memref<2x8x8x129xf32, #tpu.memory_space<vmem>> -> memref<1x1x8x128xf32, #tpu.memory_space<vmem>>
      %dma_start3A_734 = tpu.memref_squeeze %dma_start3A_733 : memref<1x1x8x128xf32, #tpu.memory_space<vmem>> -> memref<8x128xf32, #tpu.memory_space<vmem>>
      %dma_start3A_735 = arith.constant 0 : i32
      %dma_start3A_736 = arith.constant 0 : i32
      %dma_start3A_737 = tpu.memref_slice %arg4[%add3A_575, %dma_start3A_730, %add3A, %dma_start3A_735, %dma_start3A_736] : memref<50x8x32x8x128xf32, #tpu.memory_space<hbm>> -> memref<1x1x1x8x128xf32, #tpu.memory_space<hbm>>
      %dma_start3A_738 = tpu.memref_squeeze %dma_start3A_737 : memref<1x1x1x8x128xf32, #tpu.memory_space<hbm>> -> memref<8x128xf32, #tpu.memory_space<hbm>>
      %dma_start3A_739 = arith.constant 0 : i32
      %dma_start3A_740 = arith.constant 0 : i32
      %dma_start3A_741 = tpu.memref_slice %arg4[%add3A_575, %dma_start3A_730, %add3A, %dma_start3A_739, %dma_start3A_740] : memref<50x8x32x8x128xf32, #tpu.memory_space<hbm>> -> memref<1x1x1x8x128xf32, #tpu.memory_space<hbm>>
      %dma_start3A_742 = tpu.memref_squeeze %dma_start3A_741 : memref<1x1x1x8x128xf32, #tpu.memory_space<hbm>> -> memref<8x128xf32, #tpu.memory_space<hbm>>
      %dma_start3A_743 = arith.constant 0 : i32
      %dma_start3A_744 = arith.constant 0 : i32
      %dma_start3A_745 = tpu.memref_slice %arg7[%dma_start3A_728, %dma_start3A_729, %dma_start3A_743, %dma_start3A_744] : memref<2x8x8x129xf32, #tpu.memory_space<vmem>> -> memref<1x1x8x128xf32, #tpu.memory_space<vmem>>
      %dma_start3A_746 = tpu.memref_squeeze %dma_start3A_745 : memref<1x1x8x128xf32, #tpu.memory_space<vmem>> -> memref<8x128xf32, #tpu.memory_space<vmem>>
      tpu.enqueue_dma source(%dma_start3A_746 : memref<8x128xf32, #tpu.memory_space<vmem>>) target(%dma_start3A_742 : memref<8x128xf32, #tpu.memory_space<hbm>>) target_semaphore(%arg11 : memref<!tpu.dma_semaphore, #tpu.memory_space<semaphore_mem>>)
      %lt3A_747 = arith.constant 24 : i32
      %lt3A_748 = arith.cmpi slt, %scan3A_396, %lt3A_747 : i32
      %convert_element_type3A_749 = arith.extui %lt3A_748 : i1 to i32
      %cond3A_750 = arith.constant 0 : i32
      %cond3A_751 = arith.cmpi ne, %convert_element_type3A_749, %cond3A_750 : i32
      scf.if %cond3A_751 {
        %add3A_752 = arith.constant 2 : i32
        %add3A_753 = arith.addi %add3A_575, %add3A_752 : i32
        %dma_start3A_754 = arith.constant 1 : i32
        %dma_start3A_755 = arith.constant 0 : i32
        %dma_start3A_756 = arith.constant 0 : i32
        %dma_start3A_757 = tpu.memref_slice %arg6[%dma_start3A_754, %dma_start3A_755, %dma_start3A_756] : memref<2x128x64xf32, #tpu.memory_space<vmem>> -> memref<1x128x64xf32, #tpu.memory_space<vmem>>
        %dma_start3A_758 = tpu.memref_squeeze %dma_start3A_757 : memref<1x128x64xf32, #tpu.memory_space<vmem>> -> memref<128x64xf32, #tpu.memory_space<vmem>>
        %dma_start3A_759 = arith.constant 0 : i32
        %dma_start3A_760 = tpu.memref_slice %arg5[%add3A_753, %dma_start3A_759] : memref<50x128xi32, #tpu.memory_space<vmem>> -> memref<1x128xi32, #tpu.memory_space<vmem>>
        %dma_start3A_761 = tpu.memref_squeeze %dma_start3A_760 : memref<1x128xi32, #tpu.memory_space<vmem>> -> memref<128xi32, #tpu.memory_space<vmem>>
        %dma_start3A_762 = arith.constant 0 : i32
        %dma_start3A_763 = arith.constant 0 : i32
        %dma_start3A_764 = tpu.memref_slice %arg3[%dma_start3A_762, %dma_start3A_763] : memref<100000x64xf32, #tpu.memory_space<hbm>> -> memref<100000x64xf32, #tpu.memory_space<hbm>>
        tpu.enqueue_indirect_dma source(%dma_start3A_764 : memref<100000x64xf32, #tpu.memory_space<hbm>>) target(%dma_start3A_758 : memref<128x64xf32, #tpu.memory_space<vmem>>) offsets(%dma_start3A_761 : memref<128xi32, #tpu.memory_space<vmem>>) semaphore(%arg9 : memref<!tpu.dma_semaphore, #tpu.memory_space<semaphore_mem>>)
      } else {
      }
    }
    %scan3A_76 = arith.constant 25 : i32
    %dma_wait3A = arith.constant 0 : i32
    %dma_wait3A_77 = arith.constant 0 : i32
    %dma_wait3A_78 = arith.constant 48 : i32
    %dma_wait3A_79 = arith.constant 0 : i32
    %dma_wait3A_80 = arith.constant 0 : i32
    %dma_wait3A_81 = arith.constant 0 : i32
    %dma_wait3A_82 = tpu.memref_slice %arg7[%dma_wait3A, %dma_wait3A_77, %dma_wait3A_80, %dma_wait3A_81] : memref<2x8x8x129xf32, #tpu.memory_space<vmem>> -> memref<1x1x8x128xf32, #tpu.memory_space<vmem>>
    %dma_wait3A_83 = tpu.memref_squeeze %dma_wait3A_82 : memref<1x1x8x128xf32, #tpu.memory_space<vmem>> -> memref<8x128xf32, #tpu.memory_space<vmem>>
    %dma_wait3A_84 = arith.constant 0 : i32
    %dma_wait3A_85 = arith.constant 0 : i32
    %dma_wait3A_86 = tpu.memref_slice %arg4[%dma_wait3A_78, %dma_wait3A_79, %add3A, %dma_wait3A_84, %dma_wait3A_85] : memref<50x8x32x8x128xf32, #tpu.memory_space<hbm>> -> memref<1x1x1x8x128xf32, #tpu.memory_space<hbm>>
    %dma_wait3A_87 = tpu.memref_squeeze %dma_wait3A_86 : memref<1x1x1x8x128xf32, #tpu.memory_space<hbm>> -> memref<8x128xf32, #tpu.memory_space<hbm>>
    %dma_wait3A_88 = arith.constant 0 : i32
    %dma_wait3A_89 = arith.constant 0 : i32
    %dma_wait3A_90 = tpu.memref_slice %arg4[%dma_wait3A_78, %dma_wait3A_79, %add3A, %dma_wait3A_88, %dma_wait3A_89] : memref<50x8x32x8x128xf32, #tpu.memory_space<hbm>> -> memref<1x1x1x8x128xf32, #tpu.memory_space<hbm>>
    %dma_wait3A_91 = tpu.memref_squeeze %dma_wait3A_90 : memref<1x1x1x8x128xf32, #tpu.memory_space<hbm>> -> memref<8x128xf32, #tpu.memory_space<hbm>>
    %dma_wait3A_92 = arith.constant 0 : i32
    %dma_wait3A_93 = arith.constant 0 : i32
    %dma_wait3A_94 = tpu.memref_slice %arg7[%dma_wait3A, %dma_wait3A_77, %dma_wait3A_92, %dma_wait3A_93] : memref<2x8x8x129xf32, #tpu.memory_space<vmem>> -> memref<1x1x8x128xf32, #tpu.memory_space<vmem>>
    %dma_wait3A_95 = tpu.memref_squeeze %dma_wait3A_94 : memref<1x1x8x128xf32, #tpu.memory_space<vmem>> -> memref<8x128xf32, #tpu.memory_space<vmem>>
    tpu.wait_dma2 semaphore(%arg10 : memref<!tpu.dma_semaphore, #tpu.memory_space<semaphore_mem>>) src(%dma_wait3A_95 : memref<8x128xf32, #tpu.memory_space<vmem>>) dst(%dma_wait3A_91 : memref<8x128xf32, #tpu.memory_space<hbm>>)
    %dma_wait3A_96 = arith.constant 0 : i32
    %dma_wait3A_97 = arith.constant 1 : i32
    %dma_wait3A_98 = arith.constant 48 : i32
    %dma_wait3A_99 = arith.constant 1 : i32
    %dma_wait3A_100 = arith.constant 0 : i32
    %dma_wait3A_101 = arith.constant 0 : i32
    %dma_wait3A_102 = tpu.memref_slice %arg7[%dma_wait3A_96, %dma_wait3A_97, %dma_wait3A_100, %dma_wait3A_101] : memref<2x8x8x129xf32, #tpu.memory_space<vmem>> -> memref<1x1x8x128xf32, #tpu.memory_space<vmem>>
    %dma_wait3A_103 = tpu.memref_squeeze %dma_wait3A_102 : memref<1x1x8x128xf32, #tpu.memory_space<vmem>> -> memref<8x128xf32, #tpu.memory_space<vmem>>
    %dma_wait3A_104 = arith.constant 0 : i32
    %dma_wait3A_105 = arith.constant 0 : i32
    %dma_wait3A_106 = tpu.memref_slice %arg4[%dma_wait3A_98, %dma_wait3A_99, %add3A, %dma_wait3A_104, %dma_wait3A_105] : memref<50x8x32x8x128xf32, #tpu.memory_space<hbm>> -> memref<1x1x1x8x128xf32, #tpu.memory_space<hbm>>
    %dma_wait3A_107 = tpu.memref_squeeze %dma_wait3A_106 : memref<1x1x1x8x128xf32, #tpu.memory_space<hbm>> -> memref<8x128xf32, #tpu.memory_space<hbm>>
    %dma_wait3A_108 = arith.constant 0 : i32
    %dma_wait3A_109 = arith.constant 0 : i32
    %dma_wait3A_110 = tpu.memref_slice %arg4[%dma_wait3A_98, %dma_wait3A_99, %add3A, %dma_wait3A_108, %dma_wait3A_109] : memref<50x8x32x8x128xf32, #tpu.memory_space<hbm>> -> memref<1x1x1x8x128xf32, #tpu.memory_space<hbm>>
    %dma_wait3A_111 = tpu.memref_squeeze %dma_wait3A_110 : memref<1x1x1x8x128xf32, #tpu.memory_space<hbm>> -> memref<8x128xf32, #tpu.memory_space<hbm>>
    %dma_wait3A_112 = arith.constant 0 : i32
    %dma_wait3A_113 = arith.constant 0 : i32
    %dma_wait3A_114 = tpu.memref_slice %arg7[%dma_wait3A_96, %dma_wait3A_97, %dma_wait3A_112, %dma_wait3A_113] : memref<2x8x8x129xf32, #tpu.memory_space<vmem>> -> memref<1x1x8x128xf32, #tpu.memory_space<vmem>>
    %dma_wait3A_115 = tpu.memref_squeeze %dma_wait3A_114 : memref<1x1x8x128xf32, #tpu.memory_space<vmem>> -> memref<8x128xf32, #tpu.memory_space<vmem>>
    tpu.wait_dma2 semaphore(%arg10 : memref<!tpu.dma_semaphore, #tpu.memory_space<semaphore_mem>>) src(%dma_wait3A_115 : memref<8x128xf32, #tpu.memory_space<vmem>>) dst(%dma_wait3A_111 : memref<8x128xf32, #tpu.memory_space<hbm>>)
    %dma_wait3A_116 = arith.constant 0 : i32
    %dma_wait3A_117 = arith.constant 2 : i32
    %dma_wait3A_118 = arith.constant 48 : i32
    %dma_wait3A_119 = arith.constant 2 : i32
    %dma_wait3A_120 = arith.constant 0 : i32
    %dma_wait3A_121 = arith.constant 0 : i32
    %dma_wait3A_122 = tpu.memref_slice %arg7[%dma_wait3A_116, %dma_wait3A_117, %dma_wait3A_120, %dma_wait3A_121] : memref<2x8x8x129xf32, #tpu.memory_space<vmem>> -> memref<1x1x8x128xf32, #tpu.memory_space<vmem>>
    %dma_wait3A_123 = tpu.memref_squeeze %dma_wait3A_122 : memref<1x1x8x128xf32, #tpu.memory_space<vmem>> -> memref<8x128xf32, #tpu.memory_space<vmem>>
    %dma_wait3A_124 = arith.constant 0 : i32
    %dma_wait3A_125 = arith.constant 0 : i32
    %dma_wait3A_126 = tpu.memref_slice %arg4[%dma_wait3A_118, %dma_wait3A_119, %add3A, %dma_wait3A_124, %dma_wait3A_125] : memref<50x8x32x8x128xf32, #tpu.memory_space<hbm>> -> memref<1x1x1x8x128xf32, #tpu.memory_space<hbm>>
    %dma_wait3A_127 = tpu.memref_squeeze %dma_wait3A_126 : memref<1x1x1x8x128xf32, #tpu.memory_space<hbm>> -> memref<8x128xf32, #tpu.memory_space<hbm>>
    %dma_wait3A_128 = arith.constant 0 : i32
    %dma_wait3A_129 = arith.constant 0 : i32
    %dma_wait3A_130 = tpu.memref_slice %arg4[%dma_wait3A_118, %dma_wait3A_119, %add3A, %dma_wait3A_128, %dma_wait3A_129] : memref<50x8x32x8x128xf32, #tpu.memory_space<hbm>> -> memref<1x1x1x8x128xf32, #tpu.memory_space<hbm>>
    %dma_wait3A_131 = tpu.memref_squeeze %dma_wait3A_130 : memref<1x1x1x8x128xf32, #tpu.memory_space<hbm>> -> memref<8x128xf32, #tpu.memory_space<hbm>>
    %dma_wait3A_132 = arith.constant 0 : i32
    %dma_wait3A_133 = arith.constant 0 : i32
    %dma_wait3A_134 = tpu.memref_slice %arg7[%dma_wait3A_116, %dma_wait3A_117, %dma_wait3A_132, %dma_wait3A_133] : memref<2x8x8x129xf32, #tpu.memory_space<vmem>> -> memref<1x1x8x128xf32, #tpu.memory_space<vmem>>
    %dma_wait3A_135 = tpu.memref_squeeze %dma_wait3A_134 : memref<1x1x8x128xf32, #tpu.memory_space<vmem>> -> memref<8x128xf32, #tpu.memory_space<vmem>>
    tpu.wait_dma2 semaphore(%arg10 : memref<!tpu.dma_semaphore, #tpu.memory_space<semaphore_mem>>) src(%dma_wait3A_135 : memref<8x128xf32, #tpu.memory_space<vmem>>) dst(%dma_wait3A_131 : memref<8x128xf32, #tpu.memory_space<hbm>>)
    %dma_wait3A_136 = arith.constant 0 : i32
    %dma_wait3A_137 = arith.constant 3 : i32
    %dma_wait3A_138 = arith.constant 48 : i32
    %dma_wait3A_139 = arith.constant 3 : i32
    %dma_wait3A_140 = arith.constant 0 : i32
    %dma_wait3A_141 = arith.constant 0 : i32
    %dma_wait3A_142 = tpu.memref_slice %arg7[%dma_wait3A_136, %dma_wait3A_137, %dma_wait3A_140, %dma_wait3A_141] : memref<2x8x8x129xf32, #tpu.memory_space<vmem>> -> memref<1x1x8x128xf32, #tpu.memory_space<vmem>>
    %dma_wait3A_143 = tpu.memref_squeeze %dma_wait3A_142 : memref<1x1x8x128xf32, #tpu.memory_space<vmem>> -> memref<8x128xf32, #tpu.memory_space<vmem>>
    %dma_wait3A_144 = arith.constant 0 : i32
    %dma_wait3A_145 = arith.constant 0 : i32
    %dma_wait3A_146 = tpu.memref_slice %arg4[%dma_wait3A_138, %dma_wait3A_139, %add3A, %dma_wait3A_144, %dma_wait3A_145] : memref<50x8x32x8x128xf32, #tpu.memory_space<hbm>> -> memref<1x1x1x8x128xf32, #tpu.memory_space<hbm>>
    %dma_wait3A_147 = tpu.memref_squeeze %dma_wait3A_146 : memref<1x1x1x8x128xf32, #tpu.memory_space<hbm>> -> memref<8x128xf32, #tpu.memory_space<hbm>>
    %dma_wait3A_148 = arith.constant 0 : i32
    %dma_wait3A_149 = arith.constant 0 : i32
    %dma_wait3A_150 = tpu.memref_slice %arg4[%dma_wait3A_138, %dma_wait3A_139, %add3A, %dma_wait3A_148, %dma_wait3A_149] : memref<50x8x32x8x128xf32, #tpu.memory_space<hbm>> -> memref<1x1x1x8x128xf32, #tpu.memory_space<hbm>>
    %dma_wait3A_151 = tpu.memref_squeeze %dma_wait3A_150 : memref<1x1x1x8x128xf32, #tpu.memory_space<hbm>> -> memref<8x128xf32, #tpu.memory_space<hbm>>
    %dma_wait3A_152 = arith.constant 0 : i32
    %dma_wait3A_153 = arith.constant 0 : i32
    %dma_wait3A_154 = tpu.memref_slice %arg7[%dma_wait3A_136, %dma_wait3A_137, %dma_wait3A_152, %dma_wait3A_153] : memref<2x8x8x129xf32, #tpu.memory_space<vmem>> -> memref<1x1x8x128xf32, #tpu.memory_space<vmem>>
    %dma_wait3A_155 = tpu.memref_squeeze %dma_wait3A_154 : memref<1x1x8x128xf32, #tpu.memory_space<vmem>> -> memref<8x128xf32, #tpu.memory_space<vmem>>
    tpu.wait_dma2 semaphore(%arg10 : memref<!tpu.dma_semaphore, #tpu.memory_space<semaphore_mem>>) src(%dma_wait3A_155 : memref<8x128xf32, #tpu.memory_space<vmem>>) dst(%dma_wait3A_151 : memref<8x128xf32, #tpu.memory_space<hbm>>)
    %dma_wait3A_156 = arith.constant 0 : i32
    %dma_wait3A_157 = arith.constant 4 : i32
    %dma_wait3A_158 = arith.constant 48 : i32
    %dma_wait3A_159 = arith.constant 4 : i32
    %dma_wait3A_160 = arith.constant 0 : i32
    %dma_wait3A_161 = arith.constant 0 : i32
    %dma_wait3A_162 = tpu.memref_slice %arg7[%dma_wait3A_156, %dma_wait3A_157, %dma_wait3A_160, %dma_wait3A_161] : memref<2x8x8x129xf32, #tpu.memory_space<vmem>> -> memref<1x1x8x128xf32, #tpu.memory_space<vmem>>
    %dma_wait3A_163 = tpu.memref_squeeze %dma_wait3A_162 : memref<1x1x8x128xf32, #tpu.memory_space<vmem>> -> memref<8x128xf32, #tpu.memory_space<vmem>>
    %dma_wait3A_164 = arith.constant 0 : i32
    %dma_wait3A_165 = arith.constant 0 : i32
    %dma_wait3A_166 = tpu.memref_slice %arg4[%dma_wait3A_158, %dma_wait3A_159, %add3A, %dma_wait3A_164, %dma_wait3A_165] : memref<50x8x32x8x128xf32, #tpu.memory_space<hbm>> -> memref<1x1x1x8x128xf32, #tpu.memory_space<hbm>>
    %dma_wait3A_167 = tpu.memref_squeeze %dma_wait3A_166 : memref<1x1x1x8x128xf32, #tpu.memory_space<hbm>> -> memref<8x128xf32, #tpu.memory_space<hbm>>
    %dma_wait3A_168 = arith.constant 0 : i32
    %dma_wait3A_169 = arith.constant 0 : i32
    %dma_wait3A_170 = tpu.memref_slice %arg4[%dma_wait3A_158, %dma_wait3A_159, %add3A, %dma_wait3A_168, %dma_wait3A_169] : memref<50x8x32x8x128xf32, #tpu.memory_space<hbm>> -> memref<1x1x1x8x128xf32, #tpu.memory_space<hbm>>
    %dma_wait3A_171 = tpu.memref_squeeze %dma_wait3A_170 : memref<1x1x1x8x128xf32, #tpu.memory_space<hbm>> -> memref<8x128xf32, #tpu.memory_space<hbm>>
    %dma_wait3A_172 = arith.constant 0 : i32
    %dma_wait3A_173 = arith.constant 0 : i32
    %dma_wait3A_174 = tpu.memref_slice %arg7[%dma_wait3A_156, %dma_wait3A_157, %dma_wait3A_172, %dma_wait3A_173] : memref<2x8x8x129xf32, #tpu.memory_space<vmem>> -> memref<1x1x8x128xf32, #tpu.memory_space<vmem>>
    %dma_wait3A_175 = tpu.memref_squeeze %dma_wait3A_174 : memref<1x1x8x128xf32, #tpu.memory_space<vmem>> -> memref<8x128xf32, #tpu.memory_space<vmem>>
    tpu.wait_dma2 semaphore(%arg10 : memref<!tpu.dma_semaphore, #tpu.memory_space<semaphore_mem>>) src(%dma_wait3A_175 : memref<8x128xf32, #tpu.memory_space<vmem>>) dst(%dma_wait3A_171 : memref<8x128xf32, #tpu.memory_space<hbm>>)
    %dma_wait3A_176 = arith.constant 0 : i32
    %dma_wait3A_177 = arith.constant 5 : i32
    %dma_wait3A_178 = arith.constant 48 : i32
    %dma_wait3A_179 = arith.constant 5 : i32
    %dma_wait3A_180 = arith.constant 0 : i32
    %dma_wait3A_181 = arith.constant 0 : i32
    %dma_wait3A_182 = tpu.memref_slice %arg7[%dma_wait3A_176, %dma_wait3A_177, %dma_wait3A_180, %dma_wait3A_181] : memref<2x8x8x129xf32, #tpu.memory_space<vmem>> -> memref<1x1x8x128xf32, #tpu.memory_space<vmem>>
    %dma_wait3A_183 = tpu.memref_squeeze %dma_wait3A_182 : memref<1x1x8x128xf32, #tpu.memory_space<vmem>> -> memref<8x128xf32, #tpu.memory_space<vmem>>
    %dma_wait3A_184 = arith.constant 0 : i32
    %dma_wait3A_185 = arith.constant 0 : i32
    %dma_wait3A_186 = tpu.memref_slice %arg4[%dma_wait3A_178, %dma_wait3A_179, %add3A, %dma_wait3A_184, %dma_wait3A_185] : memref<50x8x32x8x128xf32, #tpu.memory_space<hbm>> -> memref<1x1x1x8x128xf32, #tpu.memory_space<hbm>>
    %dma_wait3A_187 = tpu.memref_squeeze %dma_wait3A_186 : memref<1x1x1x8x128xf32, #tpu.memory_space<hbm>> -> memref<8x128xf32, #tpu.memory_space<hbm>>
    %dma_wait3A_188 = arith.constant 0 : i32
    %dma_wait3A_189 = arith.constant 0 : i32
    %dma_wait3A_190 = tpu.memref_slice %arg4[%dma_wait3A_178, %dma_wait3A_179, %add3A, %dma_wait3A_188, %dma_wait3A_189] : memref<50x8x32x8x128xf32, #tpu.memory_space<hbm>> -> memref<1x1x1x8x128xf32, #tpu.memory_space<hbm>>
    %dma_wait3A_191 = tpu.memref_squeeze %dma_wait3A_190 : memref<1x1x1x8x128xf32, #tpu.memory_space<hbm>> -> memref<8x128xf32, #tpu.memory_space<hbm>>
    %dma_wait3A_192 = arith.constant 0 : i32
    %dma_wait3A_193 = arith.constant 0 : i32
    %dma_wait3A_194 = tpu.memref_slice %arg7[%dma_wait3A_176, %dma_wait3A_177, %dma_wait3A_192, %dma_wait3A_193] : memref<2x8x8x129xf32, #tpu.memory_space<vmem>> -> memref<1x1x8x128xf32, #tpu.memory_space<vmem>>
    %dma_wait3A_195 = tpu.memref_squeeze %dma_wait3A_194 : memref<1x1x8x128xf32, #tpu.memory_space<vmem>> -> memref<8x128xf32, #tpu.memory_space<vmem>>
    tpu.wait_dma2 semaphore(%arg10 : memref<!tpu.dma_semaphore, #tpu.memory_space<semaphore_mem>>) src(%dma_wait3A_195 : memref<8x128xf32, #tpu.memory_space<vmem>>) dst(%dma_wait3A_191 : memref<8x128xf32, #tpu.memory_space<hbm>>)
    %dma_wait3A_196 = arith.constant 0 : i32
    %dma_wait3A_197 = arith.constant 6 : i32
    %dma_wait3A_198 = arith.constant 48 : i32
    %dma_wait3A_199 = arith.constant 6 : i32
    %dma_wait3A_200 = arith.constant 0 : i32
    %dma_wait3A_201 = arith.constant 0 : i32
    %dma_wait3A_202 = tpu.memref_slice %arg7[%dma_wait3A_196, %dma_wait3A_197, %dma_wait3A_200, %dma_wait3A_201] : memref<2x8x8x129xf32, #tpu.memory_space<vmem>> -> memref<1x1x8x128xf32, #tpu.memory_space<vmem>>
    %dma_wait3A_203 = tpu.memref_squeeze %dma_wait3A_202 : memref<1x1x8x128xf32, #tpu.memory_space<vmem>> -> memref<8x128xf32, #tpu.memory_space<vmem>>
    %dma_wait3A_204 = arith.constant 0 : i32
    %dma_wait3A_205 = arith.constant 0 : i32
    %dma_wait3A_206 = tpu.memref_slice %arg4[%dma_wait3A_198, %dma_wait3A_199, %add3A, %dma_wait3A_204, %dma_wait3A_205] : memref<50x8x32x8x128xf32, #tpu.memory_space<hbm>> -> memref<1x1x1x8x128xf32, #tpu.memory_space<hbm>>
    %dma_wait3A_207 = tpu.memref_squeeze %dma_wait3A_206 : memref<1x1x1x8x128xf32, #tpu.memory_space<hbm>> -> memref<8x128xf32, #tpu.memory_space<hbm>>
    %dma_wait3A_208 = arith.constant 0 : i32
    %dma_wait3A_209 = arith.constant 0 : i32
    %dma_wait3A_210 = tpu.memref_slice %arg4[%dma_wait3A_198, %dma_wait3A_199, %add3A, %dma_wait3A_208, %dma_wait3A_209] : memref<50x8x32x8x128xf32, #tpu.memory_space<hbm>> -> memref<1x1x1x8x128xf32, #tpu.memory_space<hbm>>
    %dma_wait3A_211 = tpu.memref_squeeze %dma_wait3A_210 : memref<1x1x1x8x128xf32, #tpu.memory_space<hbm>> -> memref<8x128xf32, #tpu.memory_space<hbm>>
    %dma_wait3A_212 = arith.constant 0 : i32
    %dma_wait3A_213 = arith.constant 0 : i32
    %dma_wait3A_214 = tpu.memref_slice %arg7[%dma_wait3A_196, %dma_wait3A_197, %dma_wait3A_212, %dma_wait3A_213] : memref<2x8x8x129xf32, #tpu.memory_space<vmem>> -> memref<1x1x8x128xf32, #tpu.memory_space<vmem>>
    %dma_wait3A_215 = tpu.memref_squeeze %dma_wait3A_214 : memref<1x1x8x128xf32, #tpu.memory_space<vmem>> -> memref<8x128xf32, #tpu.memory_space<vmem>>
    tpu.wait_dma2 semaphore(%arg10 : memref<!tpu.dma_semaphore, #tpu.memory_space<semaphore_mem>>) src(%dma_wait3A_215 : memref<8x128xf32, #tpu.memory_space<vmem>>) dst(%dma_wait3A_211 : memref<8x128xf32, #tpu.memory_space<hbm>>)
    %dma_wait3A_216 = arith.constant 0 : i32
    %dma_wait3A_217 = arith.constant 7 : i32
    %dma_wait3A_218 = arith.constant 48 : i32
    %dma_wait3A_219 = arith.constant 7 : i32
    %dma_wait3A_220 = arith.constant 0 : i32
    %dma_wait3A_221 = arith.constant 0 : i32
    %dma_wait3A_222 = tpu.memref_slice %arg7[%dma_wait3A_216, %dma_wait3A_217, %dma_wait3A_220, %dma_wait3A_221] : memref<2x8x8x129xf32, #tpu.memory_space<vmem>> -> memref<1x1x8x128xf32, #tpu.memory_space<vmem>>
    %dma_wait3A_223 = tpu.memref_squeeze %dma_wait3A_222 : memref<1x1x8x128xf32, #tpu.memory_space<vmem>> -> memref<8x128xf32, #tpu.memory_space<vmem>>
    %dma_wait3A_224 = arith.constant 0 : i32
    %dma_wait3A_225 = arith.constant 0 : i32
    %dma_wait3A_226 = tpu.memref_slice %arg4[%dma_wait3A_218, %dma_wait3A_219, %add3A, %dma_wait3A_224, %dma_wait3A_225] : memref<50x8x32x8x128xf32, #tpu.memory_space<hbm>> -> memref<1x1x1x8x128xf32, #tpu.memory_space<hbm>>
    %dma_wait3A_227 = tpu.memref_squeeze %dma_wait3A_226 : memref<1x1x1x8x128xf32, #tpu.memory_space<hbm>> -> memref<8x128xf32, #tpu.memory_space<hbm>>
    %dma_wait3A_228 = arith.constant 0 : i32
    %dma_wait3A_229 = arith.constant 0 : i32
    %dma_wait3A_230 = tpu.memref_slice %arg4[%dma_wait3A_218, %dma_wait3A_219, %add3A, %dma_wait3A_228, %dma_wait3A_229] : memref<50x8x32x8x128xf32, #tpu.memory_space<hbm>> -> memref<1x1x1x8x128xf32, #tpu.memory_space<hbm>>
    %dma_wait3A_231 = tpu.memref_squeeze %dma_wait3A_230 : memref<1x1x1x8x128xf32, #tpu.memory_space<hbm>> -> memref<8x128xf32, #tpu.memory_space<hbm>>
    %dma_wait3A_232 = arith.constant 0 : i32
    %dma_wait3A_233 = arith.constant 0 : i32
    %dma_wait3A_234 = tpu.memref_slice %arg7[%dma_wait3A_216, %dma_wait3A_217, %dma_wait3A_232, %dma_wait3A_233] : memref<2x8x8x129xf32, #tpu.memory_space<vmem>> -> memref<1x1x8x128xf32, #tpu.memory_space<vmem>>
    %dma_wait3A_235 = tpu.memref_squeeze %dma_wait3A_234 : memref<1x1x8x128xf32, #tpu.memory_space<vmem>> -> memref<8x128xf32, #tpu.memory_space<vmem>>
    tpu.wait_dma2 semaphore(%arg10 : memref<!tpu.dma_semaphore, #tpu.memory_space<semaphore_mem>>) src(%dma_wait3A_235 : memref<8x128xf32, #tpu.memory_space<vmem>>) dst(%dma_wait3A_231 : memref<8x128xf32, #tpu.memory_space<hbm>>)
    %dma_wait3A_236 = arith.constant 1 : i32
    %dma_wait3A_237 = arith.constant 0 : i32
    %dma_wait3A_238 = arith.constant 49 : i32
    %dma_wait3A_239 = arith.constant 0 : i32
    %dma_wait3A_240 = arith.constant 0 : i32
    %dma_wait3A_241 = arith.constant 0 : i32
    %dma_wait3A_242 = tpu.memref_slice %arg7[%dma_wait3A_236, %dma_wait3A_237, %dma_wait3A_240, %dma_wait3A_241] : memref<2x8x8x129xf32, #tpu.memory_space<vmem>> -> memref<1x1x8x128xf32, #tpu.memory_space<vmem>>
    %dma_wait3A_243 = tpu.memref_squeeze %dma_wait3A_242 : memref<1x1x8x128xf32, #tpu.memory_space<vmem>> -> memref<8x128xf32, #tpu.memory_space<vmem>>
    %dma_wait3A_244 = arith.constant 0 : i32
    %dma_wait3A_245 = arith.constant 0 : i32
    %dma_wait3A_246 = tpu.memref_slice %arg4[%dma_wait3A_238, %dma_wait3A_239, %add3A, %dma_wait3A_244, %dma_wait3A_245] : memref<50x8x32x8x128xf32, #tpu.memory_space<hbm>> -> memref<1x1x1x8x128xf32, #tpu.memory_space<hbm>>
    %dma_wait3A_247 = tpu.memref_squeeze %dma_wait3A_246 : memref<1x1x1x8x128xf32, #tpu.memory_space<hbm>> -> memref<8x128xf32, #tpu.memory_space<hbm>>
    %dma_wait3A_248 = arith.constant 0 : i32
    %dma_wait3A_249 = arith.constant 0 : i32
    %dma_wait3A_250 = tpu.memref_slice %arg4[%dma_wait3A_238, %dma_wait3A_239, %add3A, %dma_wait3A_248, %dma_wait3A_249] : memref<50x8x32x8x128xf32, #tpu.memory_space<hbm>> -> memref<1x1x1x8x128xf32, #tpu.memory_space<hbm>>
    %dma_wait3A_251 = tpu.memref_squeeze %dma_wait3A_250 : memref<1x1x1x8x128xf32, #tpu.memory_space<hbm>> -> memref<8x128xf32, #tpu.memory_space<hbm>>
    %dma_wait3A_252 = arith.constant 0 : i32
    %dma_wait3A_253 = arith.constant 0 : i32
    %dma_wait3A_254 = tpu.memref_slice %arg7[%dma_wait3A_236, %dma_wait3A_237, %dma_wait3A_252, %dma_wait3A_253] : memref<2x8x8x129xf32, #tpu.memory_space<vmem>> -> memref<1x1x8x128xf32, #tpu.memory_space<vmem>>
    %dma_wait3A_255 = tpu.memref_squeeze %dma_wait3A_254 : memref<1x1x8x128xf32, #tpu.memory_space<vmem>> -> memref<8x128xf32, #tpu.memory_space<vmem>>
    tpu.wait_dma2 semaphore(%arg11 : memref<!tpu.dma_semaphore, #tpu.memory_space<semaphore_mem>>) src(%dma_wait3A_255 : memref<8x128xf32, #tpu.memory_space<vmem>>) dst(%dma_wait3A_251 : memref<8x128xf32, #tpu.memory_space<hbm>>)
    %dma_wait3A_256 = arith.constant 1 : i32
    %dma_wait3A_257 = arith.constant 1 : i32
    %dma_wait3A_258 = arith.constant 49 : i32
    %dma_wait3A_259 = arith.constant 1 : i32
    %dma_wait3A_260 = arith.constant 0 : i32
    %dma_wait3A_261 = arith.constant 0 : i32
    %dma_wait3A_262 = tpu.memref_slice %arg7[%dma_wait3A_256, %dma_wait3A_257, %dma_wait3A_260, %dma_wait3A_261] : memref<2x8x8x129xf32, #tpu.memory_space<vmem>> -> memref<1x1x8x128xf32, #tpu.memory_space<vmem>>
    %dma_wait3A_263 = tpu.memref_squeeze %dma_wait3A_262 : memref<1x1x8x128xf32, #tpu.memory_space<vmem>> -> memref<8x128xf32, #tpu.memory_space<vmem>>
    %dma_wait3A_264 = arith.constant 0 : i32
    %dma_wait3A_265 = arith.constant 0 : i32
    %dma_wait3A_266 = tpu.memref_slice %arg4[%dma_wait3A_258, %dma_wait3A_259, %add3A, %dma_wait3A_264, %dma_wait3A_265] : memref<50x8x32x8x128xf32, #tpu.memory_space<hbm>> -> memref<1x1x1x8x128xf32, #tpu.memory_space<hbm>>
    %dma_wait3A_267 = tpu.memref_squeeze %dma_wait3A_266 : memref<1x1x1x8x128xf32, #tpu.memory_space<hbm>> -> memref<8x128xf32, #tpu.memory_space<hbm>>
    %dma_wait3A_268 = arith.constant 0 : i32
    %dma_wait3A_269 = arith.constant 0 : i32
    %dma_wait3A_270 = tpu.memref_slice %arg4[%dma_wait3A_258, %dma_wait3A_259, %add3A, %dma_wait3A_268, %dma_wait3A_269] : memref<50x8x32x8x128xf32, #tpu.memory_space<hbm>> -> memref<1x1x1x8x128xf32, #tpu.memory_space<hbm>>
    %dma_wait3A_271 = tpu.memref_squeeze %dma_wait3A_270 : memref<1x1x1x8x128xf32, #tpu.memory_space<hbm>> -> memref<8x128xf32, #tpu.memory_space<hbm>>
    %dma_wait3A_272 = arith.constant 0 : i32
    %dma_wait3A_273 = arith.constant 0 : i32
    %dma_wait3A_274 = tpu.memref_slice %arg7[%dma_wait3A_256, %dma_wait3A_257, %dma_wait3A_272, %dma_wait3A_273] : memref<2x8x8x129xf32, #tpu.memory_space<vmem>> -> memref<1x1x8x128xf32, #tpu.memory_space<vmem>>
    %dma_wait3A_275 = tpu.memref_squeeze %dma_wait3A_274 : memref<1x1x8x128xf32, #tpu.memory_space<vmem>> -> memref<8x128xf32, #tpu.memory_space<vmem>>
    tpu.wait_dma2 semaphore(%arg11 : memref<!tpu.dma_semaphore, #tpu.memory_space<semaphore_mem>>) src(%dma_wait3A_275 : memref<8x128xf32, #tpu.memory_space<vmem>>) dst(%dma_wait3A_271 : memref<8x128xf32, #tpu.memory_space<hbm>>)
    %dma_wait3A_276 = arith.constant 1 : i32
    %dma_wait3A_277 = arith.constant 2 : i32
    %dma_wait3A_278 = arith.constant 49 : i32
    %dma_wait3A_279 = arith.constant 2 : i32
    %dma_wait3A_280 = arith.constant 0 : i32
    %dma_wait3A_281 = arith.constant 0 : i32
    %dma_wait3A_282 = tpu.memref_slice %arg7[%dma_wait3A_276, %dma_wait3A_277, %dma_wait3A_280, %dma_wait3A_281] : memref<2x8x8x129xf32, #tpu.memory_space<vmem>> -> memref<1x1x8x128xf32, #tpu.memory_space<vmem>>
    %dma_wait3A_283 = tpu.memref_squeeze %dma_wait3A_282 : memref<1x1x8x128xf32, #tpu.memory_space<vmem>> -> memref<8x128xf32, #tpu.memory_space<vmem>>
    %dma_wait3A_284 = arith.constant 0 : i32
    %dma_wait3A_285 = arith.constant 0 : i32
    %dma_wait3A_286 = tpu.memref_slice %arg4[%dma_wait3A_278, %dma_wait3A_279, %add3A, %dma_wait3A_284, %dma_wait3A_285] : memref<50x8x32x8x128xf32, #tpu.memory_space<hbm>> -> memref<1x1x1x8x128xf32, #tpu.memory_space<hbm>>
    %dma_wait3A_287 = tpu.memref_squeeze %dma_wait3A_286 : memref<1x1x1x8x128xf32, #tpu.memory_space<hbm>> -> memref<8x128xf32, #tpu.memory_space<hbm>>
    %dma_wait3A_288 = arith.constant 0 : i32
    %dma_wait3A_289 = arith.constant 0 : i32
    %dma_wait3A_290 = tpu.memref_slice %arg4[%dma_wait3A_278, %dma_wait3A_279, %add3A, %dma_wait3A_288, %dma_wait3A_289] : memref<50x8x32x8x128xf32, #tpu.memory_space<hbm>> -> memref<1x1x1x8x128xf32, #tpu.memory_space<hbm>>
    %dma_wait3A_291 = tpu.memref_squeeze %dma_wait3A_290 : memref<1x1x1x8x128xf32, #tpu.memory_space<hbm>> -> memref<8x128xf32, #tpu.memory_space<hbm>>
    %dma_wait3A_292 = arith.constant 0 : i32
    %dma_wait3A_293 = arith.constant 0 : i32
    %dma_wait3A_294 = tpu.memref_slice %arg7[%dma_wait3A_276, %dma_wait3A_277, %dma_wait3A_292, %dma_wait3A_293] : memref<2x8x8x129xf32, #tpu.memory_space<vmem>> -> memref<1x1x8x128xf32, #tpu.memory_space<vmem>>
    %dma_wait3A_295 = tpu.memref_squeeze %dma_wait3A_294 : memref<1x1x8x128xf32, #tpu.memory_space<vmem>> -> memref<8x128xf32, #tpu.memory_space<vmem>>
    tpu.wait_dma2 semaphore(%arg11 : memref<!tpu.dma_semaphore, #tpu.memory_space<semaphore_mem>>) src(%dma_wait3A_295 : memref<8x128xf32, #tpu.memory_space<vmem>>) dst(%dma_wait3A_291 : memref<8x128xf32, #tpu.memory_space<hbm>>)
    %dma_wait3A_296 = arith.constant 1 : i32
    %dma_wait3A_297 = arith.constant 3 : i32
    %dma_wait3A_298 = arith.constant 49 : i32
    %dma_wait3A_299 = arith.constant 3 : i32
    %dma_wait3A_300 = arith.constant 0 : i32
    %dma_wait3A_301 = arith.constant 0 : i32
    %dma_wait3A_302 = tpu.memref_slice %arg7[%dma_wait3A_296, %dma_wait3A_297, %dma_wait3A_300, %dma_wait3A_301] : memref<2x8x8x129xf32, #tpu.memory_space<vmem>> -> memref<1x1x8x128xf32, #tpu.memory_space<vmem>>
    %dma_wait3A_303 = tpu.memref_squeeze %dma_wait3A_302 : memref<1x1x8x128xf32, #tpu.memory_space<vmem>> -> memref<8x128xf32, #tpu.memory_space<vmem>>
    %dma_wait3A_304 = arith.constant 0 : i32
    %dma_wait3A_305 = arith.constant 0 : i32
    %dma_wait3A_306 = tpu.memref_slice %arg4[%dma_wait3A_298, %dma_wait3A_299, %add3A, %dma_wait3A_304, %dma_wait3A_305] : memref<50x8x32x8x128xf32, #tpu.memory_space<hbm>> -> memref<1x1x1x8x128xf32, #tpu.memory_space<hbm>>
    %dma_wait3A_307 = tpu.memref_squeeze %dma_wait3A_306 : memref<1x1x1x8x128xf32, #tpu.memory_space<hbm>> -> memref<8x128xf32, #tpu.memory_space<hbm>>
    %dma_wait3A_308 = arith.constant 0 : i32
    %dma_wait3A_309 = arith.constant 0 : i32
    %dma_wait3A_310 = tpu.memref_slice %arg4[%dma_wait3A_298, %dma_wait3A_299, %add3A, %dma_wait3A_308, %dma_wait3A_309] : memref<50x8x32x8x128xf32, #tpu.memory_space<hbm>> -> memref<1x1x1x8x128xf32, #tpu.memory_space<hbm>>
    %dma_wait3A_311 = tpu.memref_squeeze %dma_wait3A_310 : memref<1x1x1x8x128xf32, #tpu.memory_space<hbm>> -> memref<8x128xf32, #tpu.memory_space<hbm>>
    %dma_wait3A_312 = arith.constant 0 : i32
    %dma_wait3A_313 = arith.constant 0 : i32
    %dma_wait3A_314 = tpu.memref_slice %arg7[%dma_wait3A_296, %dma_wait3A_297, %dma_wait3A_312, %dma_wait3A_313] : memref<2x8x8x129xf32, #tpu.memory_space<vmem>> -> memref<1x1x8x128xf32, #tpu.memory_space<vmem>>
    %dma_wait3A_315 = tpu.memref_squeeze %dma_wait3A_314 : memref<1x1x8x128xf32, #tpu.memory_space<vmem>> -> memref<8x128xf32, #tpu.memory_space<vmem>>
    tpu.wait_dma2 semaphore(%arg11 : memref<!tpu.dma_semaphore, #tpu.memory_space<semaphore_mem>>) src(%dma_wait3A_315 : memref<8x128xf32, #tpu.memory_space<vmem>>) dst(%dma_wait3A_311 : memref<8x128xf32, #tpu.memory_space<hbm>>)
    %dma_wait3A_316 = arith.constant 1 : i32
    %dma_wait3A_317 = arith.constant 4 : i32
    %dma_wait3A_318 = arith.constant 49 : i32
    %dma_wait3A_319 = arith.constant 4 : i32
    %dma_wait3A_320 = arith.constant 0 : i32
    %dma_wait3A_321 = arith.constant 0 : i32
    %dma_wait3A_322 = tpu.memref_slice %arg7[%dma_wait3A_316, %dma_wait3A_317, %dma_wait3A_320, %dma_wait3A_321] : memref<2x8x8x129xf32, #tpu.memory_space<vmem>> -> memref<1x1x8x128xf32, #tpu.memory_space<vmem>>
    %dma_wait3A_323 = tpu.memref_squeeze %dma_wait3A_322 : memref<1x1x8x128xf32, #tpu.memory_space<vmem>> -> memref<8x128xf32, #tpu.memory_space<vmem>>
    %dma_wait3A_324 = arith.constant 0 : i32
    %dma_wait3A_325 = arith.constant 0 : i32
    %dma_wait3A_326 = tpu.memref_slice %arg4[%dma_wait3A_318, %dma_wait3A_319, %add3A, %dma_wait3A_324, %dma_wait3A_325] : memref<50x8x32x8x128xf32, #tpu.memory_space<hbm>> -> memref<1x1x1x8x128xf32, #tpu.memory_space<hbm>>
    %dma_wait3A_327 = tpu.memref_squeeze %dma_wait3A_326 : memref<1x1x1x8x128xf32, #tpu.memory_space<hbm>> -> memref<8x128xf32, #tpu.memory_space<hbm>>
    %dma_wait3A_328 = arith.constant 0 : i32
    %dma_wait3A_329 = arith.constant 0 : i32
    %dma_wait3A_330 = tpu.memref_slice %arg4[%dma_wait3A_318, %dma_wait3A_319, %add3A, %dma_wait3A_328, %dma_wait3A_329] : memref<50x8x32x8x128xf32, #tpu.memory_space<hbm>> -> memref<1x1x1x8x128xf32, #tpu.memory_space<hbm>>
    %dma_wait3A_331 = tpu.memref_squeeze %dma_wait3A_330 : memref<1x1x1x8x128xf32, #tpu.memory_space<hbm>> -> memref<8x128xf32, #tpu.memory_space<hbm>>
    %dma_wait3A_332 = arith.constant 0 : i32
    %dma_wait3A_333 = arith.constant 0 : i32
    %dma_wait3A_334 = tpu.memref_slice %arg7[%dma_wait3A_316, %dma_wait3A_317, %dma_wait3A_332, %dma_wait3A_333] : memref<2x8x8x129xf32, #tpu.memory_space<vmem>> -> memref<1x1x8x128xf32, #tpu.memory_space<vmem>>
    %dma_wait3A_335 = tpu.memref_squeeze %dma_wait3A_334 : memref<1x1x8x128xf32, #tpu.memory_space<vmem>> -> memref<8x128xf32, #tpu.memory_space<vmem>>
    tpu.wait_dma2 semaphore(%arg11 : memref<!tpu.dma_semaphore, #tpu.memory_space<semaphore_mem>>) src(%dma_wait3A_335 : memref<8x128xf32, #tpu.memory_space<vmem>>) dst(%dma_wait3A_331 : memref<8x128xf32, #tpu.memory_space<hbm>>)
    %dma_wait3A_336 = arith.constant 1 : i32
    %dma_wait3A_337 = arith.constant 5 : i32
    %dma_wait3A_338 = arith.constant 49 : i32
    %dma_wait3A_339 = arith.constant 5 : i32
    %dma_wait3A_340 = arith.constant 0 : i32
    %dma_wait3A_341 = arith.constant 0 : i32
    %dma_wait3A_342 = tpu.memref_slice %arg7[%dma_wait3A_336, %dma_wait3A_337, %dma_wait3A_340, %dma_wait3A_341] : memref<2x8x8x129xf32, #tpu.memory_space<vmem>> -> memref<1x1x8x128xf32, #tpu.memory_space<vmem>>
    %dma_wait3A_343 = tpu.memref_squeeze %dma_wait3A_342 : memref<1x1x8x128xf32, #tpu.memory_space<vmem>> -> memref<8x128xf32, #tpu.memory_space<vmem>>
    %dma_wait3A_344 = arith.constant 0 : i32
    %dma_wait3A_345 = arith.constant 0 : i32
    %dma_wait3A_346 = tpu.memref_slice %arg4[%dma_wait3A_338, %dma_wait3A_339, %add3A, %dma_wait3A_344, %dma_wait3A_345] : memref<50x8x32x8x128xf32, #tpu.memory_space<hbm>> -> memref<1x1x1x8x128xf32, #tpu.memory_space<hbm>>
    %dma_wait3A_347 = tpu.memref_squeeze %dma_wait3A_346 : memref<1x1x1x8x128xf32, #tpu.memory_space<hbm>> -> memref<8x128xf32, #tpu.memory_space<hbm>>
    %dma_wait3A_348 = arith.constant 0 : i32
    %dma_wait3A_349 = arith.constant 0 : i32
    %dma_wait3A_350 = tpu.memref_slice %arg4[%dma_wait3A_338, %dma_wait3A_339, %add3A, %dma_wait3A_348, %dma_wait3A_349] : memref<50x8x32x8x128xf32, #tpu.memory_space<hbm>> -> memref<1x1x1x8x128xf32, #tpu.memory_space<hbm>>
    %dma_wait3A_351 = tpu.memref_squeeze %dma_wait3A_350 : memref<1x1x1x8x128xf32, #tpu.memory_space<hbm>> -> memref<8x128xf32, #tpu.memory_space<hbm>>
    %dma_wait3A_352 = arith.constant 0 : i32
    %dma_wait3A_353 = arith.constant 0 : i32
    %dma_wait3A_354 = tpu.memref_slice %arg7[%dma_wait3A_336, %dma_wait3A_337, %dma_wait3A_352, %dma_wait3A_353] : memref<2x8x8x129xf32, #tpu.memory_space<vmem>> -> memref<1x1x8x128xf32, #tpu.memory_space<vmem>>
    %dma_wait3A_355 = tpu.memref_squeeze %dma_wait3A_354 : memref<1x1x8x128xf32, #tpu.memory_space<vmem>> -> memref<8x128xf32, #tpu.memory_space<vmem>>
    tpu.wait_dma2 semaphore(%arg11 : memref<!tpu.dma_semaphore, #tpu.memory_space<semaphore_mem>>) src(%dma_wait3A_355 : memref<8x128xf32, #tpu.memory_space<vmem>>) dst(%dma_wait3A_351 : memref<8x128xf32, #tpu.memory_space<hbm>>)
    %dma_wait3A_356 = arith.constant 1 : i32
    %dma_wait3A_357 = arith.constant 6 : i32
    %dma_wait3A_358 = arith.constant 49 : i32
    %dma_wait3A_359 = arith.constant 6 : i32
    %dma_wait3A_360 = arith.constant 0 : i32
    %dma_wait3A_361 = arith.constant 0 : i32
    %dma_wait3A_362 = tpu.memref_slice %arg7[%dma_wait3A_356, %dma_wait3A_357, %dma_wait3A_360, %dma_wait3A_361] : memref<2x8x8x129xf32, #tpu.memory_space<vmem>> -> memref<1x1x8x128xf32, #tpu.memory_space<vmem>>
    %dma_wait3A_363 = tpu.memref_squeeze %dma_wait3A_362 : memref<1x1x8x128xf32, #tpu.memory_space<vmem>> -> memref<8x128xf32, #tpu.memory_space<vmem>>
    %dma_wait3A_364 = arith.constant 0 : i32
    %dma_wait3A_365 = arith.constant 0 : i32
    %dma_wait3A_366 = tpu.memref_slice %arg4[%dma_wait3A_358, %dma_wait3A_359, %add3A, %dma_wait3A_364, %dma_wait3A_365] : memref<50x8x32x8x128xf32, #tpu.memory_space<hbm>> -> memref<1x1x1x8x128xf32, #tpu.memory_space<hbm>>
    %dma_wait3A_367 = tpu.memref_squeeze %dma_wait3A_366 : memref<1x1x1x8x128xf32, #tpu.memory_space<hbm>> -> memref<8x128xf32, #tpu.memory_space<hbm>>
    %dma_wait3A_368 = arith.constant 0 : i32
    %dma_wait3A_369 = arith.constant 0 : i32
    %dma_wait3A_370 = tpu.memref_slice %arg4[%dma_wait3A_358, %dma_wait3A_359, %add3A, %dma_wait3A_368, %dma_wait3A_369] : memref<50x8x32x8x128xf32, #tpu.memory_space<hbm>> -> memref<1x1x1x8x128xf32, #tpu.memory_space<hbm>>
    %dma_wait3A_371 = tpu.memref_squeeze %dma_wait3A_370 : memref<1x1x1x8x128xf32, #tpu.memory_space<hbm>> -> memref<8x128xf32, #tpu.memory_space<hbm>>
    %dma_wait3A_372 = arith.constant 0 : i32
    %dma_wait3A_373 = arith.constant 0 : i32
    %dma_wait3A_374 = tpu.memref_slice %arg7[%dma_wait3A_356, %dma_wait3A_357, %dma_wait3A_372, %dma_wait3A_373] : memref<2x8x8x129xf32, #tpu.memory_space<vmem>> -> memref<1x1x8x128xf32, #tpu.memory_space<vmem>>
    %dma_wait3A_375 = tpu.memref_squeeze %dma_wait3A_374 : memref<1x1x8x128xf32, #tpu.memory_space<vmem>> -> memref<8x128xf32, #tpu.memory_space<vmem>>
    tpu.wait_dma2 semaphore(%arg11 : memref<!tpu.dma_semaphore, #tpu.memory_space<semaphore_mem>>) src(%dma_wait3A_375 : memref<8x128xf32, #tpu.memory_space<vmem>>) dst(%dma_wait3A_371 : memref<8x128xf32, #tpu.memory_space<hbm>>)
    %dma_wait3A_376 = arith.constant 1 : i32
    %dma_wait3A_377 = arith.constant 7 : i32
    %dma_wait3A_378 = arith.constant 49 : i32
    %dma_wait3A_379 = arith.constant 7 : i32
    %dma_wait3A_380 = arith.constant 0 : i32
    %dma_wait3A_381 = arith.constant 0 : i32
    %dma_wait3A_382 = tpu.memref_slice %arg7[%dma_wait3A_376, %dma_wait3A_377, %dma_wait3A_380, %dma_wait3A_381] : memref<2x8x8x129xf32, #tpu.memory_space<vmem>> -> memref<1x1x8x128xf32, #tpu.memory_space<vmem>>
    %dma_wait3A_383 = tpu.memref_squeeze %dma_wait3A_382 : memref<1x1x8x128xf32, #tpu.memory_space<vmem>> -> memref<8x128xf32, #tpu.memory_space<vmem>>
    %dma_wait3A_384 = arith.constant 0 : i32
    %dma_wait3A_385 = arith.constant 0 : i32
    %dma_wait3A_386 = tpu.memref_slice %arg4[%dma_wait3A_378, %dma_wait3A_379, %add3A, %dma_wait3A_384, %dma_wait3A_385] : memref<50x8x32x8x128xf32, #tpu.memory_space<hbm>> -> memref<1x1x1x8x128xf32, #tpu.memory_space<hbm>>
    %dma_wait3A_387 = tpu.memref_squeeze %dma_wait3A_386 : memref<1x1x1x8x128xf32, #tpu.memory_space<hbm>> -> memref<8x128xf32, #tpu.memory_space<hbm>>
    %dma_wait3A_388 = arith.constant 0 : i32
    %dma_wait3A_389 = arith.constant 0 : i32
    %dma_wait3A_390 = tpu.memref_slice %arg4[%dma_wait3A_378, %dma_wait3A_379, %add3A, %dma_wait3A_388, %dma_wait3A_389] : memref<50x8x32x8x128xf32, #tpu.memory_space<hbm>> -> memref<1x1x1x8x128xf32, #tpu.memory_space<hbm>>
    %dma_wait3A_391 = tpu.memref_squeeze %dma_wait3A_390 : memref<1x1x1x8x128xf32, #tpu.memory_space<hbm>> -> memref<8x128xf32, #tpu.memory_space<hbm>>
    %dma_wait3A_392 = arith.constant 0 : i32
    %dma_wait3A_393 = arith.constant 0 : i32
    %dma_wait3A_394 = tpu.memref_slice %arg7[%dma_wait3A_376, %dma_wait3A_377, %dma_wait3A_392, %dma_wait3A_393] : memref<2x8x8x129xf32, #tpu.memory_space<vmem>> -> memref<1x1x8x128xf32, #tpu.memory_space<vmem>>
    %dma_wait3A_395 = tpu.memref_squeeze %dma_wait3A_394 : memref<1x1x8x128xf32, #tpu.memory_space<vmem>> -> memref<8x128xf32, #tpu.memory_space<vmem>>
    tpu.wait_dma2 semaphore(%arg11 : memref<!tpu.dma_semaphore, #tpu.memory_space<semaphore_mem>>) src(%dma_wait3A_395 : memref<8x128xf32, #tpu.memory_space<vmem>>) dst(%dma_wait3A_391 : memref<8x128xf32, #tpu.memory_space<hbm>>)
    return
  }
}

</mosaic_0001>

<sc_bundles>
// kernel: kernel.3.cloned.1.call-start
scs
__scs_entry_jumppad:
0x0: {  	(pc) =	sbr.rel $0x88, $3  }
0x1: {  	(tag) =	ssettag $0x0;
	lr =	simm.s32 $0x1  }
0x2: {  	[smem:$0x3F9F] =	sst lr;
	_ =	strace $0xD0000000  }
0x3: {  	_ = 	snop  }
0x4: {  	_ = 	snop  }
0x5: {  	_ = 	snop  }
0x6: {  	_ = 	snop  }
0x7: {  	_ = 	snop  }
__scs_overlays_trampoline_lowered:
0x8: {  	[smem:$0x3FAE] =	sst s0  }
0x9: {  	[smem:$0x3FAF] =	sst s1  }
0xa: {  	[smem:$0x3FB0] =	sst s2  }
0xb: {  	[smem:$0x3FB1] =	sst s3  }
0xc: {  	[smem:$0x3FB2] =	sst s4  }
0xd: {  	[smem:$0x3FB3] =	sst s5  }
0xe: {  	[smem:$0x3FB4] =	sst s6  }
0xf: {  	[smem:$0x3FB5] =	sst s7  }
0x10: {  	[smem:$0x3FB6] =	sst s8  }
0x11: {  	[smem:$0x3FB7] =	sst s9;
	s0 =	simm.s32 @!p0 $0x0  }
0x12: {  	s1 =	sld [smem:$0x3F9D];
	s0 =	simm.s32 @p0 $0x1  }
0x13: {  	[smem:$0x3FB8] =	sst s0;
	s0 =	simm.s32 @!p1 $0x0  }
0x14: {  	s2 =	sld [smem:$0x3F9C];
	s0 =	simm.s32 @p1 $0x1  }
0x15: {  	[smem:$0x3FB9] =	sst s0;
	s0 =	simm.s32 @!p2 $0x0  }
0x16: {  	s3 =	sld [smem:$0x3FDB];
	s0 =	simm.s32 @p2 $0x1  }
0x17: {  	s4 =	simm.s32 $0x1BF5;
	[smem:$0x3FBB] =	sst s0  }
0x18: {  	s0 =	sld [smem:$0x3F9E];
	_ =	swait.ge [sflag:s4], $0x0  }
0x19: {  	s7 =	sld [smem:$0x3F9F]  }
0x1a: {  	s8 =	sadd.s32 $0xFFFFE003, lr  }
0x1b: {  	s9 =	sadd.s32 $0xFFFFFEF7, lr;
	s5 =	simm.s32 $0xFFFFFFFF;
	p2 =	slt.u32 s8, $0xFFFFF086  }
0x1c: {  	p1 =	slt.u32 s9, $0xF7A;
	s5 =	simm.s32 @!p2 $0x0  }
0x1d: {  	s5 =	simm.s32 @p1 $0x1;
	p0 =	seq.s32 s7, s2  }
0x1e: {  	s7 =	smul.u32 @!p0 $0xF7A, s2;
	p2 =	seq.s32 @!p0 s5, $0x0  }
0x1f: {  	s9 =	smul.u32 $0xF7A, s1;
	s8 =	simm.s32 @!p0 $0x1BF5;
	p2 =	por !p2, p0  }
0x20: {  	[sflag:s8] =	ssyncset.s32 @!p0 $0xFFFFF086;
	s6 =	sadd.s32 @!p0 s3, s7;
	s7 =	simm.s32 @!p0 $0x108  }
0x21: {  	s3 =	sadd.s32 s3, s9;
	s6 =	sadd.s32 @!p0 $0x88, s6;
	s7 =	simm.s32 @p2 $0x1082  }
0x22: {  	[simem:s7], [sflag:s8] =	dma.local @!p0 [hbm:s6], $0xF7A  }
0x23: {  	s9 =	sor.u32 $0xD0000000, s2;
	s6 =	simm.s32 $0x108;
	_ =	swait.ge @!p0 [sflag:s8], $0x0  }
0x24: {  	s3 =	sadd.s32 $0x88, s3;
	s6 =	simm.s32 @!p1 $0x1082;
	[sflag:s4] =	ssyncset.s32 $0xFFFFF086  }
0x25: {  	[simem:s6], [sflag:s4] =	dma.local [hbm:s3], $0xF7A  }
0x26: {  	[smem:$0x3F9F] =	sst s1;
	(tag) =	ssettag s2;
	_ =	strace s9  }
0x27: {  	s1 =	sld [smem:$0x3FAF]  }
0x28: {  	s2 =	sld [smem:$0x3FB0]  }
0x29: {  	s4 =	sld [smem:$0x3FB2]  }
0x2a: {  	p0 =	seq.s32 s5, $0x0;
	s5 =	sld [smem:$0x3FB3]  }
0x2b: {  	s6 =	sld [smem:$0x3FB4]  }
0x2c: {  	s7 =	sld [smem:$0x3FB5]  }
0x2d: {  	s3 =	simm.s32 $0x108;
	s8 =	sld [smem:$0x3FB6]  }
0x2e: {  	s3 =	simm.s32 @!p0 $0x1082;
	s9 =	sld [smem:$0x3FB7]  }
0x2f: {  	lr =	sadd.s32 s0, s3;
	s0 =	sld [smem:$0x3FAE]  }
0x30: {  	s3 =	sld [smem:$0x3FB1]  }
0x31: {  	[smem:$0x3FBA] =	sst s10  }
0x32: {  	s10 =	sld [smem:$0x3FB8];
	_ =	sdelay $0x3  }
0x33: {  	p0 =	seq.s32 s10, $0x1;
	s10 =	sld [smem:$0x3FBA];
	_ =	sdelay $0x3  }
0x34: {  	[smem:$0x3FBA] =	sst s10  }
0x35: {  	s10 =	sld [smem:$0x3FB9];
	_ =	sdelay $0x3  }
0x36: {  	p1 =	seq.s32 s10, $0x1;
	s10 =	sld [smem:$0x3FBA];
	_ =	sdelay $0x3  }
0x37: {  	[smem:$0x3FBA] =	sst s10  }
0x38: {  	s10 =	sld [smem:$0x3FBB]  }
0x39: {  	_ = 	snop;
	(pc) =	sbr.ind lr, $3  }
0x3a: {  	_ = 	snop  }
0x3b: {  	_ = 	snop  }
0x3c: {  	p2 =	seq.s32 s10, $0x1;
	s10 =	sld [smem:$0x3FBA]  }
0x3d: {  	_ =	shalt  }
0x3e: {  	_ =	shalt  }
0x3f: {  	_ =	shalt  }
0x40: {  	_ =	shalt  }
0x41: {  	_ =	shalt  }
0x42: {  	_ =	shalt  }
0x43: {  	_ =	shalt  }
0x44: {  	_ =	shalt  }
0x45: {  	_ =	shalt  }
0x46: {  	_ =	shalt  }
0x47: {  	_ =	shalt  }
0x48: {  	_ =	shalt  }
0x49: {  	_ =	shalt  }
0x4a: {  	_ =	shalt  }
0x4b: {  	_ =	shalt  }
0x4c: {  	_ =	shalt  }
0x4d: {  	_ =	shalt  }
0x4e: {  	_ =	shalt  }
0x4f: {  	_ =	shalt  }
0x50: {  	_ =	shalt  }
0x51: {  	_ =	shalt  }
0x52: {  	_ =	shalt  }
0x53: {  	_ =	shalt  }
0x54: {  	_ =	shalt  }
0x55: {  	_ =	shalt  }
0x56: {  	_ =	shalt  }
0x57: {  	_ =	shalt  }
0x58: {  	_ =	shalt  }
0x59: {  	_ =	shalt  }
0x5a: {  	_ =	shalt  }
0x5b: {  	_ =	shalt  }
0x5c: {  	_ =	shalt  }
0x5d: {  	_ =	shalt  }
0x5e: {  	_ =	shalt  }
0x5f: {  	_ =	shalt  }
0x60: {  	_ =	shalt  }
0x61: {  	_ =	shalt  }
0x62: {  	_ =	shalt  }
0x63: {  	_ =	shalt  }
0x64: {  	_ =	shalt  }
0x65: {  	_ =	shalt  }
0x66: {  	_ =	shalt  }
0x67: {  	_ =	shalt  }
0x68: {  	_ =	shalt  }
0x69: {  	_ =	shalt  }
0x6a: {  	_ =	shalt  }
0x6b: {  	_ =	shalt  }
0x6c: {  	_ =	shalt  }
0x6d: {  	_ =	shalt  }
0x6e: {  	_ =	shalt  }
0x6f: {  	_ =	shalt  }
0x70: {  	_ =	shalt  }
0x71: {  	_ =	shalt  }
0x72: {  	_ =	shalt  }
0x73: {  	_ =	shalt  }
0x74: {  	_ =	shalt  }
0x75: {  	_ =	shalt  }
0x76: {  	_ =	shalt  }
0x77: {  	_ =	shalt  }
0x78: {  	_ =	shalt  }
0x79: {  	_ =	shalt  }
0x7a: {  	_ =	shalt  }
0x7b: {  	_ =	shalt  }
0x7c: {  	_ =	shalt  }
0x7d: {  	_ =	shalt  }
0x7e: {  	_ =	shalt  }
0x7f: {  	_ =	shalt  }
0x80: {  	_ =	shalt  }
0x81: {  	_ =	shalt  }
0x82: {  	_ =	shalt  }
0x83: {  	_ =	shalt  }
0x84: {  	_ =	shalt  }
0x85: {  	_ =	shalt  }
0x86: {  	_ =	shalt  }
0x87: {  	_ =	shalt  }
.Lfunc_end0:
.L_simem_size_0:
called_computation_lowered:
.L_overlay_start_0:
0x88: {  	s2 =	sld [smem:$0x3FD9]  }
0x89: {  	s3 =	sld [smem:$0x3FFE];
	_ =	sdelay $0x1  }
0x8a: {  	s1 =	srdreg.scid  }
0x8b: {  	s0 =	sand.u32 $0x1, s1  }
0x8c: {  	s17 =	sshll.u32 s0, $0xA;
	s2 =	sadd.s32 s3, s2  }
0x8d: {  	s2 =	sadd.s32 s2, s17  }
0x8e: {  	[smem:$0x3FC6] =	sst s2  }
0x8f: {  	_ = 	snop  }
0x90: {  	s2 =	sld [smem:$0x3FD0];
	(tm) =	ssettm $0x1  }
0x91: {  	s18 =	sld [smem:$0x3FFB];
	_ =	sdelay $0x3  }
0x92: {  	_ =	strace s18  }
0x93: {  	s3 =	sld [smem:$0x3FFC];
	_ =	sdelay $0x3  }
0x94: {  	_ =	strace s3  }
0x95: {  	s3 =	sld [smem:$0x3FFD];
	_ =	sdelay $0x3  }
0x96: {  	_ =	strace s3  }
0x97: {  	_ =	strace $0x8FFFFFFF  }
0x98: {  	s19 =	sld [smem:$0x3FDB];
	_ =	sdelay $0x1  }
0x99: {  	s4 =	simm.s32 $_scs_section_size  }
0x9a: {  	s5 =	simm.s32 $_size__tile_overlayer_lowered;
	s6 =	simm.s32 $_tile_overlayer_lowered  }
0x9b: {  	s22 =	simm.s32 $0x1BFF;
	s21 =	sshll.u32 s6, $0x1;
	s3 =	sadd.s32 s4, s19  }
0x9c: {  	s7 =	simm.s32 $0x0;
	s20 =	sshll.u32 s5, $0x1;
	s5 =	sadd.s32 s21, s3  }
0x9d: {  	[timem:s7], [sflag:s22] =	dma.local [hbm:s5], s20  }
0x9e: {  	_ =	swait.ge [sflag:s22], s20  }
0x9f: {  	s4 =	ssub.s32 $0x0, s20;
	[sflag:s22] =	ssyncset.done $0x0  }
0xa0: {  	[sflag:s22] =	ssyncadd.s32 s4;
	_ =	sdelay $0x1  }
0xa1: {  	s23 =	simm.s32 $0x1B8B  }
0xa2: {  	_ =	swait.ge [sflag:s23], $0x1  }
0xa3: {  	[sflag:s23] =	ssyncset.done $0x0  }
0xa4: {  	s25 =	simm.s32 $0x1B8E;
	s24 =	sld [smem:$0x3FFE];
	[sflag:s23] =	ssyncadd.s32 $0xFFFFFFFF  }
0xa5: {  	s26 =	simm.s32 $execute0_lowered;
	[smem:$0x3FD2] =	sst s25  }
0xa6: {  	s5 =	sshll.u32 s26, $0x1;
	_ =	strace $0x80000046;
	[dreg:$0x1] =	wrdreg $0xFFFFFFFF  }
0xa7: {  	s28 =	simm.s32 $_size_execute0_lowered;
	s3 =	sadd.s32 s3, s5;
	[dreg:$0x0] =	wrdreg $0x0  }
0xa8: {  	s5 =	sshll.u32 s28, $0x1;
	[dreg:$0x2] =	wrdreg s3  }
0xa9: {  	[dreg:$0x3] =	wrdreg s5  }
0xaa: {  	[dreg:$0x4] =	wrdreg $0xC0  }
0xab: {  	_ =	task [dreg:s7], $0x5FFFF  }
0xac: {  	[dreg:$0x1] =	wrdreg $0xFFFFFFFF  }
0xad: {  	[dreg:$0x0] =	wrdreg $0x60  }
0xae: {  	[dreg:$0x2] =	wrdreg s24  }
0xaf: {  	[dreg:$0x3] =	wrdreg s2  }
0xb0: {  	[dreg:$0x4] =	wrdreg $0x9  }
0xb1: {  	_ =	task.clear_ibuf [dreg:s7], $0x5FFFF;
	_ =	strace $0x90000046  }
0xb2: {  	s29 =	simm.s32 $0x9;
	_ =	strace $0x80000048  }
0xb3: {  	_ =	swait.ge [sflag:s29], $0x1  }
0xb4: {  	[sflag:s29] =	ssyncadd.s32 $0xFFFFFFFF  }
0xb5: {  	_ =	strace $0x90000048  }
0xb6: {  	_ =	sfence  }
0xb7: {  	s30 =	sld [smem:$0x0];
	_ =	sdelay $0x2  }
0xb8: {  	s31 =	sshll.u32 s1, $0xD;
	s1 =	sshrl.u32 s1, $0x2  }
0xb9: {  	s3 =	sand.u32 $0x4000, s31;
	s1 =	sadd.s32 s1, s30  }
0xba: {  	s0 =	sor.u32 s3, s0;
	s1 =	sshll.u32 s1, $0x11  }
0xbb: {  	s0 =	sor.u32 s1, s0  }
0xbc: {  	s0 =	sadd.s32 $0x8F2B, s0  }
0xbd: {  	[sflag:s0] =	ssyncadd.remote.s32 $0x1  }
0xbe: {  	_ =	sfence.sel $0xFFFF  }
0xbf: {  	[dreg:$0x0] =	wrdreg $0xFFFFFFFF;
	(pc) =	sbr.abs _section_cstart, $3  }
0xc0: {  	[dreg:$0x1] =	wrdreg $0xFFFFFFFF  }
0xc1: {  	_ =	task.clear_ibuf [dreg:s7], $0x2FFFF;
	_ =	strace $0x9FFFFFFF  }
0xc2: {  	(tm) =	ssettm $0x7FFFFFFF  }
0xc3: {  	_ =	shalt  }
tec
execute0_lowered:
.L_overlay_start_1:
0x0: {  	(tag) =	ssettag $0x1  }
0x1: {  	s0 =	rddreg [dreg:$0x0]  }
0x2: {  	s7 =	rddreg [dreg:$0x1];
	s1 =	srdreg.scid  }
0x3: {  	s2 =	stileid.u32;
	s3 =	simm.s32 $0x0;
	s29 =	simm.s32 $0x1  }
0x4: {  	s30 =	simm.s32 $0x5900;
	s1 =	sand.u32 $0x1, s1;
	s2 =	sshll.u32 s2, $0x1  }
0x5: {  	[smem:$0x7FF] =	sst s3;
	s25 =	sadd.s32 $0x1000, s7;
	s26 =	sadd.s32 $0x2000, s7  }
0x6: {  	s28 =	sadd.s32 $0x3000, s7;
	s31 =	sadd.s32 $0x4000, s7;
	s11 =	sadd.s32 $0x5000, s7  }
0x7: {  	s12 =	sadd.s32 $0x6000, s7;
	s13 =	sadd.s32 $0x7000, s7;
	s14 =	sadd.s32 $0x8000, s7  }
0x8: {  	s15 =	sadd.s32 $0x9000, s7;
	s16 =	sadd.s32 $0xA000, s7;
	s17 =	sadd.s32 $0xB000, s7  }
0x9: {  	s18 =	sadd.s32 $0xC000, s7;
	_ =	strace $0x80000047;
	[dreg:$0x5] =	wrdreg s25  }
0xa: {  	s19 =	sadd.s32 $0xD000, s7;
	s20 =	sadd.s32 $0xE000, s7;
	[dreg:$0x6] =	wrdreg s26  }
0xb: {  	s21 =	sadd.s32 $0xF000, s7;
	s2 =	sor.u32 s1, s2;
	[dreg:$0x7] =	wrdreg s28  }
0xc: {  	s1 =	ssub.s32 $0x2, s1;
	[dreg:$0x8] =	wrdreg s31;
	s4 =	sshll.u32 s2, $0x4  }
.Ltmp0:
0xd: {  	s5 =	sshrl.u32 s1, $0x1;
	s24 =	sshll.u32 s2, $0x7;
	(pc) =	sbr.rel .LBB2_1-.Ltmp0, $4  }
0xe: {  	v0 =	vlaneseq.u32;
	s6 =	sadd.s32 s4, s0;
	s4 =	sadd.s32 $0x6800, s0;
	s22 =	ssub.s32 s1, s5  }
0xf: {  	v0 =	vmul.u32 $0x88, v0;
	[dreg:$0x4] =	wrdreg s24;
	s24 =	simm.s32 $0x2;
	s23 =	sadd.s32 $0x400, s6  }
0x10: {  	s5 =	simm.s32 $0x4;
	s0 =	smax.u32 s22, $0x1;
	[dreg:$0x3] =	wrdreg s23  }
0x11: {  	v1 =	vadd.s32 $0x880, v0;
	v2 =	vadd.s32 $0x1100, v0;
	v3 =	vadd.s32 $0x1980, v0;
	s1 =	simm.s32 $0x0;
	s22 =	simm.s32 $0x7B00;
	[dreg:$0x9] =	wrdreg s0  }
.LBB2_12:
0x12: {  	s0 =	simm.s32 $0x3  }
0x13: {  	_ =	swait.ge [sflag:s0], $0x400  }
0x14: {  	[sflag:s0] =	ssyncset.done $0x0  }
0x15: {  	[sflag:s0] =	ssyncadd.s32 $0xFFFFFC00  }
0x16: {  	_ =	swait.ge [sflag:s0], $0x400  }
0x17: {  	[sflag:s0] =	ssyncset.done $0x0  }
0x18: {  	[sflag:s0] =	ssyncadd.s32 $0xFFFFFC00  }
0x19: {  	_ =	swait.ge [sflag:s0], $0x400  }
0x1a: {  	[sflag:s0] =	ssyncset.done $0x0  }
0x1b: {  	[sflag:s0] =	ssyncadd.s32 $0xFFFFFC00  }
0x1c: {  	_ =	swait.ge [sflag:s0], $0x400  }
0x1d: {  	[sflag:s0] =	ssyncset.done $0x0  }
0x1e: {  	[sflag:s0] =	ssyncadd.s32 $0xFFFFFC00  }
0x1f: {  	_ =	swait.ge [sflag:s0], $0x400  }
0x20: {  	[sflag:s0] =	ssyncset.done $0x0  }
0x21: {  	[sflag:s0] =	ssyncadd.s32 $0xFFFFFC00  }
0x22: {  	_ =	swait.ge [sflag:s0], $0x400  }
0x23: {  	[sflag:s0] =	ssyncset.done $0x0  }
0x24: {  	[sflag:s0] =	ssyncadd.s32 $0xFFFFFC00  }
0x25: {  	_ =	swait.ge [sflag:s0], $0x400  }
0x26: {  	[sflag:s0] =	ssyncset.done $0x0  }
0x27: {  	[sflag:s0] =	ssyncadd.s32 $0xFFFFFC00  }
0x28: {  	_ =	swait.ge [sflag:s0], $0x400  }
0x29: {  	[sflag:s0] =	ssyncset.done $0x0  }
0x2a: {  	[sflag:s0] =	ssyncadd.s32 $0xFFFFFC00  }
0x2b: {  	_ =	swait.ge [sflag:s5], $0x400  }
0x2c: {  	[sflag:s5] =	ssyncset.done $0x0  }
0x2d: {  	[sflag:s5] =	ssyncadd.s32 $0xFFFFFC00  }
0x2e: {  	_ =	swait.ge [sflag:s5], $0x400  }
0x2f: {  	[sflag:s5] =	ssyncset.done $0x0  }
0x30: {  	[sflag:s5] =	ssyncadd.s32 $0xFFFFFC00  }
0x31: {  	_ =	swait.ge [sflag:s5], $0x400  }
0x32: {  	[sflag:s5] =	ssyncset.done $0x0  }
0x33: {  	[sflag:s5] =	ssyncadd.s32 $0xFFFFFC00  }
0x34: {  	_ =	swait.ge [sflag:s5], $0x400  }
0x35: {  	[sflag:s5] =	ssyncset.done $0x0  }
0x36: {  	[sflag:s5] =	ssyncadd.s32 $0xFFFFFC00  }
0x37: {  	_ =	swait.ge [sflag:s5], $0x400  }
0x38: {  	[sflag:s5] =	ssyncset.done $0x0  }
0x39: {  	[sflag:s5] =	ssyncadd.s32 $0xFFFFFC00  }
0x3a: {  	_ =	swait.ge [sflag:s5], $0x400  }
0x3b: {  	[sflag:s5] =	ssyncset.done $0x0  }
0x3c: {  	[sflag:s5] =	ssyncadd.s32 $0xFFFFFC00  }
0x3d: {  	_ =	swait.ge [sflag:s5], $0x400  }
0x3e: {  	[sflag:s5] =	ssyncset.done $0x0  }
0x3f: {  	[sflag:s5] =	ssyncadd.s32 $0xFFFFFC00  }
0x40: {  	_ =	swait.ge [sflag:s5], $0x400  }
0x41: {  	s1 =	rddreg [dreg:$0xa]  }
0x42: {  	s31 =	rddreg [dreg:$0x9];
	s1 =	sadd.s32 $0x1, s1  }
0x43: {  	p0 =	sne.s32 s1, s31  }
.Ltmp1:
0x44: {  	_ = 	snop;
	(pc) =	sbr.rel @!p0 .LBB2_13-.Ltmp1, $3  }
0x45: {  	_ =	sdelay $0x1  }
0x46: {  	[sflag:s5] =	ssyncset.done $0x0  }
0x47: {  	[sflag:s5] =	ssyncadd.s32 $0xFFFFFC00  }
.LBB2_1:
0x48: {  	[dreg:$0xa] =	wrdreg s1  }
0x49: {  	s0 =	rddreg [dreg:$0x3]  }
0x4a: {  	s25 =	simm.s32 $0x80;
	s2 =	simm.s32 $0x1000;
	s26 =	simm.s32 $0x5  }
0x4b: {  	[tilespmem:s3], [sflag:$0x5] =	stream.strided.gather [hbm4b:s0+s25], $0x1900, s2, s25, $0x38;
	[tilespmem:$0x9D00] =	vst v63  }
0x4c: {  	_ =	swait.ge [sflag:s26], $0x1900  }
0x4d: {  	[sflag:s26] =	ssyncset.done $0x0  }
0x4e: {  	s28 =	simm.s32 $0x1900;
	[sflag:s26] =	ssyncadd.s32 $0xFFFFE700  }
0x4f: {  	[tilespmem:s28], [sflag:$0x1] =	stream.indirect.gather [hbm4b:s4+s25], $0x40, s3, s25, $0xb8;
	[tilespmem:$0x9D00] =	vst v63  }
0x50: {  	s31 =	simm.s32 $0x3900  }
0x51: {  	[tilespmem:s31], [sflag:$0x2] =	stream.indirect.gather [hbm4b:s4+s25], $0x40, s25, s25, $0xb8;
	[tilespmem:$0x9D00] =	vst v63  }
0x52: {  	s25 =	simm.s32 $0x0  }
.LBB2_2:
0x53: {  	_ =	swait.ge [sflag:s29], $0x2000  }
0x54: {  	p0 =	seq.s32 s25, $0x0;
	[sflag:s29] =	ssyncset.done $0x0  }
0x55: {  	s0 =	simm.s32 @!p0 $0x3;
	[sflag:s29] =	ssyncadd.s32 $0xFFFFE000  }
0x56: {  	_ =	swait.ge @!p0 [sflag:s0], $0x400  }
0x57: {  	[sflag:s0] =	ssyncset.done @!p0 $0x0  }
0x58: {  	[sflag:s0] =	ssyncadd.s32 @!p0 $0xFFFFFC00  }
0x59: {  	_ =	swait.ge @!p0 [sflag:s0], $0x400  }
0x5a: {  	[sflag:s0] =	ssyncset.done @!p0 $0x0  }
0x5b: {  	[sflag:s0] =	ssyncadd.s32 @!p0 $0xFFFFFC00  }
0x5c: {  	_ =	swait.ge @!p0 [sflag:s0], $0x400  }
0x5d: {  	[sflag:s0] =	ssyncset.done @!p0 $0x0  }
0x5e: {  	[sflag:s0] =	ssyncadd.s32 @!p0 $0xFFFFFC00  }
0x5f: {  	_ =	swait.ge @!p0 [sflag:s0], $0x400  }
0x60: {  	[sflag:s0] =	ssyncset.done @!p0 $0x0  }
0x61: {  	[sflag:s0] =	ssyncadd.s32 @!p0 $0xFFFFFC00  }
0x62: {  	_ =	swait.ge @!p0 [sflag:s0], $0x400  }
0x63: {  	[sflag:s0] =	ssyncset.done @!p0 $0x0  }
0x64: {  	[sflag:s0] =	ssyncadd.s32 @!p0 $0xFFFFFC00  }
0x65: {  	_ =	swait.ge @!p0 [sflag:s0], $0x400  }
0x66: {  	[sflag:s0] =	ssyncset.done @!p0 $0x0  }
0x67: {  	[sflag:s0] =	ssyncadd.s32 @!p0 $0xFFFFFC00  }
0x68: {  	_ =	swait.ge @!p0 [sflag:s0], $0x400  }
0x69: {  	[sflag:s0] =	ssyncset.done @!p0 $0x0  }
0x6a: {  	[sflag:s0] =	ssyncadd.s32 @!p0 $0xFFFFFC00  }
0x6b: {  	s1 =	simm.s32 $0x0;
	_ =	swait.ge @!p0 [sflag:s0], $0x400  }
0x6c: {  	v4 =	vmov s1;
	[sflag:s0] =	ssyncset.done @!p0 $0x0  }
0x6d: {  	s7 =	simm.s32 $0x1940;
	v4 =	vand.u32 $0x7E, v4;
	[sflag:s0] =	ssyncadd.s32 @!p0 $0xFFFFFC00  }
0x6e: {  	v6 =	vadd.s32 v0, v4;
	v5 =	vld [tilespmem:s7+$0xFFFFFFC0];
	_ =	sdelay $0x4  }
0x6f: {  	s6 =	simm.s32 $0x2;
	[tilespmem:v6+s30+$0x0] =	vst.idx.msk $0xffff, v5  }
0x70: {  	v7 =	vadd.s32 v1, v4;
	v5 =	vmov s6;
	v6 =	vld [tilespmem:s7+$0xFFFFFFD0]  }
0x71: {  	s26 =	simm.s32 $0x19C0;
	v5 =	vand.u32 $0x7E, v5  }
0x72: {  	v8 =	vld [tilespmem:s26+$0xFFFFFFC0];
	v9 =	vadd.s32 v0, v5;
	_ =	sdelay $0x2  }
0x73: {  	[tilespmem:v7+s30+$0x0] =	vst.idx.msk $0xffff, v6  }
0x74: {  	v7 =	vadd.s32 v2, v4;
	v6 =	vld [tilespmem:s7+$0xFFFFFFE0]  }
0x75: {  	s8 =	simm.s32 $0x4;
	[tilespmem:v9+s30+$0x0] =	vst.idx.msk $0xffff, v8  }
0x76: {  	v10 =	vadd.s32 v1, v5;
	v8 =	vmov s8;
	v9 =	vld [tilespmem:s26+$0xFFFFFFD0]  }
0x77: {  	s2 =	simm.s32 $0x1A40;
	v8 =	vand.u32 $0x7E, v8  }
0x78: {  	v11 =	vld [tilespmem:s2+$0xFFFFFFC0];
	v12 =	vadd.s32 v0, v8  }
0x79: {  	[tilespmem:v7+s30+$0x0] =	vst.idx.msk $0xffff, v6  }
0x7a: {  	v4 =	vadd.s32 v3, v4;
	v6 =	vld [tilespmem:s7+$0xFFFFFFF0]  }
0x7b: {  	[tilespmem:v10+s30+$0x0] =	vst.idx.msk $0xffff, v9  }
0x7c: {  	s9 =	simm.s32 $0x6;
	v9 =	vadd.s32 v2, v5;
	v7 =	vld [tilespmem:s26+$0xFFFFFFE0]  }
0x7d: {  	s10 =	simm.s32 $0x1;
	v10 =	vmov s9;
	[tilespmem:v12+s30+$0x0] =	vst.idx.msk $0xffff, v11  }
0x7e: {  	s28 =	simm.s32 $0x1AC0;
	v13 =	vmov s10;
	v12 =	vadd.s32 v1, v8;
	v10 =	vand.u32 $0x7E, v10;
	v11 =	vld [tilespmem:s2+$0xFFFFFFD0]  }
0x7f: {  	v13 =	vand.u32 $0x7F, v13;
	[tilespmem:v4+s30+$0x0] =	vst.idx.msk $0xffff, v6;
	v4 =	vld [tilespmem:s28+$0xFFFFFFC0];
	v6 =	vadd.s32 v0, v10  }
0x80: {  	v15 =	vadd.s32 v0, v13;
	v14 =	vld [tilespmem:s7+$0x0]  }
0x81: {  	[tilespmem:v9+s30+$0x0] =	vst.idx.msk $0xffff, v7  }
0x82: {  	v5 =	vadd.s32 v3, v5;
	v7 =	vld [tilespmem:s26+$0xFFFFFFF0]  }
0x83: {  	[tilespmem:v12+s30+$0x0] =	vst.idx.msk $0xffff, v11  }
0x84: {  	s1 =	simm.s32 $0x8;
	v11 =	vadd.s32 v2, v8;
	v9 =	vld [tilespmem:s2+$0xFFFFFFE0];
	[tilespmem:v6+s30+$0x0] =	vst.idx.msk $0xffff, v4  }
0x85: {  	s23 =	simm.s32 $0x3;
	v16 =	vadd.s32 v1, v10;
	v4 =	vmov s1;
	v12 =	vld [tilespmem:s28+$0xFFFFFFD0];
	[tilespmem:v15+s30+$0x0] =	vst.idx.msk $0xffff, v14  }
0x86: {  	s31 =	simm.s32 $0x1B40;
	v6 =	vand.u32 $0x7E, v4;
	v4 =	vmov s23;
	v15 =	vadd.s32 v1, v13;
	v14 =	vld [tilespmem:s7+$0x10]  }
0x87: {  	[tilespmem:v5+s30+$0x0] =	vst.idx.msk $0xffff, v7;
	v5 =	vld [tilespmem:s31+$0xFFFFFFC0];
	v7 =	vadd.s32 v0, v6;
	v4 =	vand.u32 $0x7F, v4  }
0x88: {  	v17 =	vld [tilespmem:s26+$0x0];
	v18 =	vadd.s32 v0, v4  }
0x89: {  	[tilespmem:v11+s30+$0x0] =	vst.idx.msk $0xffff, v9  }
0x8a: {  	v8 =	vadd.s32 v3, v8;
	v9 =	vld [tilespmem:s2+$0xFFFFFFF0];
	[tilespmem:v16+s30+$0x0] =	vst.idx.msk $0xffff, v12  }
0x8b: {  	v16 =	vadd.s32 v2, v10;
	v12 =	vld [tilespmem:s28+$0xFFFFFFE0];
	[tilespmem:v15+s30+$0x0] =	vst.idx.msk $0xffff, v14  }
0x8c: {  	s6 =	simm.s32 $0xA;
	[tilespmem:v7+s30+$0x0] =	vst.idx.msk $0xffff, v5;
	v14 =	vadd.s32 v2, v13;
	v7 =	vld [tilespmem:s7+$0x20]  }
0x8d: {  	s8 =	simm.s32 $0x5;
	v19 =	vadd.s32 v1, v6;
	v5 =	vmov s6;
	v15 =	vld [tilespmem:s31+$0xFFFFFFD0];
	[tilespmem:v18+s30+$0x0] =	vst.idx.msk $0xffff, v17  }
0x8e: {  	s0 =	simm.s32 $0x1BC0;
	v11 =	vand.u32 $0x7E, v5;
	v5 =	vmov s8;
	v18 =	vadd.s32 v1, v4;
	v17 =	vld [tilespmem:s26+$0x10]  }
0x8f: {  	[tilespmem:v8+s30+$0x0] =	vst.idx.msk $0xffff, v9;
	v9 =	vld [tilespmem:s0+$0xFFFFFFC0];
	v20 =	vadd.s32 v0, v11;
	v5 =	vand.u32 $0x7F, v5  }
0x90: {  	[tilespmem:v16+s30+$0x0] =	vst.idx.msk $0xffff, v12;
	v12 =	vld [tilespmem:s2+$0x0];
	v16 =	vadd.s32 v0, v5  }
0x91: {  	v22 =	vadd.s32 v3, v10;
	v21 =	vld [tilespmem:s28+$0xFFFFFFF0];
	[tilespmem:v14+s30+$0x0] =	vst.idx.msk $0xffff, v7  }
0x92: {  	v10 =	vadd.s32 v3, v13;
	[tilespmem:v19+s30+$0x0] =	vst.idx.msk $0xffff, v15;
	v8 =	vld [tilespmem:s7+$0x30]  }
0x93: {  	v15 =	vadd.s32 v2, v6;
	v14 =	vld [tilespmem:s31+$0xFFFFFFE0];
	[tilespmem:v18+s30+$0x0] =	vst.idx.msk $0xffff, v17  }
0x94: {  	s7 =	simm.s32 $0xC;
	[tilespmem:v20+s30+$0x0] =	vst.idx.msk $0xffff, v9;
	v9 =	vadd.s32 v2, v4;
	v7 =	vld [tilespmem:s26+$0x20]  }
0x95: {  	s9 =	simm.s32 $0x7;
	v18 =	vadd.s32 v1, v11;
	v13 =	vmov s7;
	v17 =	vld [tilespmem:s0+$0xFFFFFFD0];
	[tilespmem:v16+s30+$0x0] =	vst.idx.msk $0xffff, v12  }
0x96: {  	s23 =	simm.s32 $0x1C40;
	s8 =	simm.s32 $0xE;
	v19 =	vmov s9;
	v16 =	vand.u32 $0x7E, v13;
	v13 =	vadd.s32 v1, v5;
	[tilespmem:v22+s30+$0x0] =	vst.idx.msk $0xffff, v21;
	v12 =	vld [tilespmem:s2+$0x10]  }
.LBB2_3:
0x97: {  	p1 =	slt.u32 s8, $0x7E;
	v20 =	vld [tilespmem:s23+$0xFFFFFFC0];
	v21 =	vadd.s32 v0, v16;
	v19 =	vand.u32 $0x7F, v19;
	[tilespmem:v10+s30+$0x0] =	vst.idx.msk $0xffff, v8  }
0x98: {  	[tilespmem:v15+s30+$0x0] =	vst.idx.msk $0xffff, v14;
	v22 =	vld [tilespmem:s28+$0x0];
	v23 =	vadd.s32 v0, v19  }
0x99: {  	v25 =	vadd.s32 v3, v6;
	v6 =	vmov v11;
	v11 =	vmov v16;
	v24 =	vld [tilespmem:s31+$0xFFFFFFF0];
	[tilespmem:v9+s30+$0x0] =	vst.idx.msk $0xffff, v7  }
.Ltmp2:
0x9a: {  	v10 =	vadd.s32 v3, v4;
	v4 =	vmov v5;
	v5 =	vmov v19;
	[tilespmem:v18+s30+$0x0] =	vst.idx.msk $0xffff, v17;
	v8 =	vld [tilespmem:s26+$0x30];
	s26 =	smov.u32 s2;
	s2 =	smov.u32 s28;
	(pc) =	sbr.rel @p1 .LBB2_3-.Ltmp2, $4  }
0x9b: {  	v15 =	vadd.s32 v2, v6;
	s28 =	smov.u32 s31;
	s31 =	smov.u32 s0;
	v14 =	vld [tilespmem:s0+$0xFFFFFFE0];
	[tilespmem:v13+s30+$0x0] =	vst.idx.msk $0xffff, v12;
	s0 =	smov.u32 s23  }
0x9c: {  	v9 =	vadd.s32 v2, v4;
	[tilespmem:v21+s30+$0x0] =	vst.idx.msk $0xffff, v20;
	v7 =	vld [tilespmem:s26+$0x20]  }
0x9d: {  	s9 =	sadd.s32 $0x1, s1;
	s1 =	smov.u32 s6;
	s6 =	smov.u32 s7;
	v18 =	vadd.s32 v1, v11;
	v12 =	vmov s8;
	v17 =	vld [tilespmem:s23+$0xFFFFFFD0];
	[tilespmem:v23+s30+$0x0] =	vst.idx.msk $0xffff, v22  }
0x9e: {  	s7 =	smov.u32 s8;
	v19 =	vmov s9;
	v13 =	vadd.s32 v1, v5;
	s8 =	sadd.s32 $0x2, s8;
	v16 =	vand.u32 $0x7E, v12;
	s23 =	sadd.s32 $0x80, s23;
	[tilespmem:v25+s30+$0x0] =	vst.idx.msk $0xffff, v24;
	v12 =	vld [tilespmem:s2+$0x10]  }
0x9f: {  	v20 =	vld [tilespmem:s23+$0xFFFFFFC0];
	v21 =	vadd.s32 v0, v16;
	_ =	sdelay $0x4  }
0xa0: {  	[tilespmem:v21+s30+$0x0] =	vst.idx.msk $0xffff, v20  }
0xa1: {  	v31 =	vadd.s32 v1, v16;
	v20 =	vld [tilespmem:s23+$0xFFFFFFD0];
	_ =	sdelay $0x1  }
0xa2: {  	[tilespmem:v18+s30+$0x0] =	vst.idx.msk $0xffff, v17  }
0xa3: {  	v32 =	vadd.s32 v2, v11;
	v17 =	vld [tilespmem:s0+$0xFFFFFFE0];
	_ =	sdelay $0x1  }
0xa4: {  	[tilespmem:v31+s30+$0x0] =	vst.idx.msk $0xffff, v20  }
0xa5: {  	v33 =	vadd.s32 v2, v16;
	v20 =	vld [tilespmem:s23+$0xFFFFFFE0]  }
0xa6: {  	[tilespmem:v15+s30+$0x0] =	vst.idx.msk $0xffff, v14  }
0xa7: {  	v6 =	vadd.s32 v3, v6;
	v14 =	vld [tilespmem:s31+$0xFFFFFFF0];
	[tilespmem:v32+s30+$0x0] =	vst.idx.msk $0xffff, v17  }
0xa8: {  	v35 =	vadd.s32 v3, v11;
	v34 =	vld [tilespmem:s0+$0xFFFFFFF0];
	_ =	sdelay $0x1  }
0xa9: {  	s1 =	sadd.s32 $0x1, s1;
	[tilespmem:v33+s30+$0x0] =	vst.idx.msk $0xffff, v20  }
0xaa: {  	v37 =	vadd.s32 v3, v16;
	v19 =	vand.u32 $0x7F, v19;
	s6 =	sadd.s32 $0x1, s6;
	v38 =	vmov s1;
	v36 =	vld [tilespmem:s23+$0xFFFFFFF0]  }
0xab: {  	v40 =	vld [tilespmem:s28+$0x0];
	v39 =	vmov s6;
	v22 =	vadd.s32 v0, v19;
	v41 =	vand.u32 $0x7F, v38;
	[tilespmem:v6+s30+$0x0] =	vst.idx.msk $0xffff, v14  }
0xac: {  	v44 =	vand.u32 $0x7F, v39;
	v23 =	vadd.s32 v0, v41;
	v43 =	vld [tilespmem:s31+$0x0];
	[tilespmem:v35+s30+$0x0] =	vst.idx.msk $0xffff, v34  }
0xad: {  	s8 =	sadd.s32 $0x1, s7;
	v15 =	vld [tilespmem:s0+$0x0];
	v20 =	vadd.s32 v0, v44  }
0xae: {  	v42 =	vmov s8  }
0xaf: {  	v14 =	vand.u32 $0x7F, v42;
	[tilespmem:v37+s30+$0x0] =	vst.idx.msk $0xffff, v36  }
0xb0: {  	[tilespmem:v22+s30+$0x0] =	vst.idx.msk $0xffff, v40;
	v45 =	vadd.s32 v0, v14;
	v16 =	vld [tilespmem:s23+$0x0]  }
0xb1: {  	v47 =	vadd.s32 v1, v19;
	v46 =	vld [tilespmem:s28+$0x10];
	[tilespmem:v23+s30+$0x0] =	vst.idx.msk $0xffff, v43  }
0xb2: {  	v49 =	vadd.s32 v1, v41;
	v48 =	vld [tilespmem:s31+$0x10];
	[tilespmem:v20+s30+$0x0] =	vst.idx.msk $0xffff, v15  }
0xb3: {  	[tilespmem:v10+s30+$0x0] =	vst.idx.msk $0xffff, v8;
	v51 =	vadd.s32 v1, v44;
	v50 =	vld [tilespmem:s0+$0x10]  }
0xb4: {  	[tilespmem:v13+s30+$0x0] =	vst.idx.msk $0xffff, v12  }
0xb5: {  	v54 =	vadd.s32 v2, v5;
	v12 =	vld [tilespmem:s2+$0x20];
	[tilespmem:v45+s30+$0x0] =	vst.idx.msk $0xffff, v16  }
0xb6: {  	v53 =	vadd.s32 v1, v14;
	[tilespmem:v47+s30+$0x0] =	vst.idx.msk $0xffff, v46;
	v52 =	vld [tilespmem:s23+$0x10]  }
0xb7: {  	v55 =	vadd.s32 v2, v19;
	v18 =	vld [tilespmem:s28+$0x20];
	[tilespmem:v49+s30+$0x0] =	vst.idx.msk $0xffff, v48  }
0xb8: {  	v56 =	vadd.s32 v2, v41;
	v15 =	vld [tilespmem:s31+$0x20];
	[tilespmem:v51+s30+$0x0] =	vst.idx.msk $0xffff, v50  }
0xb9: {  	[tilespmem:v9+s30+$0x0] =	vst.idx.msk $0xffff, v7;
	v57 =	vadd.s32 v2, v44;
	v16 =	vld [tilespmem:s0+$0x20]  }
0xba: {  	v4 =	vadd.s32 v3, v4;
	v9 =	vld [tilespmem:s26+$0x30];
	[tilespmem:v54+s30+$0x0] =	vst.idx.msk $0xffff, v12  }
0xbb: {  	v5 =	vadd.s32 v3, v5;
	v60 =	vld [tilespmem:s2+$0x30];
	[tilespmem:v53+s30+$0x0] =	vst.idx.msk $0xffff, v52  }
0xbc: {  	v59 =	vadd.s32 v2, v14;
	[tilespmem:v55+s30+$0x0] =	vst.idx.msk $0xffff, v18;
	v58 =	vld [tilespmem:s23+$0x20]  }
0xbd: {  	v62 =	vadd.s32 v3, v19;
	v61 =	vld [tilespmem:s28+$0x30];
	[tilespmem:v56+s30+$0x0] =	vst.idx.msk $0xffff, v15  }
0xbe: {  	v6 =	vadd.s32 v3, v41;
	v15 =	vld [tilespmem:s31+$0x30];
	[tilespmem:v57+s30+$0x0] =	vst.idx.msk $0xffff, v16  }
0xbf: {  	v11 =	vadd.s32 v3, v44;
	[tilespmem:v4+s30+$0x0] =	vst.idx.msk $0xffff, v9;
	v16 =	vld [tilespmem:s0+$0x30]  }
0xc0: {  	[tilespmem:v5+s30+$0x0] =	vst.idx.msk $0xffff, v60  }
0xc1: {  	[tilespmem:v59+s30+$0x0] =	vst.idx.msk $0xffff, v58  }
0xc2: {  	v63 =	vadd.s32 v3, v14;
	[tilespmem:v62+s30+$0x0] =	vst.idx.msk $0xffff, v61;
	v4 =	vld [tilespmem:s23+$0x30]  }
0xc3: {  	[tilespmem:v6+s30+$0x0] =	vst.idx.msk $0xffff, v15  }
0xc4: {  	[tilespmem:v11+s30+$0x0] =	vst.idx.msk $0xffff, v16  }
0xc5: {  	s9 =	sshll.u32 s25, $0x10;
	s10 =	rddreg [dreg:$0x4]  }
0xc6: {  	s23 =	rddreg [dreg:$0x1];
	s26 =	sor.u32 s10, s9  }
0xc7: {  	s0 =	sadd.s32 s23, s26;
	[tilespmem:v63+s30+$0x0] =	vst.idx.msk $0xffff, v4  }
0xc8: {  	[hbm4b:s0+s3] =	stream.linear.scatter [tilespmem:s30], [sflag:$0x3], $0x80, $0x38;
	[tilespmem:$0x9D00] =	vst v63  }
0xc9: {  	s31 =	simm.s32 $0x5988;
	s28 =	sadd.s32 $0x10, s0  }
0xca: {  	[hbm4b:s28+s3] =	stream.linear.scatter [tilespmem:s31], [sflag:$0x3], $0x80, $0x38;
	[tilespmem:$0x9D00] =	vst v63  }
0xcb: {  	s7 =	simm.s32 $0x5A10;
	s6 =	sadd.s32 $0x20, s0  }
0xcc: {  	[hbm4b:s6+s3] =	stream.linear.scatter [tilespmem:s7], [sflag:$0x3], $0x80, $0x38;
	[tilespmem:$0x9D00] =	vst v63  }
0xcd: {  	s9 =	simm.s32 $0x5A98;
	s8 =	sadd.s32 $0x30, s0  }
0xce: {  	[hbm4b:s8+s3] =	stream.linear.scatter [tilespmem:s9], [sflag:$0x3], $0x80, $0x38;
	[tilespmem:$0x9D00] =	vst v63  }
0xcf: {  	s23 =	simm.s32 $0x5B20;
	s10 =	sadd.s32 $0x40, s0  }
0xd0: {  	[hbm4b:s10+s3] =	stream.linear.scatter [tilespmem:s23], [sflag:$0x3], $0x80, $0x38;
	[tilespmem:$0x9D00] =	vst v63  }
0xd1: {  	s28 =	sadd.s32 $0x50, s0;
	s31 =	simm.s32 $0x5BA8  }
0xd2: {  	[hbm4b:s28+s3] =	stream.linear.scatter [tilespmem:s31], [sflag:$0x3], $0x80, $0x38;
	[tilespmem:$0x9D00] =	vst v63  }
0xd3: {  	s2 =	sadd.s32 $0x60, s0;
	s6 =	simm.s32 $0x5C30  }
0xd4: {  	[hbm4b:s2+s3] =	stream.linear.scatter [tilespmem:s6], [sflag:$0x3], $0x80, $0x38;
	[tilespmem:$0x9D00] =	vst v63  }
0xd5: {  	s0 =	sadd.s32 $0x70, s0;
	s7 =	simm.s32 $0x5CB8;
	s8 =	rddreg [dreg:$0x5]  }
0xd6: {  	[hbm4b:s0+s3] =	stream.linear.scatter [tilespmem:s7], [sflag:$0x3], $0x80, $0x38;
	[tilespmem:$0x9D00] =	vst v63  }
0xd7: {  	s9 =	simm.s32 $0x5D40;
	s0 =	sadd.s32 s26, s8  }
0xd8: {  	[hbm4b:s0+s3] =	stream.linear.scatter [tilespmem:s9], [sflag:$0x3], $0x80, $0x38;
	[tilespmem:$0x9D00] =	vst v63  }
0xd9: {  	s23 =	simm.s32 $0x5DC8;
	s10 =	sadd.s32 $0x10, s0  }
0xda: {  	[hbm4b:s10+s3] =	stream.linear.scatter [tilespmem:s23], [sflag:$0x3], $0x80, $0x38;
	[tilespmem:$0x9D00] =	vst v63  }
0xdb: {  	s31 =	simm.s32 $0x5E50;
	s28 =	sadd.s32 $0x20, s0  }
0xdc: {  	[hbm4b:s28+s3] =	stream.linear.scatter [tilespmem:s31], [sflag:$0x3], $0x80, $0x38;
	[tilespmem:$0x9D00] =	vst v63  }
0xdd: {  	s6 =	simm.s32 $0x5ED8;
	s2 =	sadd.s32 $0x30, s0  }
0xde: {  	[hbm4b:s2+s3] =	stream.linear.scatter [tilespmem:s6], [sflag:$0x3], $0x80, $0x38;
	[tilespmem:$0x9D00] =	vst v63  }
0xdf: {  	s8 =	simm.s32 $0x5F60;
	s7 =	sadd.s32 $0x40, s0  }
0xe0: {  	[hbm4b:s7+s3] =	stream.linear.scatter [tilespmem:s8], [sflag:$0x3], $0x80, $0x38;
	[tilespmem:$0x9D00] =	vst v63  }
0xe1: {  	s9 =	sadd.s32 $0x50, s0;
	s10 =	simm.s32 $0x5FE8  }
0xe2: {  	[hbm4b:s9+s3] =	stream.linear.scatter [tilespmem:s10], [sflag:$0x3], $0x80, $0x38;
	[tilespmem:$0x9D00] =	vst v63  }
0xe3: {  	s23 =	sadd.s32 $0x60, s0;
	s28 =	simm.s32 $0x6070  }
0xe4: {  	[hbm4b:s23+s3] =	stream.linear.scatter [tilespmem:s28], [sflag:$0x3], $0x80, $0x38;
	[tilespmem:$0x9D00] =	vst v63  }
0xe5: {  	s1 =	rddreg [dreg:$0x6];
	s0 =	sadd.s32 $0x70, s0;
	s31 =	simm.s32 $0x60F8  }
0xe6: {  	[hbm4b:s0+s3] =	stream.linear.scatter [tilespmem:s31], [sflag:$0x3], $0x80, $0x38;
	[tilespmem:$0x9D00] =	vst v63  }
0xe7: {  	s2 =	simm.s32 $0x6180;
	s0 =	sadd.s32 s26, s1  }
0xe8: {  	[hbm4b:s0+s3] =	stream.linear.scatter [tilespmem:s2], [sflag:$0x3], $0x80, $0x38;
	[tilespmem:$0x9D00] =	vst v63  }
0xe9: {  	s7 =	simm.s32 $0x6208;
	s6 =	sadd.s32 $0x10, s0  }
0xea: {  	[hbm4b:s6+s3] =	stream.linear.scatter [tilespmem:s7], [sflag:$0x3], $0x80, $0x38;
	[tilespmem:$0x9D00] =	vst v63  }
0xeb: {  	s9 =	simm.s32 $0x6290;
	s8 =	sadd.s32 $0x20, s0  }
0xec: {  	[hbm4b:s8+s3] =	stream.linear.scatter [tilespmem:s9], [sflag:$0x3], $0x80, $0x38;
	[tilespmem:$0x9D00] =	vst v63  }
0xed: {  	s23 =	simm.s32 $0x6318;
	s10 =	sadd.s32 $0x30, s0  }
0xee: {  	[hbm4b:s10+s3] =	stream.linear.scatter [tilespmem:s23], [sflag:$0x3], $0x80, $0x38;
	[tilespmem:$0x9D00] =	vst v63  }
0xef: {  	s31 =	simm.s32 $0x63A0;
	s28 =	sadd.s32 $0x40, s0  }
0xf0: {  	[hbm4b:s28+s3] =	stream.linear.scatter [tilespmem:s31], [sflag:$0x3], $0x80, $0x38;
	[tilespmem:$0x9D00] =	vst v63  }
0xf1: {  	s2 =	sadd.s32 $0x50, s0;
	s6 =	simm.s32 $0x6428  }
0xf2: {  	[hbm4b:s2+s3] =	stream.linear.scatter [tilespmem:s6], [sflag:$0x3], $0x80, $0x38;
	[tilespmem:$0x9D00] =	vst v63  }
0xf3: {  	s7 =	sadd.s32 $0x60, s0;
	s8 =	simm.s32 $0x64B0  }
0xf4: {  	[hbm4b:s7+s3] =	stream.linear.scatter [tilespmem:s8], [sflag:$0x3], $0x80, $0x38;
	[tilespmem:$0x9D00] =	vst v63  }
0xf5: {  	s0 =	sadd.s32 $0x70, s0;
	s9 =	simm.s32 $0x6538;
	s10 =	rddreg [dreg:$0x7]  }
0xf6: {  	[hbm4b:s0+s3] =	stream.linear.scatter [tilespmem:s9], [sflag:$0x3], $0x80, $0x38;
	[tilespmem:$0x9D00] =	vst v63  }
0xf7: {  	s23 =	simm.s32 $0x65C0;
	s0 =	sadd.s32 s26, s10  }
0xf8: {  	[hbm4b:s0+s3] =	stream.linear.scatter [tilespmem:s23], [sflag:$0x3], $0x80, $0x38;
	[tilespmem:$0x9D00] =	vst v63  }
0xf9: {  	s31 =	simm.s32 $0x6648;
	s28 =	sadd.s32 $0x10, s0  }
0xfa: {  	[hbm4b:s28+s3] =	stream.linear.scatter [tilespmem:s31], [sflag:$0x3], $0x80, $0x38;
	[tilespmem:$0x9D00] =	vst v63  }
0xfb: {  	s7 =	simm.s32 $0x66D0;
	s6 =	sadd.s32 $0x20, s0  }
0xfc: {  	[hbm4b:s6+s3] =	stream.linear.scatter [tilespmem:s7], [sflag:$0x3], $0x80, $0x38;
	[tilespmem:$0x9D00] =	vst v63  }
0xfd: {  	s9 =	simm.s32 $0x6758;
	s8 =	sadd.s32 $0x30, s0  }
0xfe: {  	[hbm4b:s8+s3] =	stream.linear.scatter [tilespmem:s9], [sflag:$0x3], $0x80, $0x38;
	[tilespmem:$0x9D00] =	vst v63  }
0xff: {  	s10 =	sadd.s32 $0x40, s0;
	s23 =	simm.s32 $0x67E0  }
0x100: {  	[hbm4b:s10+s3] =	stream.linear.scatter [tilespmem:s23], [sflag:$0x3], $0x80, $0x38;
	[tilespmem:$0x9D00] =	vst v63  }
0x101: {  	s28 =	sadd.s32 $0x50, s0;
	s31 =	simm.s32 $0x6868  }
0x102: {  	[hbm4b:s28+s3] =	stream.linear.scatter [tilespmem:s31], [sflag:$0x3], $0x80, $0x38;
	[tilespmem:$0x9D00] =	vst v63  }
0x103: {  	s2 =	sadd.s32 $0x60, s0;
	s6 =	simm.s32 $0x68F0  }
0x104: {  	[hbm4b:s2+s3] =	stream.linear.scatter [tilespmem:s6], [sflag:$0x3], $0x80, $0x38;
	[tilespmem:$0x9D00] =	vst v63  }
0x105: {  	s0 =	sadd.s32 $0x70, s0;
	s7 =	simm.s32 $0x6978;
	s8 =	rddreg [dreg:$0x8]  }
0x106: {  	[hbm4b:s0+s3] =	stream.linear.scatter [tilespmem:s7], [sflag:$0x3], $0x80, $0x38;
	[tilespmem:$0x9D00] =	vst v63  }
0x107: {  	s9 =	simm.s32 $0x6A00;
	s0 =	sadd.s32 s26, s8  }
0x108: {  	[hbm4b:s0+s3] =	stream.linear.scatter [tilespmem:s9], [sflag:$0x3], $0x80, $0x38;
	[tilespmem:$0x9D00] =	vst v63  }
0x109: {  	s23 =	simm.s32 $0x6A88;
	s10 =	sadd.s32 $0x10, s0  }
0x10a: {  	[hbm4b:s10+s3] =	stream.linear.scatter [tilespmem:s23], [sflag:$0x3], $0x80, $0x38;
	[tilespmem:$0x9D00] =	vst v63  }
0x10b: {  	s31 =	simm.s32 $0x6B10;
	s28 =	sadd.s32 $0x20, s0  }
0x10c: {  	[hbm4b:s28+s3] =	stream.linear.scatter [tilespmem:s31], [sflag:$0x3], $0x80, $0x38;
	[tilespmem:$0x9D00] =	vst v63  }
0x10d: {  	s6 =	simm.s32 $0x6B98;
	s2 =	sadd.s32 $0x30, s0  }
0x10e: {  	[hbm4b:s2+s3] =	stream.linear.scatter [tilespmem:s6], [sflag:$0x3], $0x80, $0x38;
	[tilespmem:$0x9D00] =	vst v63  }
0x10f: {  	s8 =	simm.s32 $0x6C20;
	s7 =	sadd.s32 $0x40, s0  }
0x110: {  	[hbm4b:s7+s3] =	stream.linear.scatter [tilespmem:s8], [sflag:$0x3], $0x80, $0x38;
	[tilespmem:$0x9D00] =	vst v63  }
0x111: {  	s9 =	sadd.s32 $0x50, s0;
	s10 =	simm.s32 $0x6CA8  }
0x112: {  	[hbm4b:s9+s3] =	stream.linear.scatter [tilespmem:s10], [sflag:$0x3], $0x80, $0x38;
	[tilespmem:$0x9D00] =	vst v63  }
0x113: {  	s23 =	sadd.s32 $0x60, s0;
	s28 =	simm.s32 $0x6D30  }
0x114: {  	[hbm4b:s23+s3] =	stream.linear.scatter [tilespmem:s28], [sflag:$0x3], $0x80, $0x38;
	[tilespmem:$0x9D00] =	vst v63  }
0x115: {  	s0 =	sadd.s32 $0x70, s0;
	s31 =	simm.s32 $0x6DB8  }
0x116: {  	[hbm4b:s0+s3] =	stream.linear.scatter [tilespmem:s31], [sflag:$0x3], $0x80, $0x38;
	[tilespmem:$0x9D00] =	vst v63  }
0x117: {  	s2 =	simm.s32 $0x6E40;
	s0 =	sadd.s32 s26, s11  }
0x118: {  	[hbm4b:s0+s3] =	stream.linear.scatter [tilespmem:s2], [sflag:$0x3], $0x80, $0x38;
	[tilespmem:$0x9D00] =	vst v63  }
0x119: {  	s7 =	simm.s32 $0x6EC8;
	s6 =	sadd.s32 $0x10, s0  }
0x11a: {  	[hbm4b:s6+s3] =	stream.linear.scatter [tilespmem:s7], [sflag:$0x3], $0x80, $0x38;
	[tilespmem:$0x9D00] =	vst v63  }
0x11b: {  	s9 =	simm.s32 $0x6F50;
	s8 =	sadd.s32 $0x20, s0  }
0x11c: {  	[hbm4b:s8+s3] =	stream.linear.scatter [tilespmem:s9], [sflag:$0x3], $0x80, $0x38;
	[tilespmem:$0x9D00] =	vst v63  }
0x11d: {  	s23 =	simm.s32 $0x6FD8;
	s10 =	sadd.s32 $0x30, s0  }
0x11e: {  	[hbm4b:s10+s3] =	stream.linear.scatter [tilespmem:s23], [sflag:$0x3], $0x80, $0x38;
	[tilespmem:$0x9D00] =	vst v63  }
0x11f: {  	s31 =	simm.s32 $0x7060;
	s28 =	sadd.s32 $0x40, s0  }
0x120: {  	[hbm4b:s28+s3] =	stream.linear.scatter [tilespmem:s31], [sflag:$0x3], $0x80, $0x38;
	[tilespmem:$0x9D00] =	vst v63  }
0x121: {  	s6 =	sadd.s32 $0x50, s0;
	s7 =	simm.s32 $0x70E8  }
0x122: {  	[hbm4b:s6+s3] =	stream.linear.scatter [tilespmem:s7], [sflag:$0x3], $0x80, $0x38;
	[tilespmem:$0x9D00] =	vst v63  }
0x123: {  	s8 =	sadd.s32 $0x60, s0;
	s9 =	simm.s32 $0x7170  }
0x124: {  	[hbm4b:s8+s3] =	stream.linear.scatter [tilespmem:s9], [sflag:$0x3], $0x80, $0x38;
	[tilespmem:$0x9D00] =	vst v63  }
0x125: {  	s0 =	sadd.s32 $0x70, s0;
	s10 =	simm.s32 $0x71F8  }
0x126: {  	[hbm4b:s0+s3] =	stream.linear.scatter [tilespmem:s10], [sflag:$0x3], $0x80, $0x38;
	[tilespmem:$0x9D00] =	vst v63  }
0x127: {  	s23 =	simm.s32 $0x7280;
	s0 =	sadd.s32 s26, s12  }
0x128: {  	[hbm4b:s0+s3] =	stream.linear.scatter [tilespmem:s23], [sflag:$0x3], $0x80, $0x38;
	[tilespmem:$0x9D00] =	vst v63  }
0x129: {  	s31 =	simm.s32 $0x7308;
	s28 =	sadd.s32 $0x10, s0  }
0x12a: {  	[hbm4b:s28+s3] =	stream.linear.scatter [tilespmem:s31], [sflag:$0x3], $0x80, $0x38;
	[tilespmem:$0x9D00] =	vst v63  }
0x12b: {  	s7 =	simm.s32 $0x7390;
	s6 =	sadd.s32 $0x20, s0  }
0x12c: {  	[hbm4b:s6+s3] =	stream.linear.scatter [tilespmem:s7], [sflag:$0x3], $0x80, $0x38;
	[tilespmem:$0x9D00] =	vst v63  }
0x12d: {  	s9 =	simm.s32 $0x7418;
	s8 =	sadd.s32 $0x30, s0  }
0x12e: {  	[hbm4b:s8+s3] =	stream.linear.scatter [tilespmem:s9], [sflag:$0x3], $0x80, $0x38;
	[tilespmem:$0x9D00] =	vst v63  }
0x12f: {  	s10 =	sadd.s32 $0x40, s0;
	s23 =	simm.s32 $0x74A0  }
0x130: {  	[hbm4b:s10+s3] =	stream.linear.scatter [tilespmem:s23], [sflag:$0x3], $0x80, $0x38;
	[tilespmem:$0x9D00] =	vst v63  }
0x131: {  	s28 =	sadd.s32 $0x50, s0;
	s31 =	simm.s32 $0x7528  }
0x132: {  	[hbm4b:s28+s3] =	stream.linear.scatter [tilespmem:s31], [sflag:$0x3], $0x80, $0x38;
	[tilespmem:$0x9D00] =	vst v63  }
0x133: {  	s6 =	sadd.s32 $0x60, s0;
	s7 =	simm.s32 $0x75B0  }
0x134: {  	[hbm4b:s6+s3] =	stream.linear.scatter [tilespmem:s7], [sflag:$0x3], $0x80, $0x38;
	[tilespmem:$0x9D00] =	vst v63  }
0x135: {  	s0 =	sadd.s32 $0x70, s0;
	s8 =	simm.s32 $0x7638  }
0x136: {  	[hbm4b:s0+s3] =	stream.linear.scatter [tilespmem:s8], [sflag:$0x3], $0x80, $0x38;
	[tilespmem:$0x9D00] =	vst v63  }
0x137: {  	s9 =	simm.s32 $0x76C0;
	s0 =	sadd.s32 s26, s13  }
0x138: {  	[hbm4b:s0+s3] =	stream.linear.scatter [tilespmem:s9], [sflag:$0x3], $0x80, $0x38;
	[tilespmem:$0x9D00] =	vst v63  }
0x139: {  	s23 =	simm.s32 $0x7748;
	s10 =	sadd.s32 $0x10, s0  }
0x13a: {  	[hbm4b:s10+s3] =	stream.linear.scatter [tilespmem:s23], [sflag:$0x3], $0x80, $0x38;
	[tilespmem:$0x9D00] =	vst v63  }
0x13b: {  	s31 =	simm.s32 $0x77D0;
	s28 =	sadd.s32 $0x20, s0  }
0x13c: {  	[hbm4b:s28+s3] =	stream.linear.scatter [tilespmem:s31], [sflag:$0x3], $0x80, $0x38;
	[tilespmem:$0x9D00] =	vst v63  }
0x13d: {  	s6 =	simm.s32 $0x7858;
	s2 =	sadd.s32 $0x30, s0  }
0x13e: {  	[hbm4b:s2+s3] =	stream.linear.scatter [tilespmem:s6], [sflag:$0x3], $0x80, $0x38;
	[tilespmem:$0x9D00] =	vst v63  }
0x13f: {  	s8 =	simm.s32 $0x78E0;
	s7 =	sadd.s32 $0x40, s0  }
0x140: {  	[hbm4b:s7+s3] =	stream.linear.scatter [tilespmem:s8], [sflag:$0x3], $0x80, $0x38;
	[tilespmem:$0x9D00] =	vst v63  }
0x141: {  	p1 =	sne.s32 s25, $0x18;
	s9 =	sadd.s32 $0x50, s0;
	s10 =	simm.s32 $0x7968  }
0x142: {  	[hbm4b:s9+s3] =	stream.linear.scatter [tilespmem:s10], [sflag:$0x3], $0x80, $0x38;
	[tilespmem:$0x9D00] =	vst v63  }
.Ltmp3:
0x143: {  	_ = 	snop;
	(pc) =	sbr.rel @p1 .LBB2_6-.Ltmp3, $4  }
0x144: {  	s23 =	sadd.s32 $0x60, s0;
	s28 =	simm.s32 $0x79F0  }
0x145: {  	[hbm4b:s23+s3] =	stream.linear.scatter [tilespmem:s28], [sflag:$0x3], $0x80, $0x38;
	[tilespmem:$0x9D00] =	vst v63  }
0x146: {  	s0 =	sadd.s32 $0x70, s0;
	s31 =	simm.s32 $0x7A78  }
0x147: {  	[hbm4b:s0+s3] =	stream.linear.scatter [tilespmem:s31], [sflag:$0x3], $0x80, $0x38;
	[tilespmem:$0x9D00] =	vst v63  }
.Ltmp4:
0x148: {  	(pc) =	sbr.rel .LBB2_7-.Ltmp4, $4  }
0x149: {  	_ = 	snop  }
0x14a: {  	_ =	swait.ge [sflag:s24], $0x2000  }
0x14b: {  	[sflag:s24] =	ssyncset.done $0x0  }
0x14c: {  	[sflag:s24] =	ssyncadd.s32 $0xFFFFE000  }
.LBB2_6:
0x14d: {  	s0 =	sshll.u32 s25, $0x8  }
0x14e: {  	s1 =	simm.s32 $0x80;
	s0 =	sand.u32 $0x3FFFFF00, s0  }
.Ltmp5:
0x14f: {  	s2 =	simm.s32 $0x1900;
	s0 =	sadd.s32 $0x100, s0;
	(pc) =	sbr.rel @p0 .LBB2_8-.Ltmp5, $4  }
0x150: {  	[tilespmem:s2], [sflag:$0x1] =	stream.indirect.gather [hbm4b:s4+s1], $0x40, s0, s1, $0xb8;
	[tilespmem:$0x9D00] =	vst v63  }
0x151: {  	_ =	swait.ge [sflag:s24], $0x2000  }
0x152: {  	[sflag:s24] =	ssyncset.done $0x0  }
0x153: {  	[sflag:s24] =	ssyncadd.s32 $0xFFFFE000  }
.LBB2_7:
0x154: {  	_ =	swait.ge [sflag:s5], $0x400  }
0x155: {  	[sflag:s5] =	ssyncset.done $0x0  }
0x156: {  	[sflag:s5] =	ssyncadd.s32 $0xFFFFFC00  }
0x157: {  	_ =	swait.ge [sflag:s5], $0x400  }
0x158: {  	[sflag:s5] =	ssyncset.done $0x0  }
0x159: {  	[sflag:s5] =	ssyncadd.s32 $0xFFFFFC00  }
0x15a: {  	_ =	swait.ge [sflag:s5], $0x400  }
0x15b: {  	[sflag:s5] =	ssyncset.done $0x0  }
0x15c: {  	[sflag:s5] =	ssyncadd.s32 $0xFFFFFC00  }
0x15d: {  	_ =	swait.ge [sflag:s5], $0x400  }
0x15e: {  	[sflag:s5] =	ssyncset.done $0x0  }
0x15f: {  	[sflag:s5] =	ssyncadd.s32 $0xFFFFFC00  }
0x160: {  	_ =	swait.ge [sflag:s5], $0x400  }
0x161: {  	[sflag:s5] =	ssyncset.done $0x0  }
0x162: {  	[sflag:s5] =	ssyncadd.s32 $0xFFFFFC00  }
0x163: {  	_ =	swait.ge [sflag:s5], $0x400  }
0x164: {  	[sflag:s5] =	ssyncset.done $0x0  }
0x165: {  	[sflag:s5] =	ssyncadd.s32 $0xFFFFFC00  }
0x166: {  	_ =	swait.ge [sflag:s5], $0x400  }
0x167: {  	[sflag:s5] =	ssyncset.done $0x0  }
0x168: {  	[sflag:s5] =	ssyncadd.s32 $0xFFFFFC00  }
0x169: {  	_ =	swait.ge [sflag:s5], $0x400  }
0x16a: {  	[sflag:s5] =	ssyncset.done $0x0  }
0x16b: {  	[sflag:s5] =	ssyncadd.s32 $0xFFFFFC00  }
.LBB2_8:
0x16c: {  	s0 =	simm.s32 $0x0  }
0x16d: {  	v4 =	vmov s0  }
0x16e: {  	s6 =	simm.s32 $0x3970;
	v4 =	vand.u32 $0x7E, v4  }
0x16f: {  	v5 =	vld [tilespmem:s6+$0xFFFFFF90];
	v6 =	vadd.s32 v0, v4;
	_ =	sdelay $0x4  }
0x170: {  	s8 =	simm.s32 $0x2;
	[tilespmem:v6+s22+$0x0] =	vst.idx.msk $0xffff, v5  }
0x171: {  	v7 =	vadd.s32 v1, v4;
	v5 =	vmov s8;
	v6 =	vld [tilespmem:s6+$0xFFFFFFA0]  }
0x172: {  	s2 =	simm.s32 $0x39F0;
	v5 =	vand.u32 $0x7E, v5  }
0x173: {  	v8 =	vld [tilespmem:s2+$0xFFFFFF90];
	v9 =	vadd.s32 v0, v5;
	_ =	sdelay $0x2  }
0x174: {  	[tilespmem:v7+s22+$0x0] =	vst.idx.msk $0xffff, v6  }
0x175: {  	v7 =	vadd.s32 v2, v4;
	v6 =	vld [tilespmem:s6+$0xFFFFFFB0]  }
0x176: {  	s9 =	simm.s32 $0x4;
	[tilespmem:v9+s22+$0x0] =	vst.idx.msk $0xffff, v8  }
0x177: {  	v10 =	vadd.s32 v1, v5;
	v8 =	vmov s9;
	v9 =	vld [tilespmem:s2+$0xFFFFFFA0]  }
0x178: {  	s28 =	simm.s32 $0x3A70;
	v8 =	vand.u32 $0x7E, v8  }
0x179: {  	v11 =	vld [tilespmem:s28+$0xFFFFFF90];
	v12 =	vadd.s32 v0, v8  }
0x17a: {  	[tilespmem:v7+s22+$0x0] =	vst.idx.msk $0xffff, v6  }
0x17b: {  	v4 =	vadd.s32 v3, v4;
	v6 =	vld [tilespmem:s6+$0xFFFFFFC0]  }
0x17c: {  	[tilespmem:v10+s22+$0x0] =	vst.idx.msk $0xffff, v9  }
0x17d: {  	s10 =	simm.s32 $0x6;
	v9 =	vadd.s32 v2, v5;
	v7 =	vld [tilespmem:s2+$0xFFFFFFB0]  }
0x17e: {  	s23 =	simm.s32 $0x1;
	v10 =	vmov s10;
	[tilespmem:v12+s22+$0x0] =	vst.idx.msk $0xffff, v11  }
0x17f: {  	s31 =	simm.s32 $0x3AF0;
	v13 =	vmov s23;
	v12 =	vadd.s32 v1, v8;
	v10 =	vand.u32 $0x7E, v10;
	v11 =	vld [tilespmem:s28+$0xFFFFFFA0]  }
0x180: {  	v13 =	vand.u32 $0x7F, v13;
	[tilespmem:v4+s22+$0x0] =	vst.idx.msk $0xffff, v6;
	v4 =	vld [tilespmem:s31+$0xFFFFFF90];
	v6 =	vadd.s32 v0, v10  }
0x181: {  	v15 =	vadd.s32 v0, v13;
	v14 =	vld [tilespmem:s6+$0xFFFFFFD0]  }
0x182: {  	[tilespmem:v9+s22+$0x0] =	vst.idx.msk $0xffff, v7  }
0x183: {  	v5 =	vadd.s32 v3, v5;
	v7 =	vld [tilespmem:s2+$0xFFFFFFC0]  }
0x184: {  	[tilespmem:v12+s22+$0x0] =	vst.idx.msk $0xffff, v11  }
0x185: {  	s23 =	simm.s32 $0x8;
	v11 =	vadd.s32 v2, v8;
	v9 =	vld [tilespmem:s28+$0xFFFFFFB0];
	[tilespmem:v6+s22+$0x0] =	vst.idx.msk $0xffff, v4  }
0x186: {  	s1 =	simm.s32 $0x3;
	v16 =	vadd.s32 v1, v10;
	v4 =	vmov s23;
	v12 =	vld [tilespmem:s31+$0xFFFFFFA0];
	[tilespmem:v15+s22+$0x0] =	vst.idx.msk $0xffff, v14  }
0x187: {  	s0 =	simm.s32 $0x3B70;
	v6 =	vand.u32 $0x7E, v4;
	v4 =	vmov s1;
	v15 =	vadd.s32 v1, v13;
	v14 =	vld [tilespmem:s6+$0xFFFFFFE0]  }
0x188: {  	[tilespmem:v5+s22+$0x0] =	vst.idx.msk $0xffff, v7;
	v5 =	vld [tilespmem:s0+$0xFFFFFF90];
	v7 =	vadd.s32 v0, v6;
	v4 =	vand.u32 $0x7F, v4  }
0x189: {  	v17 =	vld [tilespmem:s2+$0xFFFFFFD0];
	v18 =	vadd.s32 v0, v4  }
0x18a: {  	[tilespmem:v11+s22+$0x0] =	vst.idx.msk $0xffff, v9  }
0x18b: {  	v8 =	vadd.s32 v3, v8;
	v9 =	vld [tilespmem:s28+$0xFFFFFFC0];
	[tilespmem:v16+s22+$0x0] =	vst.idx.msk $0xffff, v12  }
0x18c: {  	v16 =	vadd.s32 v2, v10;
	v12 =	vld [tilespmem:s31+$0xFFFFFFB0];
	[tilespmem:v15+s22+$0x0] =	vst.idx.msk $0xffff, v14  }
0x18d: {  	s7 =	simm.s32 $0xA;
	[tilespmem:v7+s22+$0x0] =	vst.idx.msk $0xffff, v5;
	v14 =	vadd.s32 v2, v13;
	v7 =	vld [tilespmem:s6+$0xFFFFFFF0]  }
0x18e: {  	s8 =	simm.s32 $0x5;
	v19 =	vadd.s32 v1, v6;
	v5 =	vmov s7;
	v15 =	vld [tilespmem:s0+$0xFFFFFFA0];
	[tilespmem:v18+s22+$0x0] =	vst.idx.msk $0xffff, v17  }
0x18f: {  	s1 =	simm.s32 $0x3BF0;
	v11 =	vand.u32 $0x7E, v5;
	v5 =	vmov s8;
	v18 =	vadd.s32 v1, v4;
	v17 =	vld [tilespmem:s2+$0xFFFFFFE0]  }
0x190: {  	[tilespmem:v8+s22+$0x0] =	vst.idx.msk $0xffff, v9;
	v9 =	vld [tilespmem:s1+$0xFFFFFF90];
	v20 =	vadd.s32 v0, v11;
	v5 =	vand.u32 $0x7F, v5  }
0x191: {  	[tilespmem:v16+s22+$0x0] =	vst.idx.msk $0xffff, v12;
	v12 =	vld [tilespmem:s28+$0xFFFFFFD0];
	v16 =	vadd.s32 v0, v5  }
0x192: {  	v22 =	vadd.s32 v3, v10;
	v21 =	vld [tilespmem:s31+$0xFFFFFFC0];
	[tilespmem:v14+s22+$0x0] =	vst.idx.msk $0xffff, v7  }
0x193: {  	v10 =	vadd.s32 v3, v13;
	[tilespmem:v19+s22+$0x0] =	vst.idx.msk $0xffff, v15;
	v8 =	vld [tilespmem:s6+$0x0]  }
0x194: {  	v15 =	vadd.s32 v2, v6;
	v14 =	vld [tilespmem:s0+$0xFFFFFFB0];
	[tilespmem:v18+s22+$0x0] =	vst.idx.msk $0xffff, v17  }
0x195: {  	s8 =	simm.s32 $0xC;
	[tilespmem:v20+s22+$0x0] =	vst.idx.msk $0xffff, v9;
	v9 =	vadd.s32 v2, v4;
	v7 =	vld [tilespmem:s2+$0xFFFFFFF0]  }
0x196: {  	s10 =	simm.s32 $0x7;
	v13 =	vmov s8;
	v18 =	vadd.s32 v1, v11;
	v17 =	vld [tilespmem:s1+$0xFFFFFFA0];
	[tilespmem:v16+s22+$0x0] =	vst.idx.msk $0xffff, v12  }
0x197: {  	s9 =	simm.s32 $0xE;
	v19 =	vmov s10;
	s6 =	simm.s32 $0x3C70;
	v16 =	vand.u32 $0x7E, v13;
	v13 =	vadd.s32 v1, v5;
	[tilespmem:v22+s22+$0x0] =	vst.idx.msk $0xffff, v21;
	v12 =	vld [tilespmem:s28+$0xFFFFFFE0]  }
.LBB2_9:
0x198: {  	p0 =	slt.u32 s9, $0x7E;
	v20 =	vld [tilespmem:s6+$0xFFFFFF90];
	v21 =	vadd.s32 v0, v16;
	v19 =	vand.u32 $0x7F, v19;
	[tilespmem:v10+s22+$0x0] =	vst.idx.msk $0xffff, v8  }
0x199: {  	[tilespmem:v15+s22+$0x0] =	vst.idx.msk $0xffff, v14;
	v22 =	vld [tilespmem:s31+$0xFFFFFFD0];
	v23 =	vadd.s32 v0, v19  }
0x19a: {  	v25 =	vadd.s32 v3, v6;
	v6 =	vmov v11;
	v11 =	vmov v16;
	v24 =	vld [tilespmem:s0+$0xFFFFFFC0];
	[tilespmem:v9+s22+$0x0] =	vst.idx.msk $0xffff, v7  }
.Ltmp6:
0x19b: {  	v10 =	vadd.s32 v3, v4;
	v4 =	vmov v5;
	v5 =	vmov v19;
	[tilespmem:v18+s22+$0x0] =	vst.idx.msk $0xffff, v17;
	v8 =	vld [tilespmem:s2+$0x0];
	s2 =	smov.u32 s28;
	s28 =	smov.u32 s31;
	(pc) =	sbr.rel @p0 .LBB2_9-.Ltmp6, $4  }
0x19c: {  	v15 =	vadd.s32 v2, v6;
	s31 =	smov.u32 s0;
	s0 =	smov.u32 s1;
	v14 =	vld [tilespmem:s1+$0xFFFFFFB0];
	[tilespmem:v13+s22+$0x0] =	vst.idx.msk $0xffff, v12;
	s1 =	smov.u32 s6  }
0x19d: {  	v9 =	vadd.s32 v2, v4;
	[tilespmem:v21+s22+$0x0] =	vst.idx.msk $0xffff, v20;
	v7 =	vld [tilespmem:s2+$0xFFFFFFF0]  }
0x19e: {  	s10 =	sadd.s32 $0x1, s23;
	s23 =	smov.u32 s7;
	s7 =	smov.u32 s8;
	v18 =	vadd.s32 v1, v11;
	v12 =	vmov s9;
	v17 =	vld [tilespmem:s6+$0xFFFFFFA0];
	[tilespmem:v23+s22+$0x0] =	vst.idx.msk $0xffff, v22  }
0x19f: {  	s8 =	smov.u32 s9;
	v19 =	vmov s10;
	v13 =	vadd.s32 v1, v5;
	s9 =	sadd.s32 $0x2, s9;
	v16 =	vand.u32 $0x7E, v12;
	s6 =	sadd.s32 $0x80, s6;
	[tilespmem:v25+s22+$0x0] =	vst.idx.msk $0xffff, v24;
	v12 =	vld [tilespmem:s28+$0xFFFFFFE0]  }
0x1a0: {  	v20 =	vld [tilespmem:s6+$0xFFFFFF90];
	v21 =	vadd.s32 v0, v16;
	_ =	sdelay $0x4  }
0x1a1: {  	[tilespmem:v21+s22+$0x0] =	vst.idx.msk $0xffff, v20  }
0x1a2: {  	v31 =	vadd.s32 v1, v16;
	v20 =	vld [tilespmem:s6+$0xFFFFFFA0];
	_ =	sdelay $0x3  }
0x1a3: {  	[tilespmem:v18+s22+$0x0] =	vst.idx.msk $0xffff, v17  }
0x1a4: {  	v32 =	vadd.s32 v2, v11;
	v17 =	vld [tilespmem:s1+$0xFFFFFFB0];
	[tilespmem:v31+s22+$0x0] =	vst.idx.msk $0xffff, v20  }
0x1a5: {  	v33 =	vadd.s32 v2, v16;
	v20 =	vld [tilespmem:s6+$0xFFFFFFB0];
	_ =	sdelay $0x2  }
0x1a6: {  	[tilespmem:v15+s22+$0x0] =	vst.idx.msk $0xffff, v14  }
0x1a7: {  	v6 =	vadd.s32 v3, v6;
	v14 =	vld [tilespmem:s0+$0xFFFFFFC0];
	[tilespmem:v32+s22+$0x0] =	vst.idx.msk $0xffff, v17  }
0x1a8: {  	v35 =	vadd.s32 v3, v11;
	v34 =	vld [tilespmem:s1+$0xFFFFFFC0];
	[tilespmem:v33+s22+$0x0] =	vst.idx.msk $0xffff, v20  }
0x1a9: {  	v37 =	vadd.s32 v3, v16;
	v36 =	vld [tilespmem:s6+$0xFFFFFFC0]  }
0x1aa: {  	s9 =	sadd.s32 $0x1, s23  }
0x1ab: {  	v19 =	vand.u32 $0x7F, v19;
	s7 =	sadd.s32 $0x1, s7;
	v38 =	vmov s9  }
0x1ac: {  	v40 =	vld [tilespmem:s31+$0xFFFFFFD0];
	s23 =	sadd.s32 $0x1, s8;
	v39 =	vmov s7;
	v22 =	vadd.s32 v0, v19;
	v41 =	vand.u32 $0x7F, v38;
	[tilespmem:v6+s22+$0x0] =	vst.idx.msk $0xffff, v14  }
0x1ad: {  	v42 =	vmov s23;
	v44 =	vand.u32 $0x7F, v39;
	v23 =	vadd.s32 v0, v41;
	v43 =	vld [tilespmem:s0+$0xFFFFFFD0];
	[tilespmem:v35+s22+$0x0] =	vst.idx.msk $0xffff, v34  }
0x1ae: {  	v14 =	vand.u32 $0x7F, v42;
	v15 =	vld [tilespmem:s1+$0xFFFFFFD0];
	v20 =	vadd.s32 v0, v44;
	[tilespmem:v37+s22+$0x0] =	vst.idx.msk $0xffff, v36  }
0x1af: {  	v45 =	vadd.s32 v0, v14;
	v16 =	vld [tilespmem:s6+$0xFFFFFFD0];
	_ =	sdelay $0x1  }
0x1b0: {  	[tilespmem:v22+s22+$0x0] =	vst.idx.msk $0xffff, v40  }
0x1b1: {  	v47 =	vadd.s32 v1, v19;
	v46 =	vld [tilespmem:s31+$0xFFFFFFE0];
	[tilespmem:v23+s22+$0x0] =	vst.idx.msk $0xffff, v43  }
0x1b2: {  	v49 =	vadd.s32 v1, v41;
	v48 =	vld [tilespmem:s0+$0xFFFFFFE0];
	[tilespmem:v20+s22+$0x0] =	vst.idx.msk $0xffff, v15  }
0x1b3: {  	v51 =	vadd.s32 v1, v44;
	v50 =	vld [tilespmem:s1+$0xFFFFFFE0];
	[tilespmem:v45+s22+$0x0] =	vst.idx.msk $0xffff, v16  }
0x1b4: {  	[tilespmem:v10+s22+$0x0] =	vst.idx.msk $0xffff, v8;
	v53 =	vadd.s32 v1, v14;
	v52 =	vld [tilespmem:s6+$0xFFFFFFE0]  }
0x1b5: {  	[tilespmem:v13+s22+$0x0] =	vst.idx.msk $0xffff, v12  }
0x1b6: {  	v54 =	vadd.s32 v2, v5;
	v12 =	vld [tilespmem:s28+$0xFFFFFFF0];
	[tilespmem:v47+s22+$0x0] =	vst.idx.msk $0xffff, v46  }
0x1b7: {  	v55 =	vadd.s32 v2, v19;
	v18 =	vld [tilespmem:s31+$0xFFFFFFF0];
	[tilespmem:v49+s22+$0x0] =	vst.idx.msk $0xffff, v48  }
0x1b8: {  	v56 =	vadd.s32 v2, v41;
	v15 =	vld [tilespmem:s0+$0xFFFFFFF0];
	[tilespmem:v51+s22+$0x0] =	vst.idx.msk $0xffff, v50  }
0x1b9: {  	v57 =	vadd.s32 v2, v44;
	v16 =	vld [tilespmem:s1+$0xFFFFFFF0];
	[tilespmem:v53+s22+$0x0] =	vst.idx.msk $0xffff, v52  }
0x1ba: {  	[tilespmem:v9+s22+$0x0] =	vst.idx.msk $0xffff, v7;
	v59 =	vadd.s32 v2, v14;
	v58 =	vld [tilespmem:s6+$0xFFFFFFF0]  }
0x1bb: {  	v4 =	vadd.s32 v3, v4;
	v9 =	vld [tilespmem:s2+$0x0];
	[tilespmem:v54+s22+$0x0] =	vst.idx.msk $0xffff, v12  }
0x1bc: {  	v5 =	vadd.s32 v3, v5;
	v60 =	vld [tilespmem:s28+$0x0];
	[tilespmem:v55+s22+$0x0] =	vst.idx.msk $0xffff, v18  }
0x1bd: {  	v62 =	vadd.s32 v3, v19;
	v61 =	vld [tilespmem:s31+$0x0];
	[tilespmem:v56+s22+$0x0] =	vst.idx.msk $0xffff, v15  }
0x1be: {  	v6 =	vadd.s32 v3, v41;
	v15 =	vld [tilespmem:s0+$0x0];
	[tilespmem:v57+s22+$0x0] =	vst.idx.msk $0xffff, v16  }
0x1bf: {  	v11 =	vadd.s32 v3, v44;
	v16 =	vld [tilespmem:s1+$0x0];
	[tilespmem:v59+s22+$0x0] =	vst.idx.msk $0xffff, v58  }
0x1c0: {  	[tilespmem:v4+s22+$0x0] =	vst.idx.msk $0xffff, v9;
	v63 =	vadd.s32 v3, v14;
	v4 =	vld [tilespmem:s6+$0x0]  }
0x1c1: {  	[tilespmem:v5+s22+$0x0] =	vst.idx.msk $0xffff, v60  }
0x1c2: {  	[tilespmem:v62+s22+$0x0] =	vst.idx.msk $0xffff, v61  }
0x1c3: {  	[tilespmem:v6+s22+$0x0] =	vst.idx.msk $0xffff, v15  }
0x1c4: {  	[tilespmem:v11+s22+$0x0] =	vst.idx.msk $0xffff, v16  }
0x1c5: {  	s0 =	sadd.s32 s26, s14;
	[tilespmem:v63+s22+$0x0] =	vst.idx.msk $0xffff, v4  }
0x1c6: {  	[hbm4b:s0+s3] =	stream.linear.scatter [tilespmem:s22], [sflag:$0x4], $0x80, $0x38;
	[tilespmem:$0x9D00] =	vst v63  }
0x1c7: {  	s7 =	simm.s32 $0x7B88;
	s6 =	sadd.s32 $0x10, s0  }
0x1c8: {  	[hbm4b:s6+s3] =	stream.linear.scatter [tilespmem:s7], [sflag:$0x4], $0x80, $0x38;
	[tilespmem:$0x9D00] =	vst v63  }
0x1c9: {  	s9 =	simm.s32 $0x7C10;
	s8 =	sadd.s32 $0x20, s0  }
0x1ca: {  	[hbm4b:s8+s3] =	stream.linear.scatter [tilespmem:s9], [sflag:$0x4], $0x80, $0x38;
	[tilespmem:$0x9D00] =	vst v63  }
0x1cb: {  	s23 =	simm.s32 $0x7C98;
	s10 =	sadd.s32 $0x30, s0  }
0x1cc: {  	[hbm4b:s10+s3] =	stream.linear.scatter [tilespmem:s23], [sflag:$0x4], $0x80, $0x38;
	[tilespmem:$0x9D00] =	vst v63  }
0x1cd: {  	s31 =	simm.s32 $0x7D20;
	s28 =	sadd.s32 $0x40, s0  }
0x1ce: {  	[hbm4b:s28+s3] =	stream.linear.scatter [tilespmem:s31], [sflag:$0x4], $0x80, $0x38;
	[tilespmem:$0x9D00] =	vst v63  }
0x1cf: {  	s6 =	sadd.s32 $0x50, s0;
	s7 =	simm.s32 $0x7DA8  }
0x1d0: {  	[hbm4b:s6+s3] =	stream.linear.scatter [tilespmem:s7], [sflag:$0x4], $0x80, $0x38;
	[tilespmem:$0x9D00] =	vst v63  }
0x1d1: {  	s8 =	sadd.s32 $0x60, s0;
	s9 =	simm.s32 $0x7E30  }
0x1d2: {  	[hbm4b:s8+s3] =	stream.linear.scatter [tilespmem:s9], [sflag:$0x4], $0x80, $0x38;
	[tilespmem:$0x9D00] =	vst v63  }
0x1d3: {  	s0 =	sadd.s32 $0x70, s0;
	s10 =	simm.s32 $0x7EB8  }
0x1d4: {  	[hbm4b:s0+s3] =	stream.linear.scatter [tilespmem:s10], [sflag:$0x4], $0x80, $0x38;
	[tilespmem:$0x9D00] =	vst v63  }
0x1d5: {  	s23 =	simm.s32 $0x7F40;
	s0 =	sadd.s32 s26, s15  }
0x1d6: {  	[hbm4b:s0+s3] =	stream.linear.scatter [tilespmem:s23], [sflag:$0x4], $0x80, $0x38;
	[tilespmem:$0x9D00] =	vst v63  }
0x1d7: {  	s31 =	simm.s32 $0x7FC8;
	s28 =	sadd.s32 $0x10, s0  }
0x1d8: {  	[hbm4b:s28+s3] =	stream.linear.scatter [tilespmem:s31], [sflag:$0x4], $0x80, $0x38;
	[tilespmem:$0x9D00] =	vst v63  }
0x1d9: {  	s7 =	simm.s32 $0x8050;
	s6 =	sadd.s32 $0x20, s0  }
0x1da: {  	[hbm4b:s6+s3] =	stream.linear.scatter [tilespmem:s7], [sflag:$0x4], $0x80, $0x38;
	[tilespmem:$0x9D00] =	vst v63  }
0x1db: {  	s9 =	simm.s32 $0x80D8;
	s8 =	sadd.s32 $0x30, s0  }
0x1dc: {  	[hbm4b:s8+s3] =	stream.linear.scatter [tilespmem:s9], [sflag:$0x4], $0x80, $0x38;
	[tilespmem:$0x9D00] =	vst v63  }
0x1dd: {  	s10 =	sadd.s32 $0x40, s0;
	s23 =	simm.s32 $0x8160  }
0x1de: {  	[hbm4b:s10+s3] =	stream.linear.scatter [tilespmem:s23], [sflag:$0x4], $0x80, $0x38;
	[tilespmem:$0x9D00] =	vst v63  }
0x1df: {  	s28 =	sadd.s32 $0x50, s0;
	s31 =	simm.s32 $0x81E8  }
0x1e0: {  	[hbm4b:s28+s3] =	stream.linear.scatter [tilespmem:s31], [sflag:$0x4], $0x80, $0x38;
	[tilespmem:$0x9D00] =	vst v63  }
0x1e1: {  	s6 =	sadd.s32 $0x60, s0;
	s7 =	simm.s32 $0x8270  }
0x1e2: {  	[hbm4b:s6+s3] =	stream.linear.scatter [tilespmem:s7], [sflag:$0x4], $0x80, $0x38;
	[tilespmem:$0x9D00] =	vst v63  }
0x1e3: {  	s0 =	sadd.s32 $0x70, s0;
	s8 =	simm.s32 $0x82F8  }
0x1e4: {  	[hbm4b:s0+s3] =	stream.linear.scatter [tilespmem:s8], [sflag:$0x4], $0x80, $0x38;
	[tilespmem:$0x9D00] =	vst v63  }
0x1e5: {  	s9 =	simm.s32 $0x8380;
	s0 =	sadd.s32 s26, s16  }
0x1e6: {  	[hbm4b:s0+s3] =	stream.linear.scatter [tilespmem:s9], [sflag:$0x4], $0x80, $0x38;
	[tilespmem:$0x9D00] =	vst v63  }
0x1e7: {  	s23 =	simm.s32 $0x8408;
	s10 =	sadd.s32 $0x10, s0  }
0x1e8: {  	[hbm4b:s10+s3] =	stream.linear.scatter [tilespmem:s23], [sflag:$0x4], $0x80, $0x38;
	[tilespmem:$0x9D00] =	vst v63  }
0x1e9: {  	s31 =	simm.s32 $0x8490;
	s28 =	sadd.s32 $0x20, s0  }
0x1ea: {  	[hbm4b:s28+s3] =	stream.linear.scatter [tilespmem:s31], [sflag:$0x4], $0x80, $0x38;
	[tilespmem:$0x9D00] =	vst v63  }
0x1eb: {  	s6 =	simm.s32 $0x8518;
	s2 =	sadd.s32 $0x30, s0  }
0x1ec: {  	[hbm4b:s2+s3] =	stream.linear.scatter [tilespmem:s6], [sflag:$0x4], $0x80, $0x38;
	[tilespmem:$0x9D00] =	vst v63  }
0x1ed: {  	s8 =	simm.s32 $0x85A0;
	s7 =	sadd.s32 $0x40, s0  }
0x1ee: {  	[hbm4b:s7+s3] =	stream.linear.scatter [tilespmem:s8], [sflag:$0x4], $0x80, $0x38;
	[tilespmem:$0x9D00] =	vst v63  }
0x1ef: {  	s9 =	sadd.s32 $0x50, s0;
	s10 =	simm.s32 $0x8628  }
0x1f0: {  	[hbm4b:s9+s3] =	stream.linear.scatter [tilespmem:s10], [sflag:$0x4], $0x80, $0x38;
	[tilespmem:$0x9D00] =	vst v63  }
0x1f1: {  	s23 =	sadd.s32 $0x60, s0;
	s28 =	simm.s32 $0x86B0  }
0x1f2: {  	[hbm4b:s23+s3] =	stream.linear.scatter [tilespmem:s28], [sflag:$0x4], $0x80, $0x38;
	[tilespmem:$0x9D00] =	vst v63  }
0x1f3: {  	s0 =	sadd.s32 $0x70, s0;
	s31 =	simm.s32 $0x8738  }
0x1f4: {  	[hbm4b:s0+s3] =	stream.linear.scatter [tilespmem:s31], [sflag:$0x4], $0x80, $0x38;
	[tilespmem:$0x9D00] =	vst v63  }
0x1f5: {  	s2 =	simm.s32 $0x87C0;
	s0 =	sadd.s32 s26, s17  }
0x1f6: {  	[hbm4b:s0+s3] =	stream.linear.scatter [tilespmem:s2], [sflag:$0x4], $0x80, $0x38;
	[tilespmem:$0x9D00] =	vst v63  }
0x1f7: {  	s7 =	simm.s32 $0x8848;
	s6 =	sadd.s32 $0x10, s0  }
0x1f8: {  	[hbm4b:s6+s3] =	stream.linear.scatter [tilespmem:s7], [sflag:$0x4], $0x80, $0x38;
	[tilespmem:$0x9D00] =	vst v63  }
0x1f9: {  	s9 =	simm.s32 $0x88D0;
	s8 =	sadd.s32 $0x20, s0  }
0x1fa: {  	[hbm4b:s8+s3] =	stream.linear.scatter [tilespmem:s9], [sflag:$0x4], $0x80, $0x38;
	[tilespmem:$0x9D00] =	vst v63  }
0x1fb: {  	s23 =	simm.s32 $0x8958;
	s10 =	sadd.s32 $0x30, s0  }
0x1fc: {  	[hbm4b:s10+s3] =	stream.linear.scatter [tilespmem:s23], [sflag:$0x4], $0x80, $0x38;
	[tilespmem:$0x9D00] =	vst v63  }
0x1fd: {  	s31 =	simm.s32 $0x89E0;
	s28 =	sadd.s32 $0x40, s0  }
0x1fe: {  	[hbm4b:s28+s3] =	stream.linear.scatter [tilespmem:s31], [sflag:$0x4], $0x80, $0x38;
	[tilespmem:$0x9D00] =	vst v63  }
0x1ff: {  	s6 =	sadd.s32 $0x50, s0;
	s7 =	simm.s32 $0x8A68  }
0x200: {  	[hbm4b:s6+s3] =	stream.linear.scatter [tilespmem:s7], [sflag:$0x4], $0x80, $0x38;
	[tilespmem:$0x9D00] =	vst v63  }
0x201: {  	s8 =	sadd.s32 $0x60, s0;
	s9 =	simm.s32 $0x8AF0  }
0x202: {  	[hbm4b:s8+s3] =	stream.linear.scatter [tilespmem:s9], [sflag:$0x4], $0x80, $0x38;
	[tilespmem:$0x9D00] =	vst v63  }
0x203: {  	s0 =	sadd.s32 $0x70, s0;
	s10 =	simm.s32 $0x8B78  }
0x204: {  	[hbm4b:s0+s3] =	stream.linear.scatter [tilespmem:s10], [sflag:$0x4], $0x80, $0x38;
	[tilespmem:$0x9D00] =	vst v63  }
0x205: {  	s23 =	simm.s32 $0x8C00;
	s0 =	sadd.s32 s26, s18  }
0x206: {  	[hbm4b:s0+s3] =	stream.linear.scatter [tilespmem:s23], [sflag:$0x4], $0x80, $0x38;
	[tilespmem:$0x9D00] =	vst v63  }
0x207: {  	s31 =	simm.s32 $0x8C88;
	s28 =	sadd.s32 $0x10, s0  }
0x208: {  	[hbm4b:s28+s3] =	stream.linear.scatter [tilespmem:s31], [sflag:$0x4], $0x80, $0x38;
	[tilespmem:$0x9D00] =	vst v63  }
0x209: {  	s7 =	simm.s32 $0x8D10;
	s6 =	sadd.s32 $0x20, s0  }
0x20a: {  	[hbm4b:s6+s3] =	stream.linear.scatter [tilespmem:s7], [sflag:$0x4], $0x80, $0x38;
	[tilespmem:$0x9D00] =	vst v63  }
0x20b: {  	s9 =	simm.s32 $0x8D98;
	s8 =	sadd.s32 $0x30, s0  }
0x20c: {  	[hbm4b:s8+s3] =	stream.linear.scatter [tilespmem:s9], [sflag:$0x4], $0x80, $0x38;
	[tilespmem:$0x9D00] =	vst v63  }
0x20d: {  	s10 =	sadd.s32 $0x40, s0;
	s23 =	simm.s32 $0x8E20  }
0x20e: {  	[hbm4b:s10+s3] =	stream.linear.scatter [tilespmem:s23], [sflag:$0x4], $0x80, $0x38;
	[tilespmem:$0x9D00] =	vst v63  }
0x20f: {  	s28 =	sadd.s32 $0x50, s0;
	s31 =	simm.s32 $0x8EA8  }
0x210: {  	[hbm4b:s28+s3] =	stream.linear.scatter [tilespmem:s31], [sflag:$0x4], $0x80, $0x38;
	[tilespmem:$0x9D00] =	vst v63  }
0x211: {  	s6 =	sadd.s32 $0x60, s0;
	s7 =	simm.s32 $0x8F30  }
0x212: {  	[hbm4b:s6+s3] =	stream.linear.scatter [tilespmem:s7], [sflag:$0x4], $0x80, $0x38;
	[tilespmem:$0x9D00] =	vst v63  }
0x213: {  	s0 =	sadd.s32 $0x70, s0;
	s8 =	simm.s32 $0x8FB8  }
0x214: {  	[hbm4b:s0+s3] =	stream.linear.scatter [tilespmem:s8], [sflag:$0x4], $0x80, $0x38;
	[tilespmem:$0x9D00] =	vst v63  }
0x215: {  	s9 =	simm.s32 $0x9040;
	s0 =	sadd.s32 s26, s19  }
0x216: {  	[hbm4b:s0+s3] =	stream.linear.scatter [tilespmem:s9], [sflag:$0x4], $0x80, $0x38;
	[tilespmem:$0x9D00] =	vst v63  }
0x217: {  	s23 =	simm.s32 $0x90C8;
	s10 =	sadd.s32 $0x10, s0  }
0x218: {  	[hbm4b:s10+s3] =	stream.linear.scatter [tilespmem:s23], [sflag:$0x4], $0x80, $0x38;
	[tilespmem:$0x9D00] =	vst v63  }
0x219: {  	s31 =	simm.s32 $0x9150;
	s28 =	sadd.s32 $0x20, s0  }
0x21a: {  	[hbm4b:s28+s3] =	stream.linear.scatter [tilespmem:s31], [sflag:$0x4], $0x80, $0x38;
	[tilespmem:$0x9D00] =	vst v63  }
0x21b: {  	s6 =	simm.s32 $0x91D8;
	s2 =	sadd.s32 $0x30, s0  }
0x21c: {  	[hbm4b:s2+s3] =	stream.linear.scatter [tilespmem:s6], [sflag:$0x4], $0x80, $0x38;
	[tilespmem:$0x9D00] =	vst v63  }
0x21d: {  	s8 =	simm.s32 $0x9260;
	s7 =	sadd.s32 $0x40, s0  }
0x21e: {  	[hbm4b:s7+s3] =	stream.linear.scatter [tilespmem:s8], [sflag:$0x4], $0x80, $0x38;
	[tilespmem:$0x9D00] =	vst v63  }
0x21f: {  	s9 =	sadd.s32 $0x50, s0;
	s10 =	simm.s32 $0x92E8  }
0x220: {  	[hbm4b:s9+s3] =	stream.linear.scatter [tilespmem:s10], [sflag:$0x4], $0x80, $0x38;
	[tilespmem:$0x9D00] =	vst v63  }
0x221: {  	s23 =	sadd.s32 $0x60, s0;
	s28 =	simm.s32 $0x9370  }
0x222: {  	[hbm4b:s23+s3] =	stream.linear.scatter [tilespmem:s28], [sflag:$0x4], $0x80, $0x38;
	[tilespmem:$0x9D00] =	vst v63  }
0x223: {  	s0 =	sadd.s32 $0x70, s0;
	s31 =	simm.s32 $0x93F8  }
0x224: {  	[hbm4b:s0+s3] =	stream.linear.scatter [tilespmem:s31], [sflag:$0x4], $0x80, $0x38;
	[tilespmem:$0x9D00] =	vst v63  }
0x225: {  	s2 =	simm.s32 $0x9480;
	s0 =	sadd.s32 s26, s20  }
0x226: {  	[hbm4b:s0+s3] =	stream.linear.scatter [tilespmem:s2], [sflag:$0x4], $0x80, $0x38;
	[tilespmem:$0x9D00] =	vst v63  }
0x227: {  	s7 =	simm.s32 $0x9508;
	s6 =	sadd.s32 $0x10, s0  }
0x228: {  	[hbm4b:s6+s3] =	stream.linear.scatter [tilespmem:s7], [sflag:$0x4], $0x80, $0x38;
	[tilespmem:$0x9D00] =	vst v63  }
0x229: {  	s9 =	simm.s32 $0x9590;
	s8 =	sadd.s32 $0x20, s0  }
0x22a: {  	[hbm4b:s8+s3] =	stream.linear.scatter [tilespmem:s9], [sflag:$0x4], $0x80, $0x38;
	[tilespmem:$0x9D00] =	vst v63  }
0x22b: {  	s23 =	simm.s32 $0x9618;
	s10 =	sadd.s32 $0x30, s0  }
0x22c: {  	[hbm4b:s10+s3] =	stream.linear.scatter [tilespmem:s23], [sflag:$0x4], $0x80, $0x38;
	[tilespmem:$0x9D00] =	vst v63  }
0x22d: {  	s31 =	simm.s32 $0x96A0;
	s28 =	sadd.s32 $0x40, s0  }
0x22e: {  	[hbm4b:s28+s3] =	stream.linear.scatter [tilespmem:s31], [sflag:$0x4], $0x80, $0x38;
	[tilespmem:$0x9D00] =	vst v63  }
0x22f: {  	s2 =	sadd.s32 $0x50, s0;
	s6 =	simm.s32 $0x9728  }
0x230: {  	[hbm4b:s2+s3] =	stream.linear.scatter [tilespmem:s6], [sflag:$0x4], $0x80, $0x38;
	[tilespmem:$0x9D00] =	vst v63  }
0x231: {  	s7 =	sadd.s32 $0x60, s0;
	s8 =	simm.s32 $0x97B0  }
0x232: {  	[hbm4b:s7+s3] =	stream.linear.scatter [tilespmem:s8], [sflag:$0x4], $0x80, $0x38;
	[tilespmem:$0x9D00] =	vst v63  }
0x233: {  	s0 =	sadd.s32 $0x70, s0;
	s9 =	simm.s32 $0x9838  }
0x234: {  	[hbm4b:s0+s3] =	stream.linear.scatter [tilespmem:s9], [sflag:$0x4], $0x80, $0x38;
	[tilespmem:$0x9D00] =	vst v63  }
0x235: {  	s10 =	simm.s32 $0x98C0;
	s0 =	sadd.s32 s26, s21  }
0x236: {  	[hbm4b:s0+s3] =	stream.linear.scatter [tilespmem:s10], [sflag:$0x4], $0x80, $0x38;
	[tilespmem:$0x9D00] =	vst v63  }
0x237: {  	s26 =	simm.s32 $0x9948;
	s23 =	sadd.s32 $0x10, s0  }
0x238: {  	[hbm4b:s23+s3] =	stream.linear.scatter [tilespmem:s26], [sflag:$0x4], $0x80, $0x38;
	[tilespmem:$0x9D00] =	vst v63  }
0x239: {  	s31 =	simm.s32 $0x99D0;
	s28 =	sadd.s32 $0x20, s0  }
0x23a: {  	[hbm4b:s28+s3] =	stream.linear.scatter [tilespmem:s31], [sflag:$0x4], $0x80, $0x38;
	[tilespmem:$0x9D00] =	vst v63  }
0x23b: {  	s7 =	simm.s32 $0x9A58;
	s6 =	sadd.s32 $0x30, s0  }
0x23c: {  	[hbm4b:s6+s3] =	stream.linear.scatter [tilespmem:s7], [sflag:$0x4], $0x80, $0x38;
	[tilespmem:$0x9D00] =	vst v63  }
0x23d: {  	s9 =	simm.s32 $0x9AE0;
	s8 =	sadd.s32 $0x40, s0  }
0x23e: {  	[hbm4b:s8+s3] =	stream.linear.scatter [tilespmem:s9], [sflag:$0x4], $0x80, $0x38;
	[tilespmem:$0x9D00] =	vst v63  }
0x23f: {  	p0 =	seq.s32 s25, $0x18;
	s10 =	sadd.s32 $0x50, s0;
	s23 =	simm.s32 $0x9B68  }
0x240: {  	[hbm4b:s10+s3] =	stream.linear.scatter [tilespmem:s23], [sflag:$0x4], $0x80, $0x38;
	[tilespmem:$0x9D00] =	vst v63  }
.Ltmp7:
0x241: {  	_ = 	snop;
	(pc) =	sbr.rel @p0 .LBB2_12-.Ltmp7, $4  }
0x242: {  	s26 =	sadd.s32 $0x60, s0;
	s28 =	simm.s32 $0x9BF0  }
0x243: {  	[hbm4b:s26+s3] =	stream.linear.scatter [tilespmem:s28], [sflag:$0x4], $0x80, $0x38;
	[tilespmem:$0x9D00] =	vst v63  }
0x244: {  	s0 =	sadd.s32 $0x70, s0;
	s31 =	simm.s32 $0x9C78  }
0x245: {  	[hbm4b:s0+s3] =	stream.linear.scatter [tilespmem:s31], [sflag:$0x4], $0x80, $0x38;
	[tilespmem:$0x9D00] =	vst v63  }
.Ltmp8:
0x246: {  	(pc) =	sbr.rel .LBB2_2-.Ltmp8, $4  }
0x247: {  	s0 =	sshll.u32 s25, $0x8  }
0x248: {  	s1 =	simm.s32 $0x80;
	s0 =	sand.u32 $0x3FFFFF00, s0  }
0x249: {  	s2 =	simm.s32 $0x3900;
	s25 =	sadd.s32 $0x1, s25;
	s0 =	sadd.s32 $0x180, s0  }
0x24a: {  	[tilespmem:s2], [sflag:$0x2] =	stream.indirect.gather [hbm4b:s4+s1], $0x40, s0, s1, $0xb8;
	[tilespmem:$0x9D00] =	vst v63  }
.LBB2_13:
0x24b: {  	_ =	sfence.sel $0x180000  }
0x24c: {  	[bflag:$0x0] =	sbarrier.arrive $0xFFFF  }
0x24d: {  	_ =	strace $0x90000047  }
0x24e: {  	s0 =	stileid.u32;
	[bflag:$0x2] =	sbarrier.arrive $0xFFFF  }
0x24f: {  	p0 =	sne.s32 s0, $0x0;
	s0 =	rddreg [dreg:$0x2]  }
0x250: {  	s0 =	sadd.s32 @!p0 $0x100000, s0  }
0x251: {  	[sflag:s0] =	ssyncadd.tile.s32 @!p0 $0x1;
	_ =	shalt  }
.Lfunc_end2:
_tile_overlayer_lowered:
.L_overlay_start_2:
0x252: {  	(tag) =	ssettag $0x2  }
0x253: {  	s0 =	rddreg [dreg:$0x0];
	s2 =	stileid.u32  }
0x254: {  	s1 =	rddreg [dreg:$0x1];
	p0 =	sne.s32 s2, $0x0  }
0x255: {  	s3 =	rddreg [dreg:$0x2];
	[bflag:$0x3] =	sbarrier.arrive $0xFFFF;
	s2 =	simm.s32 @!p0 $0x1C05  }
0x256: {  	[timem:s3], [sflag:s2] =	dma.local @!p0 [hbm:s0], s1  }
0x257: {  	s0 =	simm.s32 @!p0 $0x5  }
0x258: {  	_ =	swait.ge @!p0 [sflag:s0], s1  }
0x259: {  	s1 =	ssub.s32 @!p0 $0x0, s1;
	[sflag:s0] =	ssyncset.done @!p0 $0x0  }
0x25a: {  	[sflag:s0] =	ssyncadd.s32 @!p0 s1  }
0x25b: {  	[bflag:$0x3] =	sbarrier.arrive $0xFFFF  }
0x25c: {  	_ =	shalt  }

</sc_bundles>
